<compile_context>
chip_gen: v7x
topology: tpu7x:2x2x1
jax: 0.10.2.dev20260603
libtpu: 0.0.44.dev20260713+nightly
codegen_flags: <defaults>
</compile_context>

<pallas_src>
import jax
import jax.numpy as jnp
from jax import lax
from jax.experimental import pallas as pl
from jax.experimental.pallas import tpu as pltpu
from jax.experimental.pallas import tpu_sc as plsc

N = 10000
D = 128
E = 320000

NC = 2
NS = 16
NW = NC * NS
C = 80
CH = 126
EPW = CH * C
EP = NW * EPW
NP = N + 128
RB = 624

_mesh = plsc.VectorSubcoreMesh(core_axis_name="c", subcore_axis_name="s")


def _zero_acc(zsrc_hbm, acc, s):
    pltpu.sync_copy(zsrc_hbm.at[pl.ds(s * RB, RB)], acc.at[pl.ds(s * RB, RB)])

    @pl.when(s == NS - 1)
    def _():
        t0 = NS * RB
        pltpu.sync_copy(zsrc_hbm.at[pl.ds(t0, NP - t0)], acc.at[pl.ds(t0, NP - t0)])


def _copy_out(acc, out_hbm, c, s):
    pltpu.sync_copy(acc.at[pl.ds(s * RB, RB)], out_hbm.at[c, pl.ds(s * RB, RB)])

    @pl.when(s == NS - 1)
    def _():
        t0 = NS * RB
        pltpu.sync_copy(acc.at[pl.ds(t0, N - t0)], out_hbm.at[c, pl.ds(t0, N - t0)])


def _extract_chunk(packed, j, idx32, rs, rd):
    for k in range(C // 16):
        wv = packed[j, pl.ds(16 * k, 16)]
        idx32[rs, pl.ds(16 * k, 16)] = wv & 0xFFFF
        idx32[rd, pl.ds(16 * k, 16)] = lax.shift_right_logical(wv, 16)


def _sc_agg_body(x_hbm, edges_hbm, zacc_hbm, out_hbm,
                 packed, idx32, rows_0, rows_1, rows_2, acc, sem_0, sem_1, sem_2):
    c = lax.axis_index("c")
    s = lax.axis_index("s")
    w = s * NC + c
    rows = (rows_0, rows_1, rows_2)
    sems = (sem_0, sem_1, sem_2)
    _zero_acc(zacc_hbm, acc, s)
    pltpu.sync_copy(edges_hbm.at[w], packed)
    plsc.subcore_barrier()

    _extract_chunk(packed, 0, idx32, 0, 3)
    pltpu.async_copy(x_hbm.at[idx32.at[0]], rows_0, sem_0)
    _extract_chunk(packed, 1, idx32, 1, 4)
    pltpu.async_copy(x_hbm.at[idx32.at[1]], rows_1, sem_1)

    def step(g, carry):
        for k in range(3):
            cj = 3 * g + k
            kn = (k + 2) % 3
            pltpu.make_async_copy(x_hbm.at[idx32.at[k]], rows[k], sems[k]).wait()

            @pl.when(cj + 2 < CH)
            def _():
                _extract_chunk(packed, cj + 2, idx32, kn, 3 + kn)
                pltpu.async_copy(x_hbm.at[idx32.at[kn]], rows[kn], sems[kn])

            pltpu.sync_copy(rows[k], acc.at[idx32.at[3 + k]], add=True)
        return carry

    lax.fori_loop(0, CH // 3, step, 0)
    plsc.subcore_barrier()
    _copy_out(acc, out_hbm, c, s)


_sc_agg = pl.kernel(
    _sc_agg_body,
    out_type=jax.ShapeDtypeStruct((NC, N, D), jnp.float32),
    mesh=_mesh,
    scratch_types=[
        pltpu.VMEM((CH, C), jnp.int32),
        pltpu.VMEM((6, C), jnp.int32),
        pltpu.VMEM((C, D), jnp.float32),
        pltpu.VMEM((C, D), jnp.float32),
        pltpu.VMEM((C, D), jnp.float32),
        pltpu.VMEM_SHARED((NP, D), jnp.float32),
        pltpu.SemaphoreType.DMA,
        pltpu.SemaphoreType.DMA,
        pltpu.SemaphoreType.DMA,
    ],
)


def _sc_count_body(edges_hbm, zacc_hbm, ones_hbm, out_hbm, packed, idx32, onesv, acc):
    c = lax.axis_index("c")
    s = lax.axis_index("s")
    w = s * NC + c
    _zero_acc(zacc_hbm, acc, s)
    pltpu.sync_copy(ones_hbm, onesv)
    pltpu.sync_copy(edges_hbm.at[w], packed)
    plsc.subcore_barrier()

    def step(j, carry):
        _extract_chunk(packed, j, idx32, 0, 1)
        pltpu.sync_copy(onesv, acc.at[idx32.at[1]], add=True)
        return carry

    lax.fori_loop(0, CH, step, 0)
    plsc.subcore_barrier()
    _copy_out(acc, out_hbm, c, s)


_sc_count = pl.kernel(
    _sc_count_body,
    out_type=jax.ShapeDtypeStruct((NC, N, D), jnp.float32),
    mesh=_mesh,
    scratch_types=[
        pltpu.VMEM((CH, C), jnp.int32),
        pltpu.VMEM((4, C), jnp.int32),
        pltpu.VMEM((C, D), jnp.float32),
        pltpu.VMEM_SHARED((NP, D), jnp.float32),
    ],
)


def _tc_layer_body(part_ref, cntp_ref, x_ref, wl_ref, bl_ref, wr_ref, relu_ref, o_ref):
    agg = part_ref[0] + part_ref[1]
    cnt = cntp_ref[0, :, :1] + cntp_ref[1, :, :1]
    mean = agg / jnp.maximum(cnt, 1.0)
    y = (lax.dot_general(mean, wl_ref[...], (((1,), (1,)), ((), ())),
                         preferred_element_type=jnp.float32)
         + bl_ref[...]
         + lax.dot_general(x_ref[...], wr_ref[...], (((1,), (1,)), ((), ())),
                           preferred_element_type=jnp.float32))
    o_ref[...] = jnp.where(relu_ref[0, 0] > 0, jnp.maximum(y, 0.0), y)


def _tc_layer(relu, part, cntp, x, wl, bl, wr):
    flag = jnp.full((1, 1), 1.0 if relu else 0.0, jnp.float32)
    return pl.pallas_call(
        _tc_layer_body,
        out_shape=jax.ShapeDtypeStruct((N, D), jnp.float32),
    )(part, cntp, x, wl, bl, wr, flag)


def kernel(x, edge_index, Wl1, bl1, Wr1, Wl2, bl2, Wr2):
    src = edge_index[0].astype(jnp.int32)
    dst = edge_index[1].astype(jnp.int32)
    pad = EP - E
    pidx = jnp.arange(pad, dtype=jnp.int32) % 128
    srcp = jnp.concatenate([src, pidx])
    dstp = jnp.concatenate([dst, N + pidx])
    edges = (srcp | (dstp << 16)).reshape(NW, CH, C)
    zacc = jnp.zeros((NP, D), jnp.float32)
    ones = jnp.ones((C, D), jnp.float32)

    cntp = _sc_count(edges, zacc, ones)
    part1 = _sc_agg(x, edges, zacc)
    h = _tc_layer(True, part1, cntp, x, Wl1, bl1.reshape(1, D), Wr1)
    part2 = _sc_agg(h, edges, zacc)
    out = _tc_layer(False, part2, cntp, h, Wl2, bl2.reshape(1, D), Wr2)
    return out

# --- scband reference (transcript-rebuilt; emitter-appended) ---
"""Pipeline reference for scband-gnnencoder-2559800508812 (READ-ONLY COPY).

The authoritative reference and input builder live on the scoring server;
editing this copy changes nothing except your own understanding.
"""

import jax, jax.numpy as jnp
import numpy as np

N = 10000
E = 320000
D = 128
H = 128
O = 128

def setup_inputs(seed: int = 0) -> dict:
    key = jax.random.key(seed)
    ks = jax.random.split(key, 8)
    x = jax.random.normal(ks[0], (N, D), dtype=jnp.float32)
    edge_index = jax.random.randint(ks[1], (2, E), 0, N, dtype=jnp.int64)
    s1 = 1.0 / np.sqrt(D)
    s2 = 1.0 / np.sqrt(H)
    Wl1 = jax.random.uniform(ks[2], (H, D), jnp.float32, -s1, s1)
    bl1 = jnp.zeros((H,), jnp.float32)
    Wr1 = jax.random.uniform(ks[3], (H, D), jnp.float32, -s1, s1)
    Wl2 = jax.random.uniform(ks[4], (O, H), jnp.float32, -s2, s2)
    bl2 = jnp.zeros((O,), jnp.float32)
    Wr2 = jax.random.uniform(ks[5], (O, H), jnp.float32, -s2, s2)
    return {"x": x, "edge_index": edge_index, "Wl1": Wl1, "bl1": bl1, "Wr1": Wr1, "Wl2": Wl2, "bl2": bl2, "Wr2": Wr2}

def _sage_conv(x, edge_index, Wl, bl, Wr):
    # PyG SAGEConv (mean aggr): out = lin_l(mean_{j in N(i)} x_j) + lin_r(x_i)
    src = edge_index[0]
    dst = edge_index[1]
    msg = jnp.take(x, src, axis=0)
    summed = jax.ops.segment_sum(msg, dst, num_segments=N)
    cnt = jax.ops.segment_sum(jnp.ones((msg.shape[0],), jnp.float32), dst, num_segments=N)
    mean = summed / jnp.clip(cnt, 1.0)[:, None]
    return mean @ Wl.T + bl + x @ Wr.T

def reference(x, edge_index, Wl1, bl1, Wr1, Wl2, bl2, Wr2):
    h = _sage_conv(x, edge_index, Wl1, bl1, Wr1)
    h = jax.nn.relu(h)
    out = _sage_conv(h, edge_index, Wl2, bl2, Wr2)
    return out

if __name__ == "__main__":
    import jax
    _d = setup_inputs()
    print(jax.jit(kernel)(*tuple(_d.values())))

</pallas_src>

<mosaic_0001>
#map = affine_map<(d0, d1) -> (0, 0)>
#map1 = affine_map<(d0, d1) -> (0, 0, 0)>
module attributes {stable_mosaic.version = 14 : i64} {
  func.func @_sc_agg_body(%arg0: i32, %arg1: i32, %arg2: memref<10000x128xf32, #tpu.memory_space<hbm>>, %arg3: memref<32x126x80xi32, #tpu.memory_space<hbm>>, %arg4: memref<10128x128xf32, #tpu.memory_space<hbm>>, %arg5: memref<2x10000x128xf32, #tpu.memory_space<hbm>>, %arg6: memref<126x80xi32, #tpu.memory_space<vmem>>, %arg7: memref<6x80xi32, #tpu.memory_space<vmem>>, %arg8: memref<80x128xf32, #tpu.memory_space<vmem>>, %arg9: memref<80x128xf32, #tpu.memory_space<vmem>>, %arg10: memref<80x128xf32, #tpu.memory_space<vmem>>, %arg11: memref<10128x128xf32, #tpu.memory_space<vmem_shared>>, %arg12: memref<!tpu.dma_semaphore, #tpu.memory_space<semaphore_mem>>, %arg13: memref<!tpu.dma_semaphore, #tpu.memory_space<semaphore_mem>>, %arg14: memref<!tpu.dma_semaphore, #tpu.memory_space<semaphore_mem>>) attributes {dimension_semantics = [#tpu.dimension_semantics<core_parallel>, #tpu.dimension_semantics<subcore_parallel>], iteration_bounds = array<i64: 2, 16>, scalar_prefetch = 0 : i64, scratch_operands = 9 : i64, tpu.core_type = #tpu.core_type<sc_vector_subcore>, window_params = [{transform_indices = #map}, {transform_indices = #map1}, {transform_indices = #map}, {transform_indices = #map1}]} {
    %mul3A = arith.constant 2 : i32
    %mul3A_0 = arith.muli %arg1, %mul3A : i32
    %add3A = arith.addi %mul3A_0, %arg0 : i32
    %mul3A_1 = arith.constant 624 : i32
    %mul3A_2 = arith.muli %arg1, %mul3A_1 : i32
    %mul3A_3 = arith.constant 624 : i32
    %mul3A_4 = arith.muli %arg1, %mul3A_3 : i32
    "tpu.region"() ({
      %run_scoped3A = tpu.sem_alloc : memref<!tpu.dma_semaphore, #tpu.memory_space<semaphore_mem>>
      %dma_start3A_261 = arith.constant 0 : i32
      %dma_start3A_262 = tpu.memref_slice %arg11[%mul3A_4, %dma_start3A_261] : memref<10128x128xf32, #tpu.memory_space<vmem_shared>> -> memref<624x128xf32, #tpu.memory_space<vmem_shared>>
      %dma_start3A_263 = arith.constant 0 : i32
      %dma_start3A_264 = tpu.memref_slice %arg4[%mul3A_2, %dma_start3A_263] : memref<10128x128xf32, #tpu.memory_space<hbm>> -> memref<624x128xf32, #tpu.memory_space<hbm>>
      tpu.enqueue_dma source(%dma_start3A_264 : memref<624x128xf32, #tpu.memory_space<hbm>>) target(%dma_start3A_262 : memref<624x128xf32, #tpu.memory_space<vmem_shared>>) target_semaphore(%run_scoped3A : memref<!tpu.dma_semaphore, #tpu.memory_space<semaphore_mem>>)
      %dma_wait3A = arith.constant 0 : i32
      %dma_wait3A_265 = tpu.memref_slice %arg11[%mul3A_4, %dma_wait3A] : memref<10128x128xf32, #tpu.memory_space<vmem_shared>> -> memref<624x128xf32, #tpu.memory_space<vmem_shared>>
      %dma_wait3A_266 = arith.constant 0 : i32
      %dma_wait3A_267 = tpu.memref_slice %arg4[%mul3A_2, %dma_wait3A_266] : memref<10128x128xf32, #tpu.memory_space<hbm>> -> memref<624x128xf32, #tpu.memory_space<hbm>>
      tpu.wait_dma2 semaphore(%run_scoped3A : memref<!tpu.dma_semaphore, #tpu.memory_space<semaphore_mem>>) src(%dma_wait3A_267 : memref<624x128xf32, #tpu.memory_space<hbm>>) dst(%dma_wait3A_265 : memref<624x128xf32, #tpu.memory_space<vmem_shared>>)
      tpu.yield
    }) : () -> ()
    %eq3A = arith.constant 15 : i32
    %eq3A_5 = arith.cmpi eq, %arg1, %eq3A : i32
    %convert_element_type3A = arith.extui %eq3A_5 : i1 to i32
    %cond3A = arith.constant 0 : i32
    %cond3A_6 = arith.cmpi ne, %convert_element_type3A, %cond3A : i32
    scf.if %cond3A_6 {
      "tpu.region"() ({
        %run_scoped3A = tpu.sem_alloc : memref<!tpu.dma_semaphore, #tpu.memory_space<semaphore_mem>>
        %dma_start3A_261 = arith.constant 9984 : i32
        %dma_start3A_262 = arith.constant 0 : i32
        %dma_start3A_263 = tpu.memref_slice %arg11[%dma_start3A_261, %dma_start3A_262] : memref<10128x128xf32, #tpu.memory_space<vmem_shared>> -> memref<144x128xf32, #tpu.memory_space<vmem_shared>>
        %dma_start3A_264 = arith.constant 9984 : i32
        %dma_start3A_265 = arith.constant 0 : i32
        %dma_start3A_266 = tpu.memref_slice %arg4[%dma_start3A_264, %dma_start3A_265] : memref<10128x128xf32, #tpu.memory_space<hbm>> -> memref<144x128xf32, #tpu.memory_space<hbm>>
        tpu.enqueue_dma source(%dma_start3A_266 : memref<144x128xf32, #tpu.memory_space<hbm>>) target(%dma_start3A_263 : memref<144x128xf32, #tpu.memory_space<vmem_shared>>) target_semaphore(%run_scoped3A : memref<!tpu.dma_semaphore, #tpu.memory_space<semaphore_mem>>)
        %dma_wait3A = arith.constant 9984 : i32
        %dma_wait3A_267 = arith.constant 0 : i32
        %dma_wait3A_268 = tpu.memref_slice %arg11[%dma_wait3A, %dma_wait3A_267] : memref<10128x128xf32, #tpu.memory_space<vmem_shared>> -> memref<144x128xf32, #tpu.memory_space<vmem_shared>>
        %dma_wait3A_269 = arith.constant 9984 : i32
        %dma_wait3A_270 = arith.constant 0 : i32
        %dma_wait3A_271 = tpu.memref_slice %arg4[%dma_wait3A_269, %dma_wait3A_270] : memref<10128x128xf32, #tpu.memory_space<hbm>> -> memref<144x128xf32, #tpu.memory_space<hbm>>
        tpu.wait_dma2 semaphore(%run_scoped3A : memref<!tpu.dma_semaphore, #tpu.memory_space<semaphore_mem>>) src(%dma_wait3A_271 : memref<144x128xf32, #tpu.memory_space<hbm>>) dst(%dma_wait3A_268 : memref<144x128xf32, #tpu.memory_space<vmem_shared>>)
        tpu.yield
      }) : () -> ()
    } else {
    }
    "tpu.region"() ({
      %run_scoped3A = tpu.sem_alloc : memref<!tpu.dma_semaphore, #tpu.memory_space<semaphore_mem>>
      %dma_start3A_261 = arith.constant 0 : i32
      %dma_start3A_262 = arith.constant 0 : i32
      %dma_start3A_263 = tpu.memref_slice %arg3[%add3A, %dma_start3A_261, %dma_start3A_262] : memref<32x126x80xi32, #tpu.memory_space<hbm>> -> memref<1x126x80xi32, #tpu.memory_space<hbm>>
      %dma_start3A_264 = tpu.memref_squeeze %dma_start3A_263 : memref<1x126x80xi32, #tpu.memory_space<hbm>> -> memref<126x80xi32, #tpu.memory_space<hbm>>
      %dma_start3A_265 = arith.constant 0 : i32
      %dma_start3A_266 = arith.constant 0 : i32
      %dma_start3A_267 = tpu.memref_slice %arg3[%add3A, %dma_start3A_265, %dma_start3A_266] : memref<32x126x80xi32, #tpu.memory_space<hbm>> -> memref<1x126x80xi32, #tpu.memory_space<hbm>>
      %dma_start3A_268 = tpu.memref_squeeze %dma_start3A_267 : memref<1x126x80xi32, #tpu.memory_space<hbm>> -> memref<126x80xi32, #tpu.memory_space<hbm>>
      tpu.enqueue_dma source(%dma_start3A_268 : memref<126x80xi32, #tpu.memory_space<hbm>>) target(%arg6 : memref<126x80xi32, #tpu.memory_space<vmem>>) target_semaphore(%run_scoped3A : memref<!tpu.dma_semaphore, #tpu.memory_space<semaphore_mem>>)
      %dma_wait3A = arith.constant 0 : i32
      %dma_wait3A_269 = arith.constant 0 : i32
      %dma_wait3A_270 = tpu.memref_slice %arg3[%add3A, %dma_wait3A, %dma_wait3A_269] : memref<32x126x80xi32, #tpu.memory_space<hbm>> -> memref<1x126x80xi32, #tpu.memory_space<hbm>>
      %dma_wait3A_271 = tpu.memref_squeeze %dma_wait3A_270 : memref<1x126x80xi32, #tpu.memory_space<hbm>> -> memref<126x80xi32, #tpu.memory_space<hbm>>
      %dma_wait3A_272 = arith.constant 0 : i32
      %dma_wait3A_273 = arith.constant 0 : i32
      %dma_wait3A_274 = tpu.memref_slice %arg3[%add3A, %dma_wait3A_272, %dma_wait3A_273] : memref<32x126x80xi32, #tpu.memory_space<hbm>> -> memref<1x126x80xi32, #tpu.memory_space<hbm>>
      %dma_wait3A_275 = tpu.memref_squeeze %dma_wait3A_274 : memref<1x126x80xi32, #tpu.memory_space<hbm>> -> memref<126x80xi32, #tpu.memory_space<hbm>>
      tpu.wait_dma2 semaphore(%run_scoped3A : memref<!tpu.dma_semaphore, #tpu.memory_space<semaphore_mem>>) src(%dma_wait3A_275 : memref<126x80xi32, #tpu.memory_space<hbm>>) dst(%arg6 : memref<126x80xi32, #tpu.memory_space<vmem>>)
      tpu.yield
    }) : () -> ()
    %barrier3A = arith.constant 0 : index
    tpu.barrier barrier_id(%barrier3A)
    %get3A = arith.constant 0 : i32
    %get3A_7 = arith.index_cast %get3A : i32 to index
    %get3A_8 = arith.constant 0 : index
    %get3A_9 = tpu.vector_load %arg6[%get3A_7, %get3A_8] {strides = array<i32>} : memref<126x80xi32, #tpu.memory_space<vmem>>, vector<1x16xi32>,
    %get3A_10 = vector.shape_cast %get3A_9 : vector<1x16xi32> to vector<16xi32>
    %and3A = arith.constant 65535 : i32
    %and3A_11 = vector.broadcast %and3A : i32 to vector<16xi32>
    %and3A_12 = arith.andi %get3A_10, %and3A_11 : vector<16xi32>
    %swap3A = arith.constant 0 : i32
    %swap3A_13 = arith.index_cast %swap3A : i32 to index
    %swap3A_14 = arith.constant 0 : index
    %swap3A_15 = tpu.vector_load %arg7[%swap3A_13, %swap3A_14] {strides = array<i32>} : memref<6x80xi32, #tpu.memory_space<vmem>>, vector<1x16xi32>,
    %swap3A_16 = vector.shape_cast %swap3A_15 : vector<1x16xi32> to vector<16xi32>
    %swap3A_17 = vector.shape_cast %and3A_12 : vector<16xi32> to vector<1x16xi32>
    tpu.vector_store %arg7[%swap3A_13, %swap3A_14], %swap3A_17 {strides = array<i32>} : memref<6x80xi32, #tpu.memory_space<vmem>>, vector<1x16xi32>,
    %shift_right_logical3A = arith.constant 16 : i32
    %shift_right_logical3A_18 = vector.broadcast %shift_right_logical3A : i32 to vector<16xi32>
    %shift_right_logical3A_19 = arith.shrui %get3A_10, %shift_right_logical3A_18 : vector<16xi32>
    %swap3A_20 = arith.constant 3 : i32
    %swap3A_21 = arith.index_cast %swap3A_20 : i32 to index
    %swap3A_22 = arith.constant 0 : index
    %swap3A_23 = tpu.vector_load %arg7[%swap3A_21, %swap3A_22] {strides = array<i32>} : memref<6x80xi32, #tpu.memory_space<vmem>>, vector<1x16xi32>,
    %swap3A_24 = vector.shape_cast %swap3A_23 : vector<1x16xi32> to vector<16xi32>
    %swap3A_25 = vector.shape_cast %shift_right_logical3A_19 : vector<16xi32> to vector<1x16xi32>
    tpu.vector_store %arg7[%swap3A_21, %swap3A_22], %swap3A_25 {strides = array<i32>} : memref<6x80xi32, #tpu.memory_space<vmem>>, vector<1x16xi32>,
    %get3A_26 = arith.constant 0 : i32
    %get3A_27 = arith.index_cast %get3A_26 : i32 to index
    %get3A_28 = arith.constant 16 : index
    %get3A_29 = tpu.vector_load %arg6[%get3A_27, %get3A_28] {strides = array<i32>} : memref<126x80xi32, #tpu.memory_space<vmem>>, vector<1x16xi32>,
    %get3A_30 = vector.shape_cast %get3A_29 : vector<1x16xi32> to vector<16xi32>
    %and3A_31 = arith.constant 65535 : i32
    %and3A_32 = vector.broadcast %and3A_31 : i32 to vector<16xi32>
    %and3A_33 = arith.andi %get3A_30, %and3A_32 : vector<16xi32>
    %swap3A_34 = arith.constant 0 : i32
    %swap3A_35 = arith.index_cast %swap3A_34 : i32 to index
    %swap3A_36 = arith.constant 16 : index
    %swap3A_37 = tpu.vector_load %arg7[%swap3A_35, %swap3A_36] {strides = array<i32>} : memref<6x80xi32, #tpu.memory_space<vmem>>, vector<1x16xi32>,
    %swap3A_38 = vector.shape_cast %swap3A_37 : vector<1x16xi32> to vector<16xi32>
    %swap3A_39 = vector.shape_cast %and3A_33 : vector<16xi32> to vector<1x16xi32>
    tpu.vector_store %arg7[%swap3A_35, %swap3A_36], %swap3A_39 {strides = array<i32>} : memref<6x80xi32, #tpu.memory_space<vmem>>, vector<1x16xi32>,
    %shift_right_logical3A_40 = arith.constant 16 : i32
    %shift_right_logical3A_41 = vector.broadcast %shift_right_logical3A_40 : i32 to vector<16xi32>
    %shift_right_logical3A_42 = arith.shrui %get3A_30, %shift_right_logical3A_41 : vector<16xi32>
    %swap3A_43 = arith.constant 3 : i32
    %swap3A_44 = arith.index_cast %swap3A_43 : i32 to index
    %swap3A_45 = arith.constant 16 : index
    %swap3A_46 = tpu.vector_load %arg7[%swap3A_44, %swap3A_45] {strides = array<i32>} : memref<6x80xi32, #tpu.memory_space<vmem>>, vector<1x16xi32>,
    %swap3A_47 = vector.shape_cast %swap3A_46 : vector<1x16xi32> to vector<16xi32>
    %swap3A_48 = vector.shape_cast %shift_right_logical3A_42 : vector<16xi32> to vector<1x16xi32>
    tpu.vector_store %arg7[%swap3A_44, %swap3A_45], %swap3A_48 {strides = array<i32>} : memref<6x80xi32, #tpu.memory_space<vmem>>, vector<1x16xi32>,
    %get3A_49 = arith.constant 0 : i32
    %get3A_50 = arith.index_cast %get3A_49 : i32 to index
    %get3A_51 = arith.constant 32 : index
    %get3A_52 = tpu.vector_load %arg6[%get3A_50, %get3A_51] {strides = array<i32>} : memref<126x80xi32, #tpu.memory_space<vmem>>, vector<1x16xi32>,
    %get3A_53 = vector.shape_cast %get3A_52 : vector<1x16xi32> to vector<16xi32>
    %and3A_54 = arith.constant 65535 : i32
    %and3A_55 = vector.broadcast %and3A_54 : i32 to vector<16xi32>
    %and3A_56 = arith.andi %get3A_53, %and3A_55 : vector<16xi32>
    %swap3A_57 = arith.constant 0 : i32
    %swap3A_58 = arith.index_cast %swap3A_57 : i32 to index
    %swap3A_59 = arith.constant 32 : index
    %swap3A_60 = tpu.vector_load %arg7[%swap3A_58, %swap3A_59] {strides = array<i32>} : memref<6x80xi32, #tpu.memory_space<vmem>>, vector<1x16xi32>,
    %swap3A_61 = vector.shape_cast %swap3A_60 : vector<1x16xi32> to vector<16xi32>
    %swap3A_62 = vector.shape_cast %and3A_56 : vector<16xi32> to vector<1x16xi32>
    tpu.vector_store %arg7[%swap3A_58, %swap3A_59], %swap3A_62 {strides = array<i32>} : memref<6x80xi32, #tpu.memory_space<vmem>>, vector<1x16xi32>,
    %shift_right_logical3A_63 = arith.constant 16 : i32
    %shift_right_logical3A_64 = vector.broadcast %shift_right_logical3A_63 : i32 to vector<16xi32>
    %shift_right_logical3A_65 = arith.shrui %get3A_53, %shift_right_logical3A_64 : vector<16xi32>
    %swap3A_66 = arith.constant 3 : i32
    %swap3A_67 = arith.index_cast %swap3A_66 : i32 to index
    %swap3A_68 = arith.constant 32 : index
    %swap3A_69 = tpu.vector_load %arg7[%swap3A_67, %swap3A_68] {strides = array<i32>} : memref<6x80xi32, #tpu.memory_space<vmem>>, vector<1x16xi32>,
    %swap3A_70 = vector.shape_cast %swap3A_69 : vector<1x16xi32> to vector<16xi32>
    %swap3A_71 = vector.shape_cast %shift_right_logical3A_65 : vector<16xi32> to vector<1x16xi32>
    tpu.vector_store %arg7[%swap3A_67, %swap3A_68], %swap3A_71 {strides = array<i32>} : memref<6x80xi32, #tpu.memory_space<vmem>>, vector<1x16xi32>,
    %get3A_72 = arith.constant 0 : i32
    %get3A_73 = arith.index_cast %get3A_72 : i32 to index
    %get3A_74 = arith.constant 48 : index
    %get3A_75 = tpu.vector_load %arg6[%get3A_73, %get3A_74] {strides = array<i32>} : memref<126x80xi32, #tpu.memory_space<vmem>>, vector<1x16xi32>,
    %get3A_76 = vector.shape_cast %get3A_75 : vector<1x16xi32> to vector<16xi32>
    %and3A_77 = arith.constant 65535 : i32
    %and3A_78 = vector.broadcast %and3A_77 : i32 to vector<16xi32>
    %and3A_79 = arith.andi %get3A_76, %and3A_78 : vector<16xi32>
    %swap3A_80 = arith.constant 0 : i32
    %swap3A_81 = arith.index_cast %swap3A_80 : i32 to index
    %swap3A_82 = arith.constant 48 : index
    %swap3A_83 = tpu.vector_load %arg7[%swap3A_81, %swap3A_82] {strides = array<i32>} : memref<6x80xi32, #tpu.memory_space<vmem>>, vector<1x16xi32>,
    %swap3A_84 = vector.shape_cast %swap3A_83 : vector<1x16xi32> to vector<16xi32>
    %swap3A_85 = vector.shape_cast %and3A_79 : vector<16xi32> to vector<1x16xi32>
    tpu.vector_store %arg7[%swap3A_81, %swap3A_82], %swap3A_85 {strides = array<i32>} : memref<6x80xi32, #tpu.memory_space<vmem>>, vector<1x16xi32>,
    %shift_right_logical3A_86 = arith.constant 16 : i32
    %shift_right_logical3A_87 = vector.broadcast %shift_right_logical3A_86 : i32 to vector<16xi32>
    %shift_right_logical3A_88 = arith.shrui %get3A_76, %shift_right_logical3A_87 : vector<16xi32>
    %swap3A_89 = arith.constant 3 : i32
    %swap3A_90 = arith.index_cast %swap3A_89 : i32 to index
    %swap3A_91 = arith.constant 48 : index
    %swap3A_92 = tpu.vector_load %arg7[%swap3A_90, %swap3A_91] {strides = array<i32>} : memref<6x80xi32, #tpu.memory_space<vmem>>, vector<1x16xi32>,
    %swap3A_93 = vector.shape_cast %swap3A_92 : vector<1x16xi32> to vector<16xi32>
    %swap3A_94 = vector.shape_cast %shift_right_logical3A_88 : vector<16xi32> to vector<1x16xi32>
    tpu.vector_store %arg7[%swap3A_90, %swap3A_91], %swap3A_94 {strides = array<i32>} : memref<6x80xi32, #tpu.memory_space<vmem>>, vector<1x16xi32>,
    %get3A_95 = arith.constant 0 : i32
    %get3A_96 = arith.index_cast %get3A_95 : i32 to index
    %get3A_97 = arith.constant 64 : index
    %get3A_98 = tpu.vector_load %arg6[%get3A_96, %get3A_97] {strides = array<i32>} : memref<126x80xi32, #tpu.memory_space<vmem>>, vector<1x16xi32>,
    %get3A_99 = vector.shape_cast %get3A_98 : vector<1x16xi32> to vector<16xi32>
    %and3A_100 = arith.constant 65535 : i32
    %and3A_101 = vector.broadcast %and3A_100 : i32 to vector<16xi32>
    %and3A_102 = arith.andi %get3A_99, %and3A_101 : vector<16xi32>
    %swap3A_103 = arith.constant 0 : i32
    %swap3A_104 = arith.index_cast %swap3A_103 : i32 to index
    %swap3A_105 = arith.constant 64 : index
    %swap3A_106 = tpu.vector_load %arg7[%swap3A_104, %swap3A_105] {strides = array<i32>} : memref<6x80xi32, #tpu.memory_space<vmem>>, vector<1x16xi32>,
    %swap3A_107 = vector.shape_cast %swap3A_106 : vector<1x16xi32> to vector<16xi32>
    %swap3A_108 = vector.shape_cast %and3A_102 : vector<16xi32> to vector<1x16xi32>
    tpu.vector_store %arg7[%swap3A_104, %swap3A_105], %swap3A_108 {strides = array<i32>} : memref<6x80xi32, #tpu.memory_space<vmem>>, vector<1x16xi32>,
    %shift_right_logical3A_109 = arith.constant 16 : i32
    %shift_right_logical3A_110 = vector.broadcast %shift_right_logical3A_109 : i32 to vector<16xi32>
    %shift_right_logical3A_111 = arith.shrui %get3A_99, %shift_right_logical3A_110 : vector<16xi32>
    %swap3A_112 = arith.constant 3 : i32
    %swap3A_113 = arith.index_cast %swap3A_112 : i32 to index
    %swap3A_114 = arith.constant 64 : index
    %swap3A_115 = tpu.vector_load %arg7[%swap3A_113, %swap3A_114] {strides = array<i32>} : memref<6x80xi32, #tpu.memory_space<vmem>>, vector<1x16xi32>,
    %swap3A_116 = vector.shape_cast %swap3A_115 : vector<1x16xi32> to vector<16xi32>
    %swap3A_117 = vector.shape_cast %shift_right_logical3A_111 : vector<16xi32> to vector<1x16xi32>
    tpu.vector_store %arg7[%swap3A_113, %swap3A_114], %swap3A_117 {strides = array<i32>} : memref<6x80xi32, #tpu.memory_space<vmem>>, vector<1x16xi32>,
    %dma_start3A = arith.constant 0 : i32
    %dma_start3A_118 = arith.constant 0 : i32
    %dma_start3A_119 = tpu.memref_slice %arg7[%dma_start3A, %dma_start3A_118] : memref<6x80xi32, #tpu.memory_space<vmem>> -> memref<1x80xi32, #tpu.memory_space<vmem>>
    %dma_start3A_120 = tpu.memref_squeeze %dma_start3A_119 : memref<1x80xi32, #tpu.memory_space<vmem>> -> memref<80xi32, #tpu.memory_space<vmem>>
    %dma_start3A_121 = arith.constant 0 : i32
    %dma_start3A_122 = arith.constant 0 : i32
    %dma_start3A_123 = tpu.memref_slice %arg2[%dma_start3A_121, %dma_start3A_122] : memref<10000x128xf32, #tpu.memory_space<hbm>> -> memref<10000x128xf32, #tpu.memory_space<hbm>>
    tpu.enqueue_indirect_dma source(%dma_start3A_123 : memref<10000x128xf32, #tpu.memory_space<hbm>>) target(%arg8 : memref<80x128xf32, #tpu.memory_space<vmem>>) offsets(%dma_start3A_120 : memref<80xi32, #tpu.memory_space<vmem>>) semaphore(%arg12 : memref<!tpu.dma_semaphore, #tpu.memory_space<semaphore_mem>>)
    %get3A_124 = arith.constant 1 : i32
    %get3A_125 = arith.index_cast %get3A_124 : i32 to index
    %get3A_126 = arith.constant 0 : index
    %get3A_127 = tpu.vector_load %arg6[%get3A_125, %get3A_126] {strides = array<i32>} : memref<126x80xi32, #tpu.memory_space<vmem>>, vector<1x16xi32>,
    %get3A_128 = vector.shape_cast %get3A_127 : vector<1x16xi32> to vector<16xi32>
    %and3A_129 = arith.constant 65535 : i32
    %and3A_130 = vector.broadcast %and3A_129 : i32 to vector<16xi32>
    %and3A_131 = arith.andi %get3A_128, %and3A_130 : vector<16xi32>
    %swap3A_132 = arith.constant 1 : i32
    %swap3A_133 = arith.index_cast %swap3A_132 : i32 to index
    %swap3A_134 = arith.constant 0 : index
    %swap3A_135 = tpu.vector_load %arg7[%swap3A_133, %swap3A_134] {strides = array<i32>} : memref<6x80xi32, #tpu.memory_space<vmem>>, vector<1x16xi32>,
    %swap3A_136 = vector.shape_cast %swap3A_135 : vector<1x16xi32> to vector<16xi32>
    %swap3A_137 = vector.shape_cast %and3A_131 : vector<16xi32> to vector<1x16xi32>
    tpu.vector_store %arg7[%swap3A_133, %swap3A_134], %swap3A_137 {strides = array<i32>} : memref<6x80xi32, #tpu.memory_space<vmem>>, vector<1x16xi32>,
    %shift_right_logical3A_138 = arith.constant 16 : i32
    %shift_right_logical3A_139 = vector.broadcast %shift_right_logical3A_138 : i32 to vector<16xi32>
    %shift_right_logical3A_140 = arith.shrui %get3A_128, %shift_right_logical3A_139 : vector<16xi32>
    %swap3A_141 = arith.constant 4 : i32
    %swap3A_142 = arith.index_cast %swap3A_141 : i32 to index
    %swap3A_143 = arith.constant 0 : index
    %swap3A_144 = tpu.vector_load %arg7[%swap3A_142, %swap3A_143] {strides = array<i32>} : memref<6x80xi32, #tpu.memory_space<vmem>>, vector<1x16xi32>,
    %swap3A_145 = vector.shape_cast %swap3A_144 : vector<1x16xi32> to vector<16xi32>
    %swap3A_146 = vector.shape_cast %shift_right_logical3A_140 : vector<16xi32> to vector<1x16xi32>
    tpu.vector_store %arg7[%swap3A_142, %swap3A_143], %swap3A_146 {strides = array<i32>} : memref<6x80xi32, #tpu.memory_space<vmem>>, vector<1x16xi32>,
    %get3A_147 = arith.constant 1 : i32
    %get3A_148 = arith.index_cast %get3A_147 : i32 to index
    %get3A_149 = arith.constant 16 : index
    %get3A_150 = tpu.vector_load %arg6[%get3A_148, %get3A_149] {strides = array<i32>} : memref<126x80xi32, #tpu.memory_space<vmem>>, vector<1x16xi32>,
    %get3A_151 = vector.shape_cast %get3A_150 : vector<1x16xi32> to vector<16xi32>
    %and3A_152 = arith.constant 65535 : i32
    %and3A_153 = vector.broadcast %and3A_152 : i32 to vector<16xi32>
    %and3A_154 = arith.andi %get3A_151, %and3A_153 : vector<16xi32>
    %swap3A_155 = arith.constant 1 : i32
    %swap3A_156 = arith.index_cast %swap3A_155 : i32 to index
    %swap3A_157 = arith.constant 16 : index
    %swap3A_158 = tpu.vector_load %arg7[%swap3A_156, %swap3A_157] {strides = array<i32>} : memref<6x80xi32, #tpu.memory_space<vmem>>, vector<1x16xi32>,
    %swap3A_159 = vector.shape_cast %swap3A_158 : vector<1x16xi32> to vector<16xi32>
    %swap3A_160 = vector.shape_cast %and3A_154 : vector<16xi32> to vector<1x16xi32>
    tpu.vector_store %arg7[%swap3A_156, %swap3A_157], %swap3A_160 {strides = array<i32>} : memref<6x80xi32, #tpu.memory_space<vmem>>, vector<1x16xi32>,
    %shift_right_logical3A_161 = arith.constant 16 : i32
    %shift_right_logical3A_162 = vector.broadcast %shift_right_logical3A_161 : i32 to vector<16xi32>
    %shift_right_logical3A_163 = arith.shrui %get3A_151, %shift_right_logical3A_162 : vector<16xi32>
    %swap3A_164 = arith.constant 4 : i32
    %swap3A_165 = arith.index_cast %swap3A_164 : i32 to index
    %swap3A_166 = arith.constant 16 : index
    %swap3A_167 = tpu.vector_load %arg7[%swap3A_165, %swap3A_166] {strides = array<i32>} : memref<6x80xi32, #tpu.memory_space<vmem>>, vector<1x16xi32>,
    %swap3A_168 = vector.shape_cast %swap3A_167 : vector<1x16xi32> to vector<16xi32>
    %swap3A_169 = vector.shape_cast %shift_right_logical3A_163 : vector<16xi32> to vector<1x16xi32>
    tpu.vector_store %arg7[%swap3A_165, %swap3A_166], %swap3A_169 {strides = array<i32>} : memref<6x80xi32, #tpu.memory_space<vmem>>, vector<1x16xi32>,
    %get3A_170 = arith.constant 1 : i32
    %get3A_171 = arith.index_cast %get3A_170 : i32 to index
    %get3A_172 = arith.constant 32 : index
    %get3A_173 = tpu.vector_load %arg6[%get3A_171, %get3A_172] {strides = array<i32>} : memref<126x80xi32, #tpu.memory_space<vmem>>, vector<1x16xi32>,
    %get3A_174 = vector.shape_cast %get3A_173 : vector<1x16xi32> to vector<16xi32>
    %and3A_175 = arith.constant 65535 : i32
    %and3A_176 = vector.broadcast %and3A_175 : i32 to vector<16xi32>
    %and3A_177 = arith.andi %get3A_174, %and3A_176 : vector<16xi32>
    %swap3A_178 = arith.constant 1 : i32
    %swap3A_179 = arith.index_cast %swap3A_178 : i32 to index
    %swap3A_180 = arith.constant 32 : index
    %swap3A_181 = tpu.vector_load %arg7[%swap3A_179, %swap3A_180] {strides = array<i32>} : memref<6x80xi32, #tpu.memory_space<vmem>>, vector<1x16xi32>,
    %swap3A_182 = vector.shape_cast %swap3A_181 : vector<1x16xi32> to vector<16xi32>
    %swap3A_183 = vector.shape_cast %and3A_177 : vector<16xi32> to vector<1x16xi32>
    tpu.vector_store %arg7[%swap3A_179, %swap3A_180], %swap3A_183 {strides = array<i32>} : memref<6x80xi32, #tpu.memory_space<vmem>>, vector<1x16xi32>,
    %shift_right_logical3A_184 = arith.constant 16 : i32
    %shift_right_logical3A_185 = vector.broadcast %shift_right_logical3A_184 : i32 to vector<16xi32>
    %shift_right_logical3A_186 = arith.shrui %get3A_174, %shift_right_logical3A_185 : vector<16xi32>
    %swap3A_187 = arith.constant 4 : i32
    %swap3A_188 = arith.index_cast %swap3A_187 : i32 to index
    %swap3A_189 = arith.constant 32 : index
    %swap3A_190 = tpu.vector_load %arg7[%swap3A_188, %swap3A_189] {strides = array<i32>} : memref<6x80xi32, #tpu.memory_space<vmem>>, vector<1x16xi32>,
    %swap3A_191 = vector.shape_cast %swap3A_190 : vector<1x16xi32> to vector<16xi32>
    %swap3A_192 = vector.shape_cast %shift_right_logical3A_186 : vector<16xi32> to vector<1x16xi32>
    tpu.vector_store %arg7[%swap3A_188, %swap3A_189], %swap3A_192 {strides = array<i32>} : memref<6x80xi32, #tpu.memory_space<vmem>>, vector<1x16xi32>,
    %get3A_193 = arith.constant 1 : i32
    %get3A_194 = arith.index_cast %get3A_193 : i32 to index
    %get3A_195 = arith.constant 48 : index
    %get3A_196 = tpu.vector_load %arg6[%get3A_194, %get3A_195] {strides = array<i32>} : memref<126x80xi32, #tpu.memory_space<vmem>>, vector<1x16xi32>,
    %get3A_197 = vector.shape_cast %get3A_196 : vector<1x16xi32> to vector<16xi32>
    %and3A_198 = arith.constant 65535 : i32
    %and3A_199 = vector.broadcast %and3A_198 : i32 to vector<16xi32>
    %and3A_200 = arith.andi %get3A_197, %and3A_199 : vector<16xi32>
    %swap3A_201 = arith.constant 1 : i32
    %swap3A_202 = arith.index_cast %swap3A_201 : i32 to index
    %swap3A_203 = arith.constant 48 : index
    %swap3A_204 = tpu.vector_load %arg7[%swap3A_202, %swap3A_203] {strides = array<i32>} : memref<6x80xi32, #tpu.memory_space<vmem>>, vector<1x16xi32>,
    %swap3A_205 = vector.shape_cast %swap3A_204 : vector<1x16xi32> to vector<16xi32>
    %swap3A_206 = vector.shape_cast %and3A_200 : vector<16xi32> to vector<1x16xi32>
    tpu.vector_store %arg7[%swap3A_202, %swap3A_203], %swap3A_206 {strides = array<i32>} : memref<6x80xi32, #tpu.memory_space<vmem>>, vector<1x16xi32>,
    %shift_right_logical3A_207 = arith.constant 16 : i32
    %shift_right_logical3A_208 = vector.broadcast %shift_right_logical3A_207 : i32 to vector<16xi32>
    %shift_right_logical3A_209 = arith.shrui %get3A_197, %shift_right_logical3A_208 : vector<16xi32>
    %swap3A_210 = arith.constant 4 : i32
    %swap3A_211 = arith.index_cast %swap3A_210 : i32 to index
    %swap3A_212 = arith.constant 48 : index
    %swap3A_213 = tpu.vector_load %arg7[%swap3A_211, %swap3A_212] {strides = array<i32>} : memref<6x80xi32, #tpu.memory_space<vmem>>, vector<1x16xi32>,
    %swap3A_214 = vector.shape_cast %swap3A_213 : vector<1x16xi32> to vector<16xi32>
    %swap3A_215 = vector.shape_cast %shift_right_logical3A_209 : vector<16xi32> to vector<1x16xi32>
    tpu.vector_store %arg7[%swap3A_211, %swap3A_212], %swap3A_215 {strides = array<i32>} : memref<6x80xi32, #tpu.memory_space<vmem>>, vector<1x16xi32>,
    %get3A_216 = arith.constant 1 : i32
    %get3A_217 = arith.index_cast %get3A_216 : i32 to index
    %get3A_218 = arith.constant 64 : index
    %get3A_219 = tpu.vector_load %arg6[%get3A_217, %get3A_218] {strides = array<i32>} : memref<126x80xi32, #tpu.memory_space<vmem>>, vector<1x16xi32>,
    %get3A_220 = vector.shape_cast %get3A_219 : vector<1x16xi32> to vector<16xi32>
    %and3A_221 = arith.constant 65535 : i32
    %and3A_222 = vector.broadcast %and3A_221 : i32 to vector<16xi32>
    %and3A_223 = arith.andi %get3A_220, %and3A_222 : vector<16xi32>
    %swap3A_224 = arith.constant 1 : i32
    %swap3A_225 = arith.index_cast %swap3A_224 : i32 to index
    %swap3A_226 = arith.constant 64 : index
    %swap3A_227 = tpu.vector_load %arg7[%swap3A_225, %swap3A_226] {strides = array<i32>} : memref<6x80xi32, #tpu.memory_space<vmem>>, vector<1x16xi32>,
    %swap3A_228 = vector.shape_cast %swap3A_227 : vector<1x16xi32> to vector<16xi32>
    %swap3A_229 = vector.shape_cast %and3A_223 : vector<16xi32> to vector<1x16xi32>
    tpu.vector_store %arg7[%swap3A_225, %swap3A_226], %swap3A_229 {strides = array<i32>} : memref<6x80xi32, #tpu.memory_space<vmem>>, vector<1x16xi32>,
    %shift_right_logical3A_230 = arith.constant 16 : i32
    %shift_right_logical3A_231 = vector.broadcast %shift_right_logical3A_230 : i32 to vector<16xi32>
    %shift_right_logical3A_232 = arith.shrui %get3A_220, %shift_right_logical3A_231 : vector<16xi32>
    %swap3A_233 = arith.constant 4 : i32
    %swap3A_234 = arith.index_cast %swap3A_233 : i32 to index
    %swap3A_235 = arith.constant 64 : index
    %swap3A_236 = tpu.vector_load %arg7[%swap3A_234, %swap3A_235] {strides = array<i32>} : memref<6x80xi32, #tpu.memory_space<vmem>>, vector<1x16xi32>,
    %swap3A_237 = vector.shape_cast %swap3A_236 : vector<1x16xi32> to vector<16xi32>
    %swap3A_238 = vector.shape_cast %shift_right_logical3A_232 : vector<16xi32> to vector<1x16xi32>
    tpu.vector_store %arg7[%swap3A_234, %swap3A_235], %swap3A_238 {strides = array<i32>} : memref<6x80xi32, #tpu.memory_space<vmem>>, vector<1x16xi32>,
    %dma_start3A_239 = arith.constant 1 : i32
    %dma_start3A_240 = arith.constant 0 : i32
    %dma_start3A_241 = tpu.memref_slice %arg7[%dma_start3A_239, %dma_start3A_240] : memref<6x80xi32, #tpu.memory_space<vmem>> -> memref<1x80xi32, #tpu.memory_space<vmem>>
    %dma_start3A_242 = tpu.memref_squeeze %dma_start3A_241 : memref<1x80xi32, #tpu.memory_space<vmem>> -> memref<80xi32, #tpu.memory_space<vmem>>
    %dma_start3A_243 = arith.constant 0 : i32
    %dma_start3A_244 = arith.constant 0 : i32
    %dma_start3A_245 = tpu.memref_slice %arg2[%dma_start3A_243, %dma_start3A_244] : memref<10000x128xf32, #tpu.memory_space<hbm>> -> memref<10000x128xf32, #tpu.memory_space<hbm>>
    tpu.enqueue_indirect_dma source(%dma_start3A_245 : memref<10000x128xf32, #tpu.memory_space<hbm>>) target(%arg9 : memref<80x128xf32, #tpu.memory_space<vmem>>) offsets(%dma_start3A_242 : memref<80xi32, #tpu.memory_space<vmem>>) semaphore(%arg13 : memref<!tpu.dma_semaphore, #tpu.memory_space<semaphore_mem>>)
    %scan3A = arith.constant 0 : i32
    %scan3A_246 = arith.constant 0 : i32
    %scan3A_247 = arith.constant 42 : i32
    %scan3A_248 = arith.addi %scan3A_246, %scan3A_247 : i32
    %scan3A_249 = arith.constant 1 : i32
    scf.for %scan3A_261 = %scan3A_246 to %scan3A_248 step %scan3A_249  : i32 {
      %mul3A_262 = arith.constant 3 : i32
      %mul3A_263 = arith.muli %mul3A_262, %scan3A_261 : i32
      %add3A_264 = arith.constant 0 : i32
      %add3A_265 = arith.addi %mul3A_263, %add3A_264 : i32
      %dma_wait3A = arith.constant 0 : i32
      %dma_wait3A_266 = arith.constant 0 : i32
      %dma_wait3A_267 = tpu.memref_slice %arg7[%dma_wait3A, %dma_wait3A_266] : memref<6x80xi32, #tpu.memory_space<vmem>> -> memref<1x80xi32, #tpu.memory_space<vmem>>
      %dma_wait3A_268 = tpu.memref_squeeze %dma_wait3A_267 : memref<1x80xi32, #tpu.memory_space<vmem>> -> memref<80xi32, #tpu.memory_space<vmem>>
      %dma_wait3A_269 = arith.constant 0 : i32
      %dma_wait3A_270 = arith.constant 0 : i32
      %dma_wait3A_271 = tpu.memref_slice %arg2[%dma_wait3A_269, %dma_wait3A_270] : memref<10000x128xf32, #tpu.memory_space<hbm>> -> memref<10000x128xf32, #tpu.memory_space<hbm>>
      tpu.wait_indirect_dma semaphore(%arg12 : memref<!tpu.dma_semaphore, #tpu.memory_space<semaphore_mem>>) src(%dma_wait3A_271 : memref<10000x128xf32, #tpu.memory_space<hbm>>) dst(%arg8 : memref<80x128xf32, #tpu.memory_space<vmem>>)
      %add3A_272 = arith.constant 2 : i32
      %add3A_273 = arith.addi %add3A_265, %add3A_272 : i32
      %lt3A = arith.constant 126 : i32
      %lt3A_274 = arith.cmpi slt, %add3A_273, %lt3A : i32
      %convert_element_type3A_275 = arith.extui %lt3A_274 : i1 to i32
      %cond3A_276 = arith.constant 0 : i32
      %cond3A_277 = arith.cmpi ne, %convert_element_type3A_275, %cond3A_276 : i32
      scf.if %cond3A_277 {
        %add3A_316 = arith.constant 2 : i32
        %add3A_317 = arith.addi %add3A_265, %add3A_316 : i32
        %get3A_318 = arith.index_cast %add3A_317 : i32 to index
        %get3A_319 = arith.constant 0 : index
        %get3A_320 = tpu.vector_load %arg6[%get3A_318, %get3A_319] {strides = array<i32>} : memref<126x80xi32, #tpu.memory_space<vmem>>, vector<1x16xi32>,
        %get3A_321 = vector.shape_cast %get3A_320 : vector<1x16xi32> to vector<16xi32>
        %and3A_322 = arith.constant 65535 : i32
        %and3A_323 = vector.broadcast %and3A_322 : i32 to vector<16xi32>
        %and3A_324 = arith.andi %get3A_321, %and3A_323 : vector<16xi32>
        %swap3A_325 = arith.constant 2 : i32
        %swap3A_326 = arith.index_cast %swap3A_325 : i32 to index
        %swap3A_327 = arith.constant 0 : index
        %swap3A_328 = tpu.vector_load %arg7[%swap3A_326, %swap3A_327] {strides = array<i32>} : memref<6x80xi32, #tpu.memory_space<vmem>>, vector<1x16xi32>,
        %swap3A_329 = vector.shape_cast %swap3A_328 : vector<1x16xi32> to vector<16xi32>
        %swap3A_330 = vector.shape_cast %and3A_324 : vector<16xi32> to vector<1x16xi32>
        tpu.vector_store %arg7[%swap3A_326, %swap3A_327], %swap3A_330 {strides = array<i32>} : memref<6x80xi32, #tpu.memory_space<vmem>>, vector<1x16xi32>,
        %shift_right_logical3A_331 = arith.constant 16 : i32
        %shift_right_logical3A_332 = vector.broadcast %shift_right_logical3A_331 : i32 to vector<16xi32>
        %shift_right_logical3A_333 = arith.shrui %get3A_321, %shift_right_logical3A_332 : vector<16xi32>
        %swap3A_334 = arith.constant 5 : i32
        %swap3A_335 = arith.index_cast %swap3A_334 : i32 to index
        %swap3A_336 = arith.constant 0 : index
        %swap3A_337 = tpu.vector_load %arg7[%swap3A_335, %swap3A_336] {strides = array<i32>} : memref<6x80xi32, #tpu.memory_space<vmem>>, vector<1x16xi32>,
        %swap3A_338 = vector.shape_cast %swap3A_337 : vector<1x16xi32> to vector<16xi32>
        %swap3A_339 = vector.shape_cast %shift_right_logical3A_333 : vector<16xi32> to vector<1x16xi32>
        tpu.vector_store %arg7[%swap3A_335, %swap3A_336], %swap3A_339 {strides = array<i32>} : memref<6x80xi32, #tpu.memory_space<vmem>>, vector<1x16xi32>,
        %get3A_340 = arith.index_cast %add3A_317 : i32 to index
        %get3A_341 = arith.constant 16 : index
        %get3A_342 = tpu.vector_load %arg6[%get3A_340, %get3A_341] {strides = array<i32>} : memref<126x80xi32, #tpu.memory_space<vmem>>, vector<1x16xi32>,
        %get3A_343 = vector.shape_cast %get3A_342 : vector<1x16xi32> to vector<16xi32>
        %and3A_344 = arith.constant 65535 : i32
        %and3A_345 = vector.broadcast %and3A_344 : i32 to vector<16xi32>
        %and3A_346 = arith.andi %get3A_343, %and3A_345 : vector<16xi32>
        %swap3A_347 = arith.constant 2 : i32
        %swap3A_348 = arith.index_cast %swap3A_347 : i32 to index
        %swap3A_349 = arith.constant 16 : index
        %swap3A_350 = tpu.vector_load %arg7[%swap3A_348, %swap3A_349] {strides = array<i32>} : memref<6x80xi32, #tpu.memory_space<vmem>>, vector<1x16xi32>,
        %swap3A_351 = vector.shape_cast %swap3A_350 : vector<1x16xi32> to vector<16xi32>
        %swap3A_352 = vector.shape_cast %and3A_346 : vector<16xi32> to vector<1x16xi32>
        tpu.vector_store %arg7[%swap3A_348, %swap3A_349], %swap3A_352 {strides = array<i32>} : memref<6x80xi32, #tpu.memory_space<vmem>>, vector<1x16xi32>,
        %shift_right_logical3A_353 = arith.constant 16 : i32
        %shift_right_logical3A_354 = vector.broadcast %shift_right_logical3A_353 : i32 to vector<16xi32>
        %shift_right_logical3A_355 = arith.shrui %get3A_343, %shift_right_logical3A_354 : vector<16xi32>
        %swap3A_356 = arith.constant 5 : i32
        %swap3A_357 = arith.index_cast %swap3A_356 : i32 to index
        %swap3A_358 = arith.constant 16 : index
        %swap3A_359 = tpu.vector_load %arg7[%swap3A_357, %swap3A_358] {strides = array<i32>} : memref<6x80xi32, #tpu.memory_space<vmem>>, vector<1x16xi32>,
        %swap3A_360 = vector.shape_cast %swap3A_359 : vector<1x16xi32> to vector<16xi32>
        %swap3A_361 = vector.shape_cast %shift_right_logical3A_355 : vector<16xi32> to vector<1x16xi32>
        tpu.vector_store %arg7[%swap3A_357, %swap3A_358], %swap3A_361 {strides = array<i32>} : memref<6x80xi32, #tpu.memory_space<vmem>>, vector<1x16xi32>,
        %get3A_362 = arith.index_cast %add3A_317 : i32 to index
        %get3A_363 = arith.constant 32 : index
        %get3A_364 = tpu.vector_load %arg6[%get3A_362, %get3A_363] {strides = array<i32>} : memref<126x80xi32, #tpu.memory_space<vmem>>, vector<1x16xi32>,
        %get3A_365 = vector.shape_cast %get3A_364 : vector<1x16xi32> to vector<16xi32>
        %and3A_366 = arith.constant 65535 : i32
        %and3A_367 = vector.broadcast %and3A_366 : i32 to vector<16xi32>
        %and3A_368 = arith.andi %get3A_365, %and3A_367 : vector<16xi32>
        %swap3A_369 = arith.constant 2 : i32
        %swap3A_370 = arith.index_cast %swap3A_369 : i32 to index
        %swap3A_371 = arith.constant 32 : index
        %swap3A_372 = tpu.vector_load %arg7[%swap3A_370, %swap3A_371] {strides = array<i32>} : memref<6x80xi32, #tpu.memory_space<vmem>>, vector<1x16xi32>,
        %swap3A_373 = vector.shape_cast %swap3A_372 : vector<1x16xi32> to vector<16xi32>
        %swap3A_374 = vector.shape_cast %and3A_368 : vector<16xi32> to vector<1x16xi32>
        tpu.vector_store %arg7[%swap3A_370, %swap3A_371], %swap3A_374 {strides = array<i32>} : memref<6x80xi32, #tpu.memory_space<vmem>>, vector<1x16xi32>,
        %shift_right_logical3A_375 = arith.constant 16 : i32
        %shift_right_logical3A_376 = vector.broadcast %shift_right_logical3A_375 : i32 to vector<16xi32>
        %shift_right_logical3A_377 = arith.shrui %get3A_365, %shift_right_logical3A_376 : vector<16xi32>
        %swap3A_378 = arith.constant 5 : i32
        %swap3A_379 = arith.index_cast %swap3A_378 : i32 to index
        %swap3A_380 = arith.constant 32 : index
        %swap3A_381 = tpu.vector_load %arg7[%swap3A_379, %swap3A_380] {strides = array<i32>} : memref<6x80xi32, #tpu.memory_space<vmem>>, vector<1x16xi32>,
        %swap3A_382 = vector.shape_cast %swap3A_381 : vector<1x16xi32> to vector<16xi32>
        %swap3A_383 = vector.shape_cast %shift_right_logical3A_377 : vector<16xi32> to vector<1x16xi32>
        tpu.vector_store %arg7[%swap3A_379, %swap3A_380], %swap3A_383 {strides = array<i32>} : memref<6x80xi32, #tpu.memory_space<vmem>>, vector<1x16xi32>,
        %get3A_384 = arith.index_cast %add3A_317 : i32 to index
        %get3A_385 = arith.constant 48 : index
        %get3A_386 = tpu.vector_load %arg6[%get3A_384, %get3A_385] {strides = array<i32>} : memref<126x80xi32, #tpu.memory_space<vmem>>, vector<1x16xi32>,
        %get3A_387 = vector.shape_cast %get3A_386 : vector<1x16xi32> to vector<16xi32>
        %and3A_388 = arith.constant 65535 : i32
        %and3A_389 = vector.broadcast %and3A_388 : i32 to vector<16xi32>
        %and3A_390 = arith.andi %get3A_387, %and3A_389 : vector<16xi32>
        %swap3A_391 = arith.constant 2 : i32
        %swap3A_392 = arith.index_cast %swap3A_391 : i32 to index
        %swap3A_393 = arith.constant 48 : index
        %swap3A_394 = tpu.vector_load %arg7[%swap3A_392, %swap3A_393] {strides = array<i32>} : memref<6x80xi32, #tpu.memory_space<vmem>>, vector<1x16xi32>,
        %swap3A_395 = vector.shape_cast %swap3A_394 : vector<1x16xi32> to vector<16xi32>
        %swap3A_396 = vector.shape_cast %and3A_390 : vector<16xi32> to vector<1x16xi32>
        tpu.vector_store %arg7[%swap3A_392, %swap3A_393], %swap3A_396 {strides = array<i32>} : memref<6x80xi32, #tpu.memory_space<vmem>>, vector<1x16xi32>,
        %shift_right_logical3A_397 = arith.constant 16 : i32
        %shift_right_logical3A_398 = vector.broadcast %shift_right_logical3A_397 : i32 to vector<16xi32>
        %shift_right_logical3A_399 = arith.shrui %get3A_387, %shift_right_logical3A_398 : vector<16xi32>
        %swap3A_400 = arith.constant 5 : i32
        %swap3A_401 = arith.index_cast %swap3A_400 : i32 to index
        %swap3A_402 = arith.constant 48 : index
        %swap3A_403 = tpu.vector_load %arg7[%swap3A_401, %swap3A_402] {strides = array<i32>} : memref<6x80xi32, #tpu.memory_space<vmem>>, vector<1x16xi32>,
        %swap3A_404 = vector.shape_cast %swap3A_403 : vector<1x16xi32> to vector<16xi32>
        %swap3A_405 = vector.shape_cast %shift_right_logical3A_399 : vector<16xi32> to vector<1x16xi32>
        tpu.vector_store %arg7[%swap3A_401, %swap3A_402], %swap3A_405 {strides = array<i32>} : memref<6x80xi32, #tpu.memory_space<vmem>>, vector<1x16xi32>,
        %get3A_406 = arith.index_cast %add3A_317 : i32 to index
        %get3A_407 = arith.constant 64 : index
        %get3A_408 = tpu.vector_load %arg6[%get3A_406, %get3A_407] {strides = array<i32>} : memref<126x80xi32, #tpu.memory_space<vmem>>, vector<1x16xi32>,
        %get3A_409 = vector.shape_cast %get3A_408 : vector<1x16xi32> to vector<16xi32>
        %and3A_410 = arith.constant 65535 : i32
        %and3A_411 = vector.broadcast %and3A_410 : i32 to vector<16xi32>
        %and3A_412 = arith.andi %get3A_409, %and3A_411 : vector<16xi32>
        %swap3A_413 = arith.constant 2 : i32
        %swap3A_414 = arith.index_cast %swap3A_413 : i32 to index
        %swap3A_415 = arith.constant 64 : index
        %swap3A_416 = tpu.vector_load %arg7[%swap3A_414, %swap3A_415] {strides = array<i32>} : memref<6x80xi32, #tpu.memory_space<vmem>>, vector<1x16xi32>,
        %swap3A_417 = vector.shape_cast %swap3A_416 : vector<1x16xi32> to vector<16xi32>
        %swap3A_418 = vector.shape_cast %and3A_412 : vector<16xi32> to vector<1x16xi32>
        tpu.vector_store %arg7[%swap3A_414, %swap3A_415], %swap3A_418 {strides = array<i32>} : memref<6x80xi32, #tpu.memory_space<vmem>>, vector<1x16xi32>,
        %shift_right_logical3A_419 = arith.constant 16 : i32
        %shift_right_logical3A_420 = vector.broadcast %shift_right_logical3A_419 : i32 to vector<16xi32>
        %shift_right_logical3A_421 = arith.shrui %get3A_409, %shift_right_logical3A_420 : vector<16xi32>
        %swap3A_422 = arith.constant 5 : i32
        %swap3A_423 = arith.index_cast %swap3A_422 : i32 to index
        %swap3A_424 = arith.constant 64 : index
        %swap3A_425 = tpu.vector_load %arg7[%swap3A_423, %swap3A_424] {strides = array<i32>} : memref<6x80xi32, #tpu.memory_space<vmem>>, vector<1x16xi32>,
        %swap3A_426 = vector.shape_cast %swap3A_425 : vector<1x16xi32> to vector<16xi32>
        %swap3A_427 = vector.shape_cast %shift_right_logical3A_421 : vector<16xi32> to vector<1x16xi32>
        tpu.vector_store %arg7[%swap3A_423, %swap3A_424], %swap3A_427 {strides = array<i32>} : memref<6x80xi32, #tpu.memory_space<vmem>>, vector<1x16xi32>,
        %dma_start3A_428 = arith.constant 2 : i32
        %dma_start3A_429 = arith.constant 0 : i32
        %dma_start3A_430 = tpu.memref_slice %arg7[%dma_start3A_428, %dma_start3A_429] : memref<6x80xi32, #tpu.memory_space<vmem>> -> memref<1x80xi32, #tpu.memory_space<vmem>>
        %dma_start3A_431 = tpu.memref_squeeze %dma_start3A_430 : memref<1x80xi32, #tpu.memory_space<vmem>> -> memref<80xi32, #tpu.memory_space<vmem>>
        %dma_start3A_432 = arith.constant 0 : i32
        %dma_start3A_433 = arith.constant 0 : i32
        %dma_start3A_434 = tpu.memref_slice %arg2[%dma_start3A_432, %dma_start3A_433] : memref<10000x128xf32, #tpu.memory_space<hbm>> -> memref<10000x128xf32, #tpu.memory_space<hbm>>
        tpu.enqueue_indirect_dma source(%dma_start3A_434 : memref<10000x128xf32, #tpu.memory_space<hbm>>) target(%arg10 : memref<80x128xf32, #tpu.memory_space<vmem>>) offsets(%dma_start3A_431 : memref<80xi32, #tpu.memory_space<vmem>>) semaphore(%arg14 : memref<!tpu.dma_semaphore, #tpu.memory_space<semaphore_mem>>)
      } else {
      }
      %run_scoped3A = arith.constant 3 : i32
      "tpu.region"() ({
        %run_scoped3A_316 = tpu.sem_alloc : memref<!tpu.dma_semaphore, #tpu.memory_space<semaphore_mem>>
        %dma_start3A_317 = arith.constant 0 : i32
        %dma_start3A_318 = tpu.memref_slice %arg7[%run_scoped3A, %dma_start3A_317] : memref<6x80xi32, #tpu.memory_space<vmem>> -> memref<1x80xi32, #tpu.memory_space<vmem>>
        %dma_start3A_319 = tpu.memref_squeeze %dma_start3A_318 : memref<1x80xi32, #tpu.memory_space<vmem>> -> memref<80xi32, #tpu.memory_space<vmem>>
        %dma_start3A_320 = arith.constant 0 : i32
        %dma_start3A_321 = arith.constant 0 : i32
        %dma_start3A_322 = tpu.memref_slice %arg11[%dma_start3A_320, %dma_start3A_321] : memref<10128x128xf32, #tpu.memory_space<vmem_shared>> -> memref<10128x128xf32, #tpu.memory_space<vmem_shared>>
        tpu.enqueue_indirect_dma source(%arg8 : memref<80x128xf32, #tpu.memory_space<vmem>>) target(%dma_start3A_322 : memref<10128x128xf32, #tpu.memory_space<vmem_shared>>) offsets(%dma_start3A_319 : memref<80xi32, #tpu.memory_space<vmem>>) semaphore(%run_scoped3A_316 : memref<!tpu.dma_semaphore, #tpu.memory_space<semaphore_mem>>) {add = true}
        %dma_wait3A_323 = arith.constant 0 : i32
        %dma_wait3A_324 = tpu.memref_slice %arg7[%run_scoped3A, %dma_wait3A_323] : memref<6x80xi32, #tpu.memory_space<vmem>> -> memref<1x80xi32, #tpu.memory_space<vmem>>
        %dma_wait3A_325 = tpu.memref_squeeze %dma_wait3A_324 : memref<1x80xi32, #tpu.memory_space<vmem>> -> memref<80xi32, #tpu.memory_space<vmem>>
        %dma_wait3A_326 = arith.constant 0 : i32
        %dma_wait3A_327 = arith.constant 0 : i32
        %dma_wait3A_328 = tpu.memref_slice %arg11[%dma_wait3A_326, %dma_wait3A_327] : memref<10128x128xf32, #tpu.memory_space<vmem_shared>> -> memref<10128x128xf32, #tpu.memory_space<vmem_shared>>
        tpu.wait_indirect_dma semaphore(%run_scoped3A_316 : memref<!tpu.dma_semaphore, #tpu.memory_space<semaphore_mem>>) src(%arg8 : memref<80x128xf32, #tpu.memory_space<vmem>>) dst(%dma_wait3A_328 : memref<10128x128xf32, #tpu.memory_space<vmem_shared>>)
        tpu.yield
      }) : () -> ()
      %mul3A_278 = arith.constant 3 : i32
      %mul3A_279 = arith.muli %mul3A_278, %scan3A_261 : i32
      %add3A_280 = arith.constant 1 : i32
      %add3A_281 = arith.addi %mul3A_279, %add3A_280 : i32
      %dma_wait3A_282 = arith.constant 1 : i32
      %dma_wait3A_283 = arith.constant 0 : i32
      %dma_wait3A_284 = tpu.memref_slice %arg7[%dma_wait3A_282, %dma_wait3A_283] : memref<6x80xi32, #tpu.memory_space<vmem>> -> memref<1x80xi32, #tpu.memory_space<vmem>>
      %dma_wait3A_285 = tpu.memref_squeeze %dma_wait3A_284 : memref<1x80xi32, #tpu.memory_space<vmem>> -> memref<80xi32, #tpu.memory_space<vmem>>
      %dma_wait3A_286 = arith.constant 0 : i32
      %dma_wait3A_287 = arith.constant 0 : i32
      %dma_wait3A_288 = tpu.memref_slice %arg2[%dma_wait3A_286, %dma_wait3A_287] : memref<10000x128xf32, #tpu.memory_space<hbm>> -> memref<10000x128xf32, #tpu.memory_space<hbm>>
      tpu.wait_indirect_dma semaphore(%arg13 : memref<!tpu.dma_semaphore, #tpu.memory_space<semaphore_mem>>) src(%dma_wait3A_288 : memref<10000x128xf32, #tpu.memory_space<hbm>>) dst(%arg9 : memref<80x128xf32, #tpu.memory_space<vmem>>)
      %add3A_289 = arith.constant 2 : i32
      %add3A_290 = arith.addi %add3A_281, %add3A_289 : i32
      %lt3A_291 = arith.constant 126 : i32
      %lt3A_292 = arith.cmpi slt, %add3A_290, %lt3A_291 : i32
      %convert_element_type3A_293 = arith.extui %lt3A_292 : i1 to i32
      %cond3A_294 = arith.constant 0 : i32
      %cond3A_295 = arith.cmpi ne, %convert_element_type3A_293, %cond3A_294 : i32
      scf.if %cond3A_295 {
        %add3A_316 = arith.constant 2 : i32
        %add3A_317 = arith.addi %add3A_281, %add3A_316 : i32
        %get3A_318 = arith.index_cast %add3A_317 : i32 to index
        %get3A_319 = arith.constant 0 : index
        %get3A_320 = tpu.vector_load %arg6[%get3A_318, %get3A_319] {strides = array<i32>} : memref<126x80xi32, #tpu.memory_space<vmem>>, vector<1x16xi32>,
        %get3A_321 = vector.shape_cast %get3A_320 : vector<1x16xi32> to vector<16xi32>
        %and3A_322 = arith.constant 65535 : i32
        %and3A_323 = vector.broadcast %and3A_322 : i32 to vector<16xi32>
        %and3A_324 = arith.andi %get3A_321, %and3A_323 : vector<16xi32>
        %swap3A_325 = arith.constant 0 : i32
        %swap3A_326 = arith.index_cast %swap3A_325 : i32 to index
        %swap3A_327 = arith.constant 0 : index
        %swap3A_328 = tpu.vector_load %arg7[%swap3A_326, %swap3A_327] {strides = array<i32>} : memref<6x80xi32, #tpu.memory_space<vmem>>, vector<1x16xi32>,
        %swap3A_329 = vector.shape_cast %swap3A_328 : vector<1x16xi32> to vector<16xi32>
        %swap3A_330 = vector.shape_cast %and3A_324 : vector<16xi32> to vector<1x16xi32>
        tpu.vector_store %arg7[%swap3A_326, %swap3A_327], %swap3A_330 {strides = array<i32>} : memref<6x80xi32, #tpu.memory_space<vmem>>, vector<1x16xi32>,
        %shift_right_logical3A_331 = arith.constant 16 : i32
        %shift_right_logical3A_332 = vector.broadcast %shift_right_logical3A_331 : i32 to vector<16xi32>
        %shift_right_logical3A_333 = arith.shrui %get3A_321, %shift_right_logical3A_332 : vector<16xi32>
        %swap3A_334 = arith.constant 3 : i32
        %swap3A_335 = arith.index_cast %swap3A_334 : i32 to index
        %swap3A_336 = arith.constant 0 : index
        %swap3A_337 = tpu.vector_load %arg7[%swap3A_335, %swap3A_336] {strides = array<i32>} : memref<6x80xi32, #tpu.memory_space<vmem>>, vector<1x16xi32>,
        %swap3A_338 = vector.shape_cast %swap3A_337 : vector<1x16xi32> to vector<16xi32>
        %swap3A_339 = vector.shape_cast %shift_right_logical3A_333 : vector<16xi32> to vector<1x16xi32>
        tpu.vector_store %arg7[%swap3A_335, %swap3A_336], %swap3A_339 {strides = array<i32>} : memref<6x80xi32, #tpu.memory_space<vmem>>, vector<1x16xi32>,
        %get3A_340 = arith.index_cast %add3A_317 : i32 to index
        %get3A_341 = arith.constant 16 : index
        %get3A_342 = tpu.vector_load %arg6[%get3A_340, %get3A_341] {strides = array<i32>} : memref<126x80xi32, #tpu.memory_space<vmem>>, vector<1x16xi32>,
        %get3A_343 = vector.shape_cast %get3A_342 : vector<1x16xi32> to vector<16xi32>
        %and3A_344 = arith.constant 65535 : i32
        %and3A_345 = vector.broadcast %and3A_344 : i32 to vector<16xi32>
        %and3A_346 = arith.andi %get3A_343, %and3A_345 : vector<16xi32>
        %swap3A_347 = arith.constant 0 : i32
        %swap3A_348 = arith.index_cast %swap3A_347 : i32 to index
        %swap3A_349 = arith.constant 16 : index
        %swap3A_350 = tpu.vector_load %arg7[%swap3A_348, %swap3A_349] {strides = array<i32>} : memref<6x80xi32, #tpu.memory_space<vmem>>, vector<1x16xi32>,
        %swap3A_351 = vector.shape_cast %swap3A_350 : vector<1x16xi32> to vector<16xi32>
        %swap3A_352 = vector.shape_cast %and3A_346 : vector<16xi32> to vector<1x16xi32>
        tpu.vector_store %arg7[%swap3A_348, %swap3A_349], %swap3A_352 {strides = array<i32>} : memref<6x80xi32, #tpu.memory_space<vmem>>, vector<1x16xi32>,
        %shift_right_logical3A_353 = arith.constant 16 : i32
        %shift_right_logical3A_354 = vector.broadcast %shift_right_logical3A_353 : i32 to vector<16xi32>
        %shift_right_logical3A_355 = arith.shrui %get3A_343, %shift_right_logical3A_354 : vector<16xi32>
        %swap3A_356 = arith.constant 3 : i32
        %swap3A_357 = arith.index_cast %swap3A_356 : i32 to index
        %swap3A_358 = arith.constant 16 : index
        %swap3A_359 = tpu.vector_load %arg7[%swap3A_357, %swap3A_358] {strides = array<i32>} : memref<6x80xi32, #tpu.memory_space<vmem>>, vector<1x16xi32>,
        %swap3A_360 = vector.shape_cast %swap3A_359 : vector<1x16xi32> to vector<16xi32>
        %swap3A_361 = vector.shape_cast %shift_right_logical3A_355 : vector<16xi32> to vector<1x16xi32>
        tpu.vector_store %arg7[%swap3A_357, %swap3A_358], %swap3A_361 {strides = array<i32>} : memref<6x80xi32, #tpu.memory_space<vmem>>, vector<1x16xi32>,
        %get3A_362 = arith.index_cast %add3A_317 : i32 to index
        %get3A_363 = arith.constant 32 : index
        %get3A_364 = tpu.vector_load %arg6[%get3A_362, %get3A_363] {strides = array<i32>} : memref<126x80xi32, #tpu.memory_space<vmem>>, vector<1x16xi32>,
        %get3A_365 = vector.shape_cast %get3A_364 : vector<1x16xi32> to vector<16xi32>
        %and3A_366 = arith.constant 65535 : i32
        %and3A_367 = vector.broadcast %and3A_366 : i32 to vector<16xi32>
        %and3A_368 = arith.andi %get3A_365, %and3A_367 : vector<16xi32>
        %swap3A_369 = arith.constant 0 : i32
        %swap3A_370 = arith.index_cast %swap3A_369 : i32 to index
        %swap3A_371 = arith.constant 32 : index
        %swap3A_372 = tpu.vector_load %arg7[%swap3A_370, %swap3A_371] {strides = array<i32>} : memref<6x80xi32, #tpu.memory_space<vmem>>, vector<1x16xi32>,
        %swap3A_373 = vector.shape_cast %swap3A_372 : vector<1x16xi32> to vector<16xi32>
        %swap3A_374 = vector.shape_cast %and3A_368 : vector<16xi32> to vector<1x16xi32>
        tpu.vector_store %arg7[%swap3A_370, %swap3A_371], %swap3A_374 {strides = array<i32>} : memref<6x80xi32, #tpu.memory_space<vmem>>, vector<1x16xi32>,
        %shift_right_logical3A_375 = arith.constant 16 : i32
        %shift_right_logical3A_376 = vector.broadcast %shift_right_logical3A_375 : i32 to vector<16xi32>
        %shift_right_logical3A_377 = arith.shrui %get3A_365, %shift_right_logical3A_376 : vector<16xi32>
        %swap3A_378 = arith.constant 3 : i32
        %swap3A_379 = arith.index_cast %swap3A_378 : i32 to index
        %swap3A_380 = arith.constant 32 : index
        %swap3A_381 = tpu.vector_load %arg7[%swap3A_379, %swap3A_380] {strides = array<i32>} : memref<6x80xi32, #tpu.memory_space<vmem>>, vector<1x16xi32>,
        %swap3A_382 = vector.shape_cast %swap3A_381 : vector<1x16xi32> to vector<16xi32>
        %swap3A_383 = vector.shape_cast %shift_right_logical3A_377 : vector<16xi32> to vector<1x16xi32>
        tpu.vector_store %arg7[%swap3A_379, %swap3A_380], %swap3A_383 {strides = array<i32>} : memref<6x80xi32, #tpu.memory_space<vmem>>, vector<1x16xi32>,
        %get3A_384 = arith.index_cast %add3A_317 : i32 to index
        %get3A_385 = arith.constant 48 : index
        %get3A_386 = tpu.vector_load %arg6[%get3A_384, %get3A_385] {strides = array<i32>} : memref<126x80xi32, #tpu.memory_space<vmem>>, vector<1x16xi32>,
        %get3A_387 = vector.shape_cast %get3A_386 : vector<1x16xi32> to vector<16xi32>
        %and3A_388 = arith.constant 65535 : i32
        %and3A_389 = vector.broadcast %and3A_388 : i32 to vector<16xi32>
        %and3A_390 = arith.andi %get3A_387, %and3A_389 : vector<16xi32>
        %swap3A_391 = arith.constant 0 : i32
        %swap3A_392 = arith.index_cast %swap3A_391 : i32 to index
        %swap3A_393 = arith.constant 48 : index
        %swap3A_394 = tpu.vector_load %arg7[%swap3A_392, %swap3A_393] {strides = array<i32>} : memref<6x80xi32, #tpu.memory_space<vmem>>, vector<1x16xi32>,
        %swap3A_395 = vector.shape_cast %swap3A_394 : vector<1x16xi32> to vector<16xi32>
        %swap3A_396 = vector.shape_cast %and3A_390 : vector<16xi32> to vector<1x16xi32>
        tpu.vector_store %arg7[%swap3A_392, %swap3A_393], %swap3A_396 {strides = array<i32>} : memref<6x80xi32, #tpu.memory_space<vmem>>, vector<1x16xi32>,
        %shift_right_logical3A_397 = arith.constant 16 : i32
        %shift_right_logical3A_398 = vector.broadcast %shift_right_logical3A_397 : i32 to vector<16xi32>
        %shift_right_logical3A_399 = arith.shrui %get3A_387, %shift_right_logical3A_398 : vector<16xi32>
        %swap3A_400 = arith.constant 3 : i32
        %swap3A_401 = arith.index_cast %swap3A_400 : i32 to index
        %swap3A_402 = arith.constant 48 : index
        %swap3A_403 = tpu.vector_load %arg7[%swap3A_401, %swap3A_402] {strides = array<i32>} : memref<6x80xi32, #tpu.memory_space<vmem>>, vector<1x16xi32>,
        %swap3A_404 = vector.shape_cast %swap3A_403 : vector<1x16xi32> to vector<16xi32>
        %swap3A_405 = vector.shape_cast %shift_right_logical3A_399 : vector<16xi32> to vector<1x16xi32>
        tpu.vector_store %arg7[%swap3A_401, %swap3A_402], %swap3A_405 {strides = array<i32>} : memref<6x80xi32, #tpu.memory_space<vmem>>, vector<1x16xi32>,
        %get3A_406 = arith.index_cast %add3A_317 : i32 to index
        %get3A_407 = arith.constant 64 : index
        %get3A_408 = tpu.vector_load %arg6[%get3A_406, %get3A_407] {strides = array<i32>} : memref<126x80xi32, #tpu.memory_space<vmem>>, vector<1x16xi32>,
        %get3A_409 = vector.shape_cast %get3A_408 : vector<1x16xi32> to vector<16xi32>
        %and3A_410 = arith.constant 65535 : i32
        %and3A_411 = vector.broadcast %and3A_410 : i32 to vector<16xi32>
        %and3A_412 = arith.andi %get3A_409, %and3A_411 : vector<16xi32>
        %swap3A_413 = arith.constant 0 : i32
        %swap3A_414 = arith.index_cast %swap3A_413 : i32 to index
        %swap3A_415 = arith.constant 64 : index
        %swap3A_416 = tpu.vector_load %arg7[%swap3A_414, %swap3A_415] {strides = array<i32>} : memref<6x80xi32, #tpu.memory_space<vmem>>, vector<1x16xi32>,
        %swap3A_417 = vector.shape_cast %swap3A_416 : vector<1x16xi32> to vector<16xi32>
        %swap3A_418 = vector.shape_cast %and3A_412 : vector<16xi32> to vector<1x16xi32>
        tpu.vector_store %arg7[%swap3A_414, %swap3A_415], %swap3A_418 {strides = array<i32>} : memref<6x80xi32, #tpu.memory_space<vmem>>, vector<1x16xi32>,
        %shift_right_logical3A_419 = arith.constant 16 : i32
        %shift_right_logical3A_420 = vector.broadcast %shift_right_logical3A_419 : i32 to vector<16xi32>
        %shift_right_logical3A_421 = arith.shrui %get3A_409, %shift_right_logical3A_420 : vector<16xi32>
        %swap3A_422 = arith.constant 3 : i32
        %swap3A_423 = arith.index_cast %swap3A_422 : i32 to index
        %swap3A_424 = arith.constant 64 : index
        %swap3A_425 = tpu.vector_load %arg7[%swap3A_423, %swap3A_424] {strides = array<i32>} : memref<6x80xi32, #tpu.memory_space<vmem>>, vector<1x16xi32>,
        %swap3A_426 = vector.shape_cast %swap3A_425 : vector<1x16xi32> to vector<16xi32>
        %swap3A_427 = vector.shape_cast %shift_right_logical3A_421 : vector<16xi32> to vector<1x16xi32>
        tpu.vector_store %arg7[%swap3A_423, %swap3A_424], %swap3A_427 {strides = array<i32>} : memref<6x80xi32, #tpu.memory_space<vmem>>, vector<1x16xi32>,
        %dma_start3A_428 = arith.constant 0 : i32
        %dma_start3A_429 = arith.constant 0 : i32
        %dma_start3A_430 = tpu.memref_slice %arg7[%dma_start3A_428, %dma_start3A_429] : memref<6x80xi32, #tpu.memory_space<vmem>> -> memref<1x80xi32, #tpu.memory_space<vmem>>
        %dma_start3A_431 = tpu.memref_squeeze %dma_start3A_430 : memref<1x80xi32, #tpu.memory_space<vmem>> -> memref<80xi32, #tpu.memory_space<vmem>>
        %dma_start3A_432 = arith.constant 0 : i32
        %dma_start3A_433 = arith.constant 0 : i32
        %dma_start3A_434 = tpu.memref_slice %arg2[%dma_start3A_432, %dma_start3A_433] : memref<10000x128xf32, #tpu.memory_space<hbm>> -> memref<10000x128xf32, #tpu.memory_space<hbm>>
        tpu.enqueue_indirect_dma source(%dma_start3A_434 : memref<10000x128xf32, #tpu.memory_space<hbm>>) target(%arg8 : memref<80x128xf32, #tpu.memory_space<vmem>>) offsets(%dma_start3A_431 : memref<80xi32, #tpu.memory_space<vmem>>) semaphore(%arg12 : memref<!tpu.dma_semaphore, #tpu.memory_space<semaphore_mem>>)
      } else {
      }
      %run_scoped3A_296 = arith.constant 4 : i32
      "tpu.region"() ({
        %run_scoped3A_316 = tpu.sem_alloc : memref<!tpu.dma_semaphore, #tpu.memory_space<semaphore_mem>>
        %dma_start3A_317 = arith.constant 0 : i32
        %dma_start3A_318 = tpu.memref_slice %arg7[%run_scoped3A_296, %dma_start3A_317] : memref<6x80xi32, #tpu.memory_space<vmem>> -> memref<1x80xi32, #tpu.memory_space<vmem>>
        %dma_start3A_319 = tpu.memref_squeeze %dma_start3A_318 : memref<1x80xi32, #tpu.memory_space<vmem>> -> memref<80xi32, #tpu.memory_space<vmem>>
        %dma_start3A_320 = arith.constant 0 : i32
        %dma_start3A_321 = arith.constant 0 : i32
        %dma_start3A_322 = tpu.memref_slice %arg11[%dma_start3A_320, %dma_start3A_321] : memref<10128x128xf32, #tpu.memory_space<vmem_shared>> -> memref<10128x128xf32, #tpu.memory_space<vmem_shared>>
        tpu.enqueue_indirect_dma source(%arg9 : memref<80x128xf32, #tpu.memory_space<vmem>>) target(%dma_start3A_322 : memref<10128x128xf32, #tpu.memory_space<vmem_shared>>) offsets(%dma_start3A_319 : memref<80xi32, #tpu.memory_space<vmem>>) semaphore(%run_scoped3A_316 : memref<!tpu.dma_semaphore, #tpu.memory_space<semaphore_mem>>) {add = true}
        %dma_wait3A_323 = arith.constant 0 : i32
        %dma_wait3A_324 = tpu.memref_slice %arg7[%run_scoped3A_296, %dma_wait3A_323] : memref<6x80xi32, #tpu.memory_space<vmem>> -> memref<1x80xi32, #tpu.memory_space<vmem>>
        %dma_wait3A_325 = tpu.memref_squeeze %dma_wait3A_324 : memref<1x80xi32, #tpu.memory_space<vmem>> -> memref<80xi32, #tpu.memory_space<vmem>>
        %dma_wait3A_326 = arith.constant 0 : i32
        %dma_wait3A_327 = arith.constant 0 : i32
        %dma_wait3A_328 = tpu.memref_slice %arg11[%dma_wait3A_326, %dma_wait3A_327] : memref<10128x128xf32, #tpu.memory_space<vmem_shared>> -> memref<10128x128xf32, #tpu.memory_space<vmem_shared>>
        tpu.wait_indirect_dma semaphore(%run_scoped3A_316 : memref<!tpu.dma_semaphore, #tpu.memory_space<semaphore_mem>>) src(%arg9 : memref<80x128xf32, #tpu.memory_space<vmem>>) dst(%dma_wait3A_328 : memref<10128x128xf32, #tpu.memory_space<vmem_shared>>)
        tpu.yield
      }) : () -> ()
      %mul3A_297 = arith.constant 3 : i32
      %mul3A_298 = arith.muli %mul3A_297, %scan3A_261 : i32
      %add3A_299 = arith.constant 2 : i32
      %add3A_300 = arith.addi %mul3A_298, %add3A_299 : i32
      %dma_wait3A_301 = arith.constant 2 : i32
      %dma_wait3A_302 = arith.constant 0 : i32
      %dma_wait3A_303 = tpu.memref_slice %arg7[%dma_wait3A_301, %dma_wait3A_302] : memref<6x80xi32, #tpu.memory_space<vmem>> -> memref<1x80xi32, #tpu.memory_space<vmem>>
      %dma_wait3A_304 = tpu.memref_squeeze %dma_wait3A_303 : memref<1x80xi32, #tpu.memory_space<vmem>> -> memref<80xi32, #tpu.memory_space<vmem>>
      %dma_wait3A_305 = arith.constant 0 : i32
      %dma_wait3A_306 = arith.constant 0 : i32
      %dma_wait3A_307 = tpu.memref_slice %arg2[%dma_wait3A_305, %dma_wait3A_306] : memref<10000x128xf32, #tpu.memory_space<hbm>> -> memref<10000x128xf32, #tpu.memory_space<hbm>>
      tpu.wait_indirect_dma semaphore(%arg14 : memref<!tpu.dma_semaphore, #tpu.memory_space<semaphore_mem>>) src(%dma_wait3A_307 : memref<10000x128xf32, #tpu.memory_space<hbm>>) dst(%arg10 : memref<80x128xf32, #tpu.memory_space<vmem>>)
      %add3A_308 = arith.constant 2 : i32
      %add3A_309 = arith.addi %add3A_300, %add3A_308 : i32
      %lt3A_310 = arith.constant 126 : i32
      %lt3A_311 = arith.cmpi slt, %add3A_309, %lt3A_310 : i32
      %convert_element_type3A_312 = arith.extui %lt3A_311 : i1 to i32
      %cond3A_313 = arith.constant 0 : i32
      %cond3A_314 = arith.cmpi ne, %convert_element_type3A_312, %cond3A_313 : i32
      scf.if %cond3A_314 {
        %add3A_316 = arith.constant 2 : i32
        %add3A_317 = arith.addi %add3A_300, %add3A_316 : i32
        %get3A_318 = arith.index_cast %add3A_317 : i32 to index
        %get3A_319 = arith.constant 0 : index
        %get3A_320 = tpu.vector_load %arg6[%get3A_318, %get3A_319] {strides = array<i32>} : memref<126x80xi32, #tpu.memory_space<vmem>>, vector<1x16xi32>,
        %get3A_321 = vector.shape_cast %get3A_320 : vector<1x16xi32> to vector<16xi32>
        %and3A_322 = arith.constant 65535 : i32
        %and3A_323 = vector.broadcast %and3A_322 : i32 to vector<16xi32>
        %and3A_324 = arith.andi %get3A_321, %and3A_323 : vector<16xi32>
        %swap3A_325 = arith.constant 1 : i32
        %swap3A_326 = arith.index_cast %swap3A_325 : i32 to index
        %swap3A_327 = arith.constant 0 : index
        %swap3A_328 = tpu.vector_load %arg7[%swap3A_326, %swap3A_327] {strides = array<i32>} : memref<6x80xi32, #tpu.memory_space<vmem>>, vector<1x16xi32>,
        %swap3A_329 = vector.shape_cast %swap3A_328 : vector<1x16xi32> to vector<16xi32>
        %swap3A_330 = vector.shape_cast %and3A_324 : vector<16xi32> to vector<1x16xi32>
        tpu.vector_store %arg7[%swap3A_326, %swap3A_327], %swap3A_330 {strides = array<i32>} : memref<6x80xi32, #tpu.memory_space<vmem>>, vector<1x16xi32>,
        %shift_right_logical3A_331 = arith.constant 16 : i32
        %shift_right_logical3A_332 = vector.broadcast %shift_right_logical3A_331 : i32 to vector<16xi32>
        %shift_right_logical3A_333 = arith.shrui %get3A_321, %shift_right_logical3A_332 : vector<16xi32>
        %swap3A_334 = arith.constant 4 : i32
        %swap3A_335 = arith.index_cast %swap3A_334 : i32 to index
        %swap3A_336 = arith.constant 0 : index
        %swap3A_337 = tpu.vector_load %arg7[%swap3A_335, %swap3A_336] {strides = array<i32>} : memref<6x80xi32, #tpu.memory_space<vmem>>, vector<1x16xi32>,
        %swap3A_338 = vector.shape_cast %swap3A_337 : vector<1x16xi32> to vector<16xi32>
        %swap3A_339 = vector.shape_cast %shift_right_logical3A_333 : vector<16xi32> to vector<1x16xi32>
        tpu.vector_store %arg7[%swap3A_335, %swap3A_336], %swap3A_339 {strides = array<i32>} : memref<6x80xi32, #tpu.memory_space<vmem>>, vector<1x16xi32>,
        %get3A_340 = arith.index_cast %add3A_317 : i32 to index
        %get3A_341 = arith.constant 16 : index
        %get3A_342 = tpu.vector_load %arg6[%get3A_340, %get3A_341] {strides = array<i32>} : memref<126x80xi32, #tpu.memory_space<vmem>>, vector<1x16xi32>,
        %get3A_343 = vector.shape_cast %get3A_342 : vector<1x16xi32> to vector<16xi32>
        %and3A_344 = arith.constant 65535 : i32
        %and3A_345 = vector.broadcast %and3A_344 : i32 to vector<16xi32>
        %and3A_346 = arith.andi %get3A_343, %and3A_345 : vector<16xi32>
        %swap3A_347 = arith.constant 1 : i32
        %swap3A_348 = arith.index_cast %swap3A_347 : i32 to index
        %swap3A_349 = arith.constant 16 : index
        %swap3A_350 = tpu.vector_load %arg7[%swap3A_348, %swap3A_349] {strides = array<i32>} : memref<6x80xi32, #tpu.memory_space<vmem>>, vector<1x16xi32>,
        %swap3A_351 = vector.shape_cast %swap3A_350 : vector<1x16xi32> to vector<16xi32>
        %swap3A_352 = vector.shape_cast %and3A_346 : vector<16xi32> to vector<1x16xi32>
        tpu.vector_store %arg7[%swap3A_348, %swap3A_349], %swap3A_352 {strides = array<i32>} : memref<6x80xi32, #tpu.memory_space<vmem>>, vector<1x16xi32>,
        %shift_right_logical3A_353 = arith.constant 16 : i32
        %shift_right_logical3A_354 = vector.broadcast %shift_right_logical3A_353 : i32 to vector<16xi32>
        %shift_right_logical3A_355 = arith.shrui %get3A_343, %shift_right_logical3A_354 : vector<16xi32>
        %swap3A_356 = arith.constant 4 : i32
        %swap3A_357 = arith.index_cast %swap3A_356 : i32 to index
        %swap3A_358 = arith.constant 16 : index
        %swap3A_359 = tpu.vector_load %arg7[%swap3A_357, %swap3A_358] {strides = array<i32>} : memref<6x80xi32, #tpu.memory_space<vmem>>, vector<1x16xi32>,
        %swap3A_360 = vector.shape_cast %swap3A_359 : vector<1x16xi32> to vector<16xi32>
        %swap3A_361 = vector.shape_cast %shift_right_logical3A_355 : vector<16xi32> to vector<1x16xi32>
        tpu.vector_store %arg7[%swap3A_357, %swap3A_358], %swap3A_361 {strides = array<i32>} : memref<6x80xi32, #tpu.memory_space<vmem>>, vector<1x16xi32>,
        %get3A_362 = arith.index_cast %add3A_317 : i32 to index
        %get3A_363 = arith.constant 32 : index
        %get3A_364 = tpu.vector_load %arg6[%get3A_362, %get3A_363] {strides = array<i32>} : memref<126x80xi32, #tpu.memory_space<vmem>>, vector<1x16xi32>,
        %get3A_365 = vector.shape_cast %get3A_364 : vector<1x16xi32> to vector<16xi32>
        %and3A_366 = arith.constant 65535 : i32
        %and3A_367 = vector.broadcast %and3A_366 : i32 to vector<16xi32>
        %and3A_368 = arith.andi %get3A_365, %and3A_367 : vector<16xi32>
        %swap3A_369 = arith.constant 1 : i32
        %swap3A_370 = arith.index_cast %swap3A_369 : i32 to index
        %swap3A_371 = arith.constant 32 : index
        %swap3A_372 = tpu.vector_load %arg7[%swap3A_370, %swap3A_371] {strides = array<i32>} : memref<6x80xi32, #tpu.memory_space<vmem>>, vector<1x16xi32>,
        %swap3A_373 = vector.shape_cast %swap3A_372 : vector<1x16xi32> to vector<16xi32>
        %swap3A_374 = vector.shape_cast %and3A_368 : vector<16xi32> to vector<1x16xi32>
        tpu.vector_store %arg7[%swap3A_370, %swap3A_371], %swap3A_374 {strides = array<i32>} : memref<6x80xi32, #tpu.memory_space<vmem>>, vector<1x16xi32>,
        %shift_right_logical3A_375 = arith.constant 16 : i32
        %shift_right_logical3A_376 = vector.broadcast %shift_right_logical3A_375 : i32 to vector<16xi32>
        %shift_right_logical3A_377 = arith.shrui %get3A_365, %shift_right_logical3A_376 : vector<16xi32>
        %swap3A_378 = arith.constant 4 : i32
        %swap3A_379 = arith.index_cast %swap3A_378 : i32 to index
        %swap3A_380 = arith.constant 32 : index
        %swap3A_381 = tpu.vector_load %arg7[%swap3A_379, %swap3A_380] {strides = array<i32>} : memref<6x80xi32, #tpu.memory_space<vmem>>, vector<1x16xi32>,
        %swap3A_382 = vector.shape_cast %swap3A_381 : vector<1x16xi32> to vector<16xi32>
        %swap3A_383 = vector.shape_cast %shift_right_logical3A_377 : vector<16xi32> to vector<1x16xi32>
        tpu.vector_store %arg7[%swap3A_379, %swap3A_380], %swap3A_383 {strides = array<i32>} : memref<6x80xi32, #tpu.memory_space<vmem>>, vector<1x16xi32>,
        %get3A_384 = arith.index_cast %add3A_317 : i32 to index
        %get3A_385 = arith.constant 48 : index
        %get3A_386 = tpu.vector_load %arg6[%get3A_384, %get3A_385] {strides = array<i32>} : memref<126x80xi32, #tpu.memory_space<vmem>>, vector<1x16xi32>,
        %get3A_387 = vector.shape_cast %get3A_386 : vector<1x16xi32> to vector<16xi32>
        %and3A_388 = arith.constant 65535 : i32
        %and3A_389 = vector.broadcast %and3A_388 : i32 to vector<16xi32>
        %and3A_390 = arith.andi %get3A_387, %and3A_389 : vector<16xi32>
        %swap3A_391 = arith.constant 1 : i32
        %swap3A_392 = arith.index_cast %swap3A_391 : i32 to index
        %swap3A_393 = arith.constant 48 : index
        %swap3A_394 = tpu.vector_load %arg7[%swap3A_392, %swap3A_393] {strides = array<i32>} : memref<6x80xi32, #tpu.memory_space<vmem>>, vector<1x16xi32>,
        %swap3A_395 = vector.shape_cast %swap3A_394 : vector<1x16xi32> to vector<16xi32>
        %swap3A_396 = vector.shape_cast %and3A_390 : vector<16xi32> to vector<1x16xi32>
        tpu.vector_store %arg7[%swap3A_392, %swap3A_393], %swap3A_396 {strides = array<i32>} : memref<6x80xi32, #tpu.memory_space<vmem>>, vector<1x16xi32>,
        %shift_right_logical3A_397 = arith.constant 16 : i32
        %shift_right_logical3A_398 = vector.broadcast %shift_right_logical3A_397 : i32 to vector<16xi32>
        %shift_right_logical3A_399 = arith.shrui %get3A_387, %shift_right_logical3A_398 : vector<16xi32>
        %swap3A_400 = arith.constant 4 : i32
        %swap3A_401 = arith.index_cast %swap3A_400 : i32 to index
        %swap3A_402 = arith.constant 48 : index
        %swap3A_403 = tpu.vector_load %arg7[%swap3A_401, %swap3A_402] {strides = array<i32>} : memref<6x80xi32, #tpu.memory_space<vmem>>, vector<1x16xi32>,
        %swap3A_404 = vector.shape_cast %swap3A_403 : vector<1x16xi32> to vector<16xi32>
        %swap3A_405 = vector.shape_cast %shift_right_logical3A_399 : vector<16xi32> to vector<1x16xi32>
        tpu.vector_store %arg7[%swap3A_401, %swap3A_402], %swap3A_405 {strides = array<i32>} : memref<6x80xi32, #tpu.memory_space<vmem>>, vector<1x16xi32>,
        %get3A_406 = arith.index_cast %add3A_317 : i32 to index
        %get3A_407 = arith.constant 64 : index
        %get3A_408 = tpu.vector_load %arg6[%get3A_406, %get3A_407] {strides = array<i32>} : memref<126x80xi32, #tpu.memory_space<vmem>>, vector<1x16xi32>,
        %get3A_409 = vector.shape_cast %get3A_408 : vector<1x16xi32> to vector<16xi32>
        %and3A_410 = arith.constant 65535 : i32
        %and3A_411 = vector.broadcast %and3A_410 : i32 to vector<16xi32>
        %and3A_412 = arith.andi %get3A_409, %and3A_411 : vector<16xi32>
        %swap3A_413 = arith.constant 1 : i32
        %swap3A_414 = arith.index_cast %swap3A_413 : i32 to index
        %swap3A_415 = arith.constant 64 : index
        %swap3A_416 = tpu.vector_load %arg7[%swap3A_414, %swap3A_415] {strides = array<i32>} : memref<6x80xi32, #tpu.memory_space<vmem>>, vector<1x16xi32>,
        %swap3A_417 = vector.shape_cast %swap3A_416 : vector<1x16xi32> to vector<16xi32>
        %swap3A_418 = vector.shape_cast %and3A_412 : vector<16xi32> to vector<1x16xi32>
        tpu.vector_store %arg7[%swap3A_414, %swap3A_415], %swap3A_418 {strides = array<i32>} : memref<6x80xi32, #tpu.memory_space<vmem>>, vector<1x16xi32>,
        %shift_right_logical3A_419 = arith.constant 16 : i32
        %shift_right_logical3A_420 = vector.broadcast %shift_right_logical3A_419 : i32 to vector<16xi32>
        %shift_right_logical3A_421 = arith.shrui %get3A_409, %shift_right_logical3A_420 : vector<16xi32>
        %swap3A_422 = arith.constant 4 : i32
        %swap3A_423 = arith.index_cast %swap3A_422 : i32 to index
        %swap3A_424 = arith.constant 64 : index
        %swap3A_425 = tpu.vector_load %arg7[%swap3A_423, %swap3A_424] {strides = array<i32>} : memref<6x80xi32, #tpu.memory_space<vmem>>, vector<1x16xi32>,
        %swap3A_426 = vector.shape_cast %swap3A_425 : vector<1x16xi32> to vector<16xi32>
        %swap3A_427 = vector.shape_cast %shift_right_logical3A_421 : vector<16xi32> to vector<1x16xi32>
        tpu.vector_store %arg7[%swap3A_423, %swap3A_424], %swap3A_427 {strides = array<i32>} : memref<6x80xi32, #tpu.memory_space<vmem>>, vector<1x16xi32>,
        %dma_start3A_428 = arith.constant 1 : i32
        %dma_start3A_429 = arith.constant 0 : i32
        %dma_start3A_430 = tpu.memref_slice %arg7[%dma_start3A_428, %dma_start3A_429] : memref<6x80xi32, #tpu.memory_space<vmem>> -> memref<1x80xi32, #tpu.memory_space<vmem>>
        %dma_start3A_431 = tpu.memref_squeeze %dma_start3A_430 : memref<1x80xi32, #tpu.memory_space<vmem>> -> memref<80xi32, #tpu.memory_space<vmem>>
        %dma_start3A_432 = arith.constant 0 : i32
        %dma_start3A_433 = arith.constant 0 : i32
        %dma_start3A_434 = tpu.memref_slice %arg2[%dma_start3A_432, %dma_start3A_433] : memref<10000x128xf32, #tpu.memory_space<hbm>> -> memref<10000x128xf32, #tpu.memory_space<hbm>>
        tpu.enqueue_indirect_dma source(%dma_start3A_434 : memref<10000x128xf32, #tpu.memory_space<hbm>>) target(%arg9 : memref<80x128xf32, #tpu.memory_space<vmem>>) offsets(%dma_start3A_431 : memref<80xi32, #tpu.memory_space<vmem>>) semaphore(%arg13 : memref<!tpu.dma_semaphore, #tpu.memory_space<semaphore_mem>>)
      } else {
      }
      %run_scoped3A_315 = arith.constant 5 : i32
      "tpu.region"() ({
        %run_scoped3A_316 = tpu.sem_alloc : memref<!tpu.dma_semaphore, #tpu.memory_space<semaphore_mem>>
        %dma_start3A_317 = arith.constant 0 : i32
        %dma_start3A_318 = tpu.memref_slice %arg7[%run_scoped3A_315, %dma_start3A_317] : memref<6x80xi32, #tpu.memory_space<vmem>> -> memref<1x80xi32, #tpu.memory_space<vmem>>
        %dma_start3A_319 = tpu.memref_squeeze %dma_start3A_318 : memref<1x80xi32, #tpu.memory_space<vmem>> -> memref<80xi32, #tpu.memory_space<vmem>>
        %dma_start3A_320 = arith.constant 0 : i32
        %dma_start3A_321 = arith.constant 0 : i32
        %dma_start3A_322 = tpu.memref_slice %arg11[%dma_start3A_320, %dma_start3A_321] : memref<10128x128xf32, #tpu.memory_space<vmem_shared>> -> memref<10128x128xf32, #tpu.memory_space<vmem_shared>>
        tpu.enqueue_indirect_dma source(%arg10 : memref<80x128xf32, #tpu.memory_space<vmem>>) target(%dma_start3A_322 : memref<10128x128xf32, #tpu.memory_space<vmem_shared>>) offsets(%dma_start3A_319 : memref<80xi32, #tpu.memory_space<vmem>>) semaphore(%run_scoped3A_316 : memref<!tpu.dma_semaphore, #tpu.memory_space<semaphore_mem>>) {add = true}
        %dma_wait3A_323 = arith.constant 0 : i32
        %dma_wait3A_324 = tpu.memref_slice %arg7[%run_scoped3A_315, %dma_wait3A_323] : memref<6x80xi32, #tpu.memory_space<vmem>> -> memref<1x80xi32, #tpu.memory_space<vmem>>
        %dma_wait3A_325 = tpu.memref_squeeze %dma_wait3A_324 : memref<1x80xi32, #tpu.memory_space<vmem>> -> memref<80xi32, #tpu.memory_space<vmem>>
        %dma_wait3A_326 = arith.constant 0 : i32
        %dma_wait3A_327 = arith.constant 0 : i32
        %dma_wait3A_328 = tpu.memref_slice %arg11[%dma_wait3A_326, %dma_wait3A_327] : memref<10128x128xf32, #tpu.memory_space<vmem_shared>> -> memref<10128x128xf32, #tpu.memory_space<vmem_shared>>
        tpu.wait_indirect_dma semaphore(%run_scoped3A_316 : memref<!tpu.dma_semaphore, #tpu.memory_space<semaphore_mem>>) src(%arg10 : memref<80x128xf32, #tpu.memory_space<vmem>>) dst(%dma_wait3A_328 : memref<10128x128xf32, #tpu.memory_space<vmem_shared>>)
        tpu.yield
      }) : () -> ()
    }
    %scan3A_250 = arith.constant 42 : i32
    %barrier3A_251 = arith.constant 0 : index
    tpu.barrier barrier_id(%barrier3A_251)
    %mul3A_252 = arith.constant 624 : i32
    %mul3A_253 = arith.muli %arg1, %mul3A_252 : i32
    %mul3A_254 = arith.constant 624 : i32
    %mul3A_255 = arith.muli %arg1, %mul3A_254 : i32
    "tpu.region"() ({
      %run_scoped3A = tpu.sem_alloc : memref<!tpu.dma_semaphore, #tpu.memory_space<semaphore_mem>>
      %dma_start3A_261 = arith.constant 0 : i32
      %dma_start3A_262 = tpu.memref_slice %arg5[%arg0, %mul3A_255, %dma_start3A_261] : memref<2x10000x128xf32, #tpu.memory_space<hbm>> -> memref<1x624x128xf32, #tpu.memory_space<hbm>>
      %dma_start3A_263 = tpu.memref_squeeze %dma_start3A_262 : memref<1x624x128xf32, #tpu.memory_space<hbm>> -> memref<624x128xf32, #tpu.memory_space<hbm>>
      %dma_start3A_264 = arith.constant 0 : i32
      %dma_start3A_265 = tpu.memref_slice %arg11[%mul3A_253, %dma_start3A_264] : memref<10128x128xf32, #tpu.memory_space<vmem_shared>> -> memref<624x128xf32, #tpu.memory_space<vmem_shared>>
      tpu.enqueue_dma source(%dma_start3A_265 : memref<624x128xf32, #tpu.memory_space<vmem_shared>>) target(%dma_start3A_263 : memref<624x128xf32, #tpu.memory_space<hbm>>) target_semaphore(%run_scoped3A : memref<!tpu.dma_semaphore, #tpu.memory_space<semaphore_mem>>)
      %dma_wait3A = arith.constant 0 : i32
      %dma_wait3A_266 = tpu.memref_slice %arg5[%arg0, %mul3A_255, %dma_wait3A] : memref<2x10000x128xf32, #tpu.memory_space<hbm>> -> memref<1x624x128xf32, #tpu.memory_space<hbm>>
      %dma_wait3A_267 = tpu.memref_squeeze %dma_wait3A_266 : memref<1x624x128xf32, #tpu.memory_space<hbm>> -> memref<624x128xf32, #tpu.memory_space<hbm>>
      %dma_wait3A_268 = arith.constant 0 : i32
      %dma_wait3A_269 = tpu.memref_slice %arg11[%mul3A_253, %dma_wait3A_268] : memref<10128x128xf32, #tpu.memory_space<vmem_shared>> -> memref<624x128xf32, #tpu.memory_space<vmem_shared>>
      tpu.wait_dma2 semaphore(%run_scoped3A : memref<!tpu.dma_semaphore, #tpu.memory_space<semaphore_mem>>) src(%dma_wait3A_269 : memref<624x128xf32, #tpu.memory_space<vmem_shared>>) dst(%dma_wait3A_267 : memref<624x128xf32, #tpu.memory_space<hbm>>)
      tpu.yield
    }) : () -> ()
    %eq3A_256 = arith.constant 15 : i32
    %eq3A_257 = arith.cmpi eq, %arg1, %eq3A_256 : i32
    %convert_element_type3A_258 = arith.extui %eq3A_257 : i1 to i32
    %cond3A_259 = arith.constant 0 : i32
    %cond3A_260 = arith.cmpi ne, %convert_element_type3A_258, %cond3A_259 : i32
    scf.if %cond3A_260 {
      "tpu.region"() ({
        %run_scoped3A = tpu.sem_alloc : memref<!tpu.dma_semaphore, #tpu.memory_space<semaphore_mem>>
        %dma_start3A_261 = arith.constant 9984 : i32
        %dma_start3A_262 = arith.constant 0 : i32
        %dma_start3A_263 = tpu.memref_slice %arg5[%arg0, %dma_start3A_261, %dma_start3A_262] : memref<2x10000x128xf32, #tpu.memory_space<hbm>> -> memref<1x16x128xf32, #tpu.memory_space<hbm>>
        %dma_start3A_264 = tpu.memref_squeeze %dma_start3A_263 : memref<1x16x128xf32, #tpu.memory_space<hbm>> -> memref<16x128xf32, #tpu.memory_space<hbm>>
        %dma_start3A_265 = arith.constant 9984 : i32
        %dma_start3A_266 = arith.constant 0 : i32
        %dma_start3A_267 = tpu.memref_slice %arg11[%dma_start3A_265, %dma_start3A_266] : memref<10128x128xf32, #tpu.memory_space<vmem_shared>> -> memref<16x128xf32, #tpu.memory_space<vmem_shared>>
        tpu.enqueue_dma source(%dma_start3A_267 : memref<16x128xf32, #tpu.memory_space<vmem_shared>>) target(%dma_start3A_264 : memref<16x128xf32, #tpu.memory_space<hbm>>) target_semaphore(%run_scoped3A : memref<!tpu.dma_semaphore, #tpu.memory_space<semaphore_mem>>)
        %dma_wait3A = arith.constant 9984 : i32
        %dma_wait3A_268 = arith.constant 0 : i32
        %dma_wait3A_269 = tpu.memref_slice %arg5[%arg0, %dma_wait3A, %dma_wait3A_268] : memref<2x10000x128xf32, #tpu.memory_space<hbm>> -> memref<1x16x128xf32, #tpu.memory_space<hbm>>
        %dma_wait3A_270 = tpu.memref_squeeze %dma_wait3A_269 : memref<1x16x128xf32, #tpu.memory_space<hbm>> -> memref<16x128xf32, #tpu.memory_space<hbm>>
        %dma_wait3A_271 = arith.constant 9984 : i32
        %dma_wait3A_272 = arith.constant 0 : i32
        %dma_wait3A_273 = tpu.memref_slice %arg11[%dma_wait3A_271, %dma_wait3A_272] : memref<10128x128xf32, #tpu.memory_space<vmem_shared>> -> memref<16x128xf32, #tpu.memory_space<vmem_shared>>
        tpu.wait_dma2 semaphore(%run_scoped3A : memref<!tpu.dma_semaphore, #tpu.memory_space<semaphore_mem>>) src(%dma_wait3A_273 : memref<16x128xf32, #tpu.memory_space<vmem_shared>>) dst(%dma_wait3A_270 : memref<16x128xf32, #tpu.memory_space<hbm>>)
        tpu.yield
      }) : () -> ()
    } else {
    }
    return
  }
}

#map = affine_map<(d0, d1) -> (0, 0, 0)>
#map1 = affine_map<(d0, d1) -> (0, 0)>
module attributes {stable_mosaic.version = 14 : i64} {
  func.func @_sc_count_body(%arg0: i32, %arg1: i32, %arg2: memref<32x126x80xi32, #tpu.memory_space<hbm>>, %arg3: memref<10128x128xf32, #tpu.memory_space<hbm>>, %arg4: memref<80x128xf32, #tpu.memory_space<hbm>>, %arg5: memref<2x10000x128xf32, #tpu.memory_space<hbm>>, %arg6: memref<126x80xi32, #tpu.memory_space<vmem>>, %arg7: memref<4x80xi32, #tpu.memory_space<vmem>>, %arg8: memref<80x128xf32, #tpu.memory_space<vmem>>, %arg9: memref<10128x128xf32, #tpu.memory_space<vmem_shared>>) attributes {dimension_semantics = [#tpu.dimension_semantics<core_parallel>, #tpu.dimension_semantics<subcore_parallel>], iteration_bounds = array<i64: 2, 16>, scalar_prefetch = 0 : i64, scratch_operands = 4 : i64, tpu.core_type = #tpu.core_type<sc_vector_subcore>, window_params = [{transform_indices = #map}, {transform_indices = #map1}, {transform_indices = #map1}, {transform_indices = #map}]} {
    %mul3A = arith.constant 2 : i32
    %mul3A_0 = arith.muli %arg1, %mul3A : i32
    %add3A = arith.addi %mul3A_0, %arg0 : i32
    %mul3A_1 = arith.constant 624 : i32
    %mul3A_2 = arith.muli %arg1, %mul3A_1 : i32
    %mul3A_3 = arith.constant 624 : i32
    %mul3A_4 = arith.muli %arg1, %mul3A_3 : i32
    "tpu.region"() ({
      %run_scoped3A = tpu.sem_alloc : memref<!tpu.dma_semaphore, #tpu.memory_space<semaphore_mem>>
      %dma_start3A = arith.constant 0 : i32
      %dma_start3A_22 = tpu.memref_slice %arg9[%mul3A_4, %dma_start3A] : memref<10128x128xf32, #tpu.memory_space<vmem_shared>> -> memref<624x128xf32, #tpu.memory_space<vmem_shared>>
      %dma_start3A_23 = arith.constant 0 : i32
      %dma_start3A_24 = tpu.memref_slice %arg3[%mul3A_2, %dma_start3A_23] : memref<10128x128xf32, #tpu.memory_space<hbm>> -> memref<624x128xf32, #tpu.memory_space<hbm>>
      tpu.enqueue_dma source(%dma_start3A_24 : memref<624x128xf32, #tpu.memory_space<hbm>>) target(%dma_start3A_22 : memref<624x128xf32, #tpu.memory_space<vmem_shared>>) target_semaphore(%run_scoped3A : memref<!tpu.dma_semaphore, #tpu.memory_space<semaphore_mem>>)
      %dma_wait3A = arith.constant 0 : i32
      %dma_wait3A_25 = tpu.memref_slice %arg9[%mul3A_4, %dma_wait3A] : memref<10128x128xf32, #tpu.memory_space<vmem_shared>> -> memref<624x128xf32, #tpu.memory_space<vmem_shared>>
      %dma_wait3A_26 = arith.constant 0 : i32
      %dma_wait3A_27 = tpu.memref_slice %arg3[%mul3A_2, %dma_wait3A_26] : memref<10128x128xf32, #tpu.memory_space<hbm>> -> memref<624x128xf32, #tpu.memory_space<hbm>>
      tpu.wait_dma2 semaphore(%run_scoped3A : memref<!tpu.dma_semaphore, #tpu.memory_space<semaphore_mem>>) src(%dma_wait3A_27 : memref<624x128xf32, #tpu.memory_space<hbm>>) dst(%dma_wait3A_25 : memref<624x128xf32, #tpu.memory_space<vmem_shared>>)
      tpu.yield
    }) : () -> ()
    %eq3A = arith.constant 15 : i32
    %eq3A_5 = arith.cmpi eq, %arg1, %eq3A : i32
    %convert_element_type3A = arith.extui %eq3A_5 : i1 to i32
    %cond3A = arith.constant 0 : i32
    %cond3A_6 = arith.cmpi ne, %convert_element_type3A, %cond3A : i32
    scf.if %cond3A_6 {
      "tpu.region"() ({
        %run_scoped3A = tpu.sem_alloc : memref<!tpu.dma_semaphore, #tpu.memory_space<semaphore_mem>>
        %dma_start3A = arith.constant 9984 : i32
        %dma_start3A_22 = arith.constant 0 : i32
        %dma_start3A_23 = tpu.memref_slice %arg9[%dma_start3A, %dma_start3A_22] : memref<10128x128xf32, #tpu.memory_space<vmem_shared>> -> memref<144x128xf32, #tpu.memory_space<vmem_shared>>
        %dma_start3A_24 = arith.constant 9984 : i32
        %dma_start3A_25 = arith.constant 0 : i32
        %dma_start3A_26 = tpu.memref_slice %arg3[%dma_start3A_24, %dma_start3A_25] : memref<10128x128xf32, #tpu.memory_space<hbm>> -> memref<144x128xf32, #tpu.memory_space<hbm>>
        tpu.enqueue_dma source(%dma_start3A_26 : memref<144x128xf32, #tpu.memory_space<hbm>>) target(%dma_start3A_23 : memref<144x128xf32, #tpu.memory_space<vmem_shared>>) target_semaphore(%run_scoped3A : memref<!tpu.dma_semaphore, #tpu.memory_space<semaphore_mem>>)
        %dma_wait3A = arith.constant 9984 : i32
        %dma_wait3A_27 = arith.constant 0 : i32
        %dma_wait3A_28 = tpu.memref_slice %arg9[%dma_wait3A, %dma_wait3A_27] : memref<10128x128xf32, #tpu.memory_space<vmem_shared>> -> memref<144x128xf32, #tpu.memory_space<vmem_shared>>
        %dma_wait3A_29 = arith.constant 9984 : i32
        %dma_wait3A_30 = arith.constant 0 : i32
        %dma_wait3A_31 = tpu.memref_slice %arg3[%dma_wait3A_29, %dma_wait3A_30] : memref<10128x128xf32, #tpu.memory_space<hbm>> -> memref<144x128xf32, #tpu.memory_space<hbm>>
        tpu.wait_dma2 semaphore(%run_scoped3A : memref<!tpu.dma_semaphore, #tpu.memory_space<semaphore_mem>>) src(%dma_wait3A_31 : memref<144x128xf32, #tpu.memory_space<hbm>>) dst(%dma_wait3A_28 : memref<144x128xf32, #tpu.memory_space<vmem_shared>>)
        tpu.yield
      }) : () -> ()
    } else {
    }
    "tpu.region"() ({
      %run_scoped3A = tpu.sem_alloc : memref<!tpu.dma_semaphore, #tpu.memory_space<semaphore_mem>>
      tpu.enqueue_dma source(%arg4 : memref<80x128xf32, #tpu.memory_space<hbm>>) target(%arg8 : memref<80x128xf32, #tpu.memory_space<vmem>>) target_semaphore(%run_scoped3A : memref<!tpu.dma_semaphore, #tpu.memory_space<semaphore_mem>>)
      tpu.wait_dma2 semaphore(%run_scoped3A : memref<!tpu.dma_semaphore, #tpu.memory_space<semaphore_mem>>) src(%arg4 : memref<80x128xf32, #tpu.memory_space<hbm>>) dst(%arg8 : memref<80x128xf32, #tpu.memory_space<vmem>>)
      tpu.yield
    }) : () -> ()
    "tpu.region"() ({
      %run_scoped3A = tpu.sem_alloc : memref<!tpu.dma_semaphore, #tpu.memory_space<semaphore_mem>>
      %dma_start3A = arith.constant 0 : i32
      %dma_start3A_22 = arith.constant 0 : i32
      %dma_start3A_23 = tpu.memref_slice %arg2[%add3A, %dma_start3A, %dma_start3A_22] : memref<32x126x80xi32, #tpu.memory_space<hbm>> -> memref<1x126x80xi32, #tpu.memory_space<hbm>>
      %dma_start3A_24 = tpu.memref_squeeze %dma_start3A_23 : memref<1x126x80xi32, #tpu.memory_space<hbm>> -> memref<126x80xi32, #tpu.memory_space<hbm>>
      %dma_start3A_25 = arith.constant 0 : i32
      %dma_start3A_26 = arith.constant 0 : i32
      %dma_start3A_27 = tpu.memref_slice %arg2[%add3A, %dma_start3A_25, %dma_start3A_26] : memref<32x126x80xi32, #tpu.memory_space<hbm>> -> memref<1x126x80xi32, #tpu.memory_space<hbm>>
      %dma_start3A_28 = tpu.memref_squeeze %dma_start3A_27 : memref<1x126x80xi32, #tpu.memory_space<hbm>> -> memref<126x80xi32, #tpu.memory_space<hbm>>
      tpu.enqueue_dma source(%dma_start3A_28 : memref<126x80xi32, #tpu.memory_space<hbm>>) target(%arg6 : memref<126x80xi32, #tpu.memory_space<vmem>>) target_semaphore(%run_scoped3A : memref<!tpu.dma_semaphore, #tpu.memory_space<semaphore_mem>>)
      %dma_wait3A = arith.constant 0 : i32
      %dma_wait3A_29 = arith.constant 0 : i32
      %dma_wait3A_30 = tpu.memref_slice %arg2[%add3A, %dma_wait3A, %dma_wait3A_29] : memref<32x126x80xi32, #tpu.memory_space<hbm>> -> memref<1x126x80xi32, #tpu.memory_space<hbm>>
      %dma_wait3A_31 = tpu.memref_squeeze %dma_wait3A_30 : memref<1x126x80xi32, #tpu.memory_space<hbm>> -> memref<126x80xi32, #tpu.memory_space<hbm>>
      %dma_wait3A_32 = arith.constant 0 : i32
      %dma_wait3A_33 = arith.constant 0 : i32
      %dma_wait3A_34 = tpu.memref_slice %arg2[%add3A, %dma_wait3A_32, %dma_wait3A_33] : memref<32x126x80xi32, #tpu.memory_space<hbm>> -> memref<1x126x80xi32, #tpu.memory_space<hbm>>
      %dma_wait3A_35 = tpu.memref_squeeze %dma_wait3A_34 : memref<1x126x80xi32, #tpu.memory_space<hbm>> -> memref<126x80xi32, #tpu.memory_space<hbm>>
      tpu.wait_dma2 semaphore(%run_scoped3A : memref<!tpu.dma_semaphore, #tpu.memory_space<semaphore_mem>>) src(%dma_wait3A_35 : memref<126x80xi32, #tpu.memory_space<hbm>>) dst(%arg6 : memref<126x80xi32, #tpu.memory_space<vmem>>)
      tpu.yield
    }) : () -> ()
    %barrier3A = arith.constant 0 : index
    tpu.barrier barrier_id(%barrier3A)
    %scan3A = arith.constant 0 : i32
    %scan3A_7 = arith.constant 0 : i32
    %scan3A_8 = arith.constant 126 : i32
    %scan3A_9 = arith.addi %scan3A_7, %scan3A_8 : i32
    %scan3A_10 = arith.constant 1 : i32
    scf.for %scan3A_22 = %scan3A_7 to %scan3A_9 step %scan3A_10  : i32 {
      %get3A = arith.index_cast %scan3A_22 : i32 to index
      %get3A_23 = arith.constant 0 : index
      %get3A_24 = tpu.vector_load %arg6[%get3A, %get3A_23] {strides = array<i32>} : memref<126x80xi32, #tpu.memory_space<vmem>>, vector<1x16xi32>,
      %get3A_25 = vector.shape_cast %get3A_24 : vector<1x16xi32> to vector<16xi32>
      %and3A = arith.constant 65535 : i32
      %and3A_26 = vector.broadcast %and3A : i32 to vector<16xi32>
      %and3A_27 = arith.andi %get3A_25, %and3A_26 : vector<16xi32>
      %swap3A = arith.constant 0 : i32
      %swap3A_28 = arith.index_cast %swap3A : i32 to index
      %swap3A_29 = arith.constant 0 : index
      %swap3A_30 = tpu.vector_load %arg7[%swap3A_28, %swap3A_29] {strides = array<i32>} : memref<4x80xi32, #tpu.memory_space<vmem>>, vector<1x16xi32>,
      %swap3A_31 = vector.shape_cast %swap3A_30 : vector<1x16xi32> to vector<16xi32>
      %swap3A_32 = vector.shape_cast %and3A_27 : vector<16xi32> to vector<1x16xi32>
      tpu.vector_store %arg7[%swap3A_28, %swap3A_29], %swap3A_32 {strides = array<i32>} : memref<4x80xi32, #tpu.memory_space<vmem>>, vector<1x16xi32>,
      %shift_right_logical3A = arith.constant 16 : i32
      %shift_right_logical3A_33 = vector.broadcast %shift_right_logical3A : i32 to vector<16xi32>
      %shift_right_logical3A_34 = arith.shrui %get3A_25, %shift_right_logical3A_33 : vector<16xi32>
      %swap3A_35 = arith.constant 1 : i32
      %swap3A_36 = arith.index_cast %swap3A_35 : i32 to index
      %swap3A_37 = arith.constant 0 : index
      %swap3A_38 = tpu.vector_load %arg7[%swap3A_36, %swap3A_37] {strides = array<i32>} : memref<4x80xi32, #tpu.memory_space<vmem>>, vector<1x16xi32>,
      %swap3A_39 = vector.shape_cast %swap3A_38 : vector<1x16xi32> to vector<16xi32>
      %swap3A_40 = vector.shape_cast %shift_right_logical3A_34 : vector<16xi32> to vector<1x16xi32>
      tpu.vector_store %arg7[%swap3A_36, %swap3A_37], %swap3A_40 {strides = array<i32>} : memref<4x80xi32, #tpu.memory_space<vmem>>, vector<1x16xi32>,
      %get3A_41 = arith.index_cast %scan3A_22 : i32 to index
      %get3A_42 = arith.constant 16 : index
      %get3A_43 = tpu.vector_load %arg6[%get3A_41, %get3A_42] {strides = array<i32>} : memref<126x80xi32, #tpu.memory_space<vmem>>, vector<1x16xi32>,
      %get3A_44 = vector.shape_cast %get3A_43 : vector<1x16xi32> to vector<16xi32>
      %and3A_45 = arith.constant 65535 : i32
      %and3A_46 = vector.broadcast %and3A_45 : i32 to vector<16xi32>
      %and3A_47 = arith.andi %get3A_44, %and3A_46 : vector<16xi32>
      %swap3A_48 = arith.constant 0 : i32
      %swap3A_49 = arith.index_cast %swap3A_48 : i32 to index
      %swap3A_50 = arith.constant 16 : index
      %swap3A_51 = tpu.vector_load %arg7[%swap3A_49, %swap3A_50] {strides = array<i32>} : memref<4x80xi32, #tpu.memory_space<vmem>>, vector<1x16xi32>,
      %swap3A_52 = vector.shape_cast %swap3A_51 : vector<1x16xi32> to vector<16xi32>
      %swap3A_53 = vector.shape_cast %and3A_47 : vector<16xi32> to vector<1x16xi32>
      tpu.vector_store %arg7[%swap3A_49, %swap3A_50], %swap3A_53 {strides = array<i32>} : memref<4x80xi32, #tpu.memory_space<vmem>>, vector<1x16xi32>,
      %shift_right_logical3A_54 = arith.constant 16 : i32
      %shift_right_logical3A_55 = vector.broadcast %shift_right_logical3A_54 : i32 to vector<16xi32>
      %shift_right_logical3A_56 = arith.shrui %get3A_44, %shift_right_logical3A_55 : vector<16xi32>
      %swap3A_57 = arith.constant 1 : i32
      %swap3A_58 = arith.index_cast %swap3A_57 : i32 to index
      %swap3A_59 = arith.constant 16 : index
      %swap3A_60 = tpu.vector_load %arg7[%swap3A_58, %swap3A_59] {strides = array<i32>} : memref<4x80xi32, #tpu.memory_space<vmem>>, vector<1x16xi32>,
      %swap3A_61 = vector.shape_cast %swap3A_60 : vector<1x16xi32> to vector<16xi32>
      %swap3A_62 = vector.shape_cast %shift_right_logical3A_56 : vector<16xi32> to vector<1x16xi32>
      tpu.vector_store %arg7[%swap3A_58, %swap3A_59], %swap3A_62 {strides = array<i32>} : memref<4x80xi32, #tpu.memory_space<vmem>>, vector<1x16xi32>,
      %get3A_63 = arith.index_cast %scan3A_22 : i32 to index
      %get3A_64 = arith.constant 32 : index
      %get3A_65 = tpu.vector_load %arg6[%get3A_63, %get3A_64] {strides = array<i32>} : memref<126x80xi32, #tpu.memory_space<vmem>>, vector<1x16xi32>,
      %get3A_66 = vector.shape_cast %get3A_65 : vector<1x16xi32> to vector<16xi32>
      %and3A_67 = arith.constant 65535 : i32
      %and3A_68 = vector.broadcast %and3A_67 : i32 to vector<16xi32>
      %and3A_69 = arith.andi %get3A_66, %and3A_68 : vector<16xi32>
      %swap3A_70 = arith.constant 0 : i32
      %swap3A_71 = arith.index_cast %swap3A_70 : i32 to index
      %swap3A_72 = arith.constant 32 : index
      %swap3A_73 = tpu.vector_load %arg7[%swap3A_71, %swap3A_72] {strides = array<i32>} : memref<4x80xi32, #tpu.memory_space<vmem>>, vector<1x16xi32>,
      %swap3A_74 = vector.shape_cast %swap3A_73 : vector<1x16xi32> to vector<16xi32>
      %swap3A_75 = vector.shape_cast %and3A_69 : vector<16xi32> to vector<1x16xi32>
      tpu.vector_store %arg7[%swap3A_71, %swap3A_72], %swap3A_75 {strides = array<i32>} : memref<4x80xi32, #tpu.memory_space<vmem>>, vector<1x16xi32>,
      %shift_right_logical3A_76 = arith.constant 16 : i32
      %shift_right_logical3A_77 = vector.broadcast %shift_right_logical3A_76 : i32 to vector<16xi32>
      %shift_right_logical3A_78 = arith.shrui %get3A_66, %shift_right_logical3A_77 : vector<16xi32>
      %swap3A_79 = arith.constant 1 : i32
      %swap3A_80 = arith.index_cast %swap3A_79 : i32 to index
      %swap3A_81 = arith.constant 32 : index
      %swap3A_82 = tpu.vector_load %arg7[%swap3A_80, %swap3A_81] {strides = array<i32>} : memref<4x80xi32, #tpu.memory_space<vmem>>, vector<1x16xi32>,
      %swap3A_83 = vector.shape_cast %swap3A_82 : vector<1x16xi32> to vector<16xi32>
      %swap3A_84 = vector.shape_cast %shift_right_logical3A_78 : vector<16xi32> to vector<1x16xi32>
      tpu.vector_store %arg7[%swap3A_80, %swap3A_81], %swap3A_84 {strides = array<i32>} : memref<4x80xi32, #tpu.memory_space<vmem>>, vector<1x16xi32>,
      %get3A_85 = arith.index_cast %scan3A_22 : i32 to index
      %get3A_86 = arith.constant 48 : index
      %get3A_87 = tpu.vector_load %arg6[%get3A_85, %get3A_86] {strides = array<i32>} : memref<126x80xi32, #tpu.memory_space<vmem>>, vector<1x16xi32>,
      %get3A_88 = vector.shape_cast %get3A_87 : vector<1x16xi32> to vector<16xi32>
      %and3A_89 = arith.constant 65535 : i32
      %and3A_90 = vector.broadcast %and3A_89 : i32 to vector<16xi32>
      %and3A_91 = arith.andi %get3A_88, %and3A_90 : vector<16xi32>
      %swap3A_92 = arith.constant 0 : i32
      %swap3A_93 = arith.index_cast %swap3A_92 : i32 to index
      %swap3A_94 = arith.constant 48 : index
      %swap3A_95 = tpu.vector_load %arg7[%swap3A_93, %swap3A_94] {strides = array<i32>} : memref<4x80xi32, #tpu.memory_space<vmem>>, vector<1x16xi32>,
      %swap3A_96 = vector.shape_cast %swap3A_95 : vector<1x16xi32> to vector<16xi32>
      %swap3A_97 = vector.shape_cast %and3A_91 : vector<16xi32> to vector<1x16xi32>
      tpu.vector_store %arg7[%swap3A_93, %swap3A_94], %swap3A_97 {strides = array<i32>} : memref<4x80xi32, #tpu.memory_space<vmem>>, vector<1x16xi32>,
      %shift_right_logical3A_98 = arith.constant 16 : i32
      %shift_right_logical3A_99 = vector.broadcast %shift_right_logical3A_98 : i32 to vector<16xi32>
      %shift_right_logical3A_100 = arith.shrui %get3A_88, %shift_right_logical3A_99 : vector<16xi32>
      %swap3A_101 = arith.constant 1 : i32
      %swap3A_102 = arith.index_cast %swap3A_101 : i32 to index
      %swap3A_103 = arith.constant 48 : index
      %swap3A_104 = tpu.vector_load %arg7[%swap3A_102, %swap3A_103] {strides = array<i32>} : memref<4x80xi32, #tpu.memory_space<vmem>>, vector<1x16xi32>,
      %swap3A_105 = vector.shape_cast %swap3A_104 : vector<1x16xi32> to vector<16xi32>
      %swap3A_106 = vector.shape_cast %shift_right_logical3A_100 : vector<16xi32> to vector<1x16xi32>
      tpu.vector_store %arg7[%swap3A_102, %swap3A_103], %swap3A_106 {strides = array<i32>} : memref<4x80xi32, #tpu.memory_space<vmem>>, vector<1x16xi32>,
      %get3A_107 = arith.index_cast %scan3A_22 : i32 to index
      %get3A_108 = arith.constant 64 : index
      %get3A_109 = tpu.vector_load %arg6[%get3A_107, %get3A_108] {strides = array<i32>} : memref<126x80xi32, #tpu.memory_space<vmem>>, vector<1x16xi32>,
      %get3A_110 = vector.shape_cast %get3A_109 : vector<1x16xi32> to vector<16xi32>
      %and3A_111 = arith.constant 65535 : i32
      %and3A_112 = vector.broadcast %and3A_111 : i32 to vector<16xi32>
      %and3A_113 = arith.andi %get3A_110, %and3A_112 : vector<16xi32>
      %swap3A_114 = arith.constant 0 : i32
      %swap3A_115 = arith.index_cast %swap3A_114 : i32 to index
      %swap3A_116 = arith.constant 64 : index
      %swap3A_117 = tpu.vector_load %arg7[%swap3A_115, %swap3A_116] {strides = array<i32>} : memref<4x80xi32, #tpu.memory_space<vmem>>, vector<1x16xi32>,
      %swap3A_118 = vector.shape_cast %swap3A_117 : vector<1x16xi32> to vector<16xi32>
      %swap3A_119 = vector.shape_cast %and3A_113 : vector<16xi32> to vector<1x16xi32>
      tpu.vector_store %arg7[%swap3A_115, %swap3A_116], %swap3A_119 {strides = array<i32>} : memref<4x80xi32, #tpu.memory_space<vmem>>, vector<1x16xi32>,
      %shift_right_logical3A_120 = arith.constant 16 : i32
      %shift_right_logical3A_121 = vector.broadcast %shift_right_logical3A_120 : i32 to vector<16xi32>
      %shift_right_logical3A_122 = arith.shrui %get3A_110, %shift_right_logical3A_121 : vector<16xi32>
      %swap3A_123 = arith.constant 1 : i32
      %swap3A_124 = arith.index_cast %swap3A_123 : i32 to index
      %swap3A_125 = arith.constant 64 : index
      %swap3A_126 = tpu.vector_load %arg7[%swap3A_124, %swap3A_125] {strides = array<i32>} : memref<4x80xi32, #tpu.memory_space<vmem>>, vector<1x16xi32>,
      %swap3A_127 = vector.shape_cast %swap3A_126 : vector<1x16xi32> to vector<16xi32>
      %swap3A_128 = vector.shape_cast %shift_right_logical3A_122 : vector<16xi32> to vector<1x16xi32>
      tpu.vector_store %arg7[%swap3A_124, %swap3A_125], %swap3A_128 {strides = array<i32>} : memref<4x80xi32, #tpu.memory_space<vmem>>, vector<1x16xi32>,
      %run_scoped3A = arith.constant 1 : i32
      "tpu.region"() ({
        %run_scoped3A_129 = tpu.sem_alloc : memref<!tpu.dma_semaphore, #tpu.memory_space<semaphore_mem>>
        %dma_start3A = arith.constant 0 : i32
        %dma_start3A_130 = tpu.memref_slice %arg7[%run_scoped3A, %dma_start3A] : memref<4x80xi32, #tpu.memory_space<vmem>> -> memref<1x80xi32, #tpu.memory_space<vmem>>
        %dma_start3A_131 = tpu.memref_squeeze %dma_start3A_130 : memref<1x80xi32, #tpu.memory_space<vmem>> -> memref<80xi32, #tpu.memory_space<vmem>>
        %dma_start3A_132 = arith.constant 0 : i32
        %dma_start3A_133 = arith.constant 0 : i32
        %dma_start3A_134 = tpu.memref_slice %arg9[%dma_start3A_132, %dma_start3A_133] : memref<10128x128xf32, #tpu.memory_space<vmem_shared>> -> memref<10128x128xf32, #tpu.memory_space<vmem_shared>>
        tpu.enqueue_indirect_dma source(%arg8 : memref<80x128xf32, #tpu.memory_space<vmem>>) target(%dma_start3A_134 : memref<10128x128xf32, #tpu.memory_space<vmem_shared>>) offsets(%dma_start3A_131 : memref<80xi32, #tpu.memory_space<vmem>>) semaphore(%run_scoped3A_129 : memref<!tpu.dma_semaphore, #tpu.memory_space<semaphore_mem>>) {add = true}
        %dma_wait3A = arith.constant 0 : i32
        %dma_wait3A_135 = tpu.memref_slice %arg7[%run_scoped3A, %dma_wait3A] : memref<4x80xi32, #tpu.memory_space<vmem>> -> memref<1x80xi32, #tpu.memory_space<vmem>>
        %dma_wait3A_136 = tpu.memref_squeeze %dma_wait3A_135 : memref<1x80xi32, #tpu.memory_space<vmem>> -> memref<80xi32, #tpu.memory_space<vmem>>
        %dma_wait3A_137 = arith.constant 0 : i32
        %dma_wait3A_138 = arith.constant 0 : i32
        %dma_wait3A_139 = tpu.memref_slice %arg9[%dma_wait3A_137, %dma_wait3A_138] : memref<10128x128xf32, #tpu.memory_space<vmem_shared>> -> memref<10128x128xf32, #tpu.memory_space<vmem_shared>>
        tpu.wait_indirect_dma semaphore(%run_scoped3A_129 : memref<!tpu.dma_semaphore, #tpu.memory_space<semaphore_mem>>) src(%arg8 : memref<80x128xf32, #tpu.memory_space<vmem>>) dst(%dma_wait3A_139 : memref<10128x128xf32, #tpu.memory_space<vmem_shared>>)
        tpu.yield
      }) : () -> ()
    }
    %scan3A_11 = arith.constant 126 : i32
    %barrier3A_12 = arith.constant 0 : index
    tpu.barrier barrier_id(%barrier3A_12)
    %mul3A_13 = arith.constant 624 : i32
    %mul3A_14 = arith.muli %arg1, %mul3A_13 : i32
    %mul3A_15 = arith.constant 624 : i32
    %mul3A_16 = arith.muli %arg1, %mul3A_15 : i32
    "tpu.region"() ({
      %run_scoped3A = tpu.sem_alloc : memref<!tpu.dma_semaphore, #tpu.memory_space<semaphore_mem>>
      %dma_start3A = arith.constant 0 : i32
      %dma_start3A_22 = tpu.memref_slice %arg5[%arg0, %mul3A_16, %dma_start3A] : memref<2x10000x128xf32, #tpu.memory_space<hbm>> -> memref<1x624x128xf32, #tpu.memory_space<hbm>>
      %dma_start3A_23 = tpu.memref_squeeze %dma_start3A_22 : memref<1x624x128xf32, #tpu.memory_space<hbm>> -> memref<624x128xf32, #tpu.memory_space<hbm>>
      %dma_start3A_24 = arith.constant 0 : i32
      %dma_start3A_25 = tpu.memref_slice %arg9[%mul3A_14, %dma_start3A_24] : memref<10128x128xf32, #tpu.memory_space<vmem_shared>> -> memref<624x128xf32, #tpu.memory_space<vmem_shared>>
      tpu.enqueue_dma source(%dma_start3A_25 : memref<624x128xf32, #tpu.memory_space<vmem_shared>>) target(%dma_start3A_23 : memref<624x128xf32, #tpu.memory_space<hbm>>) target_semaphore(%run_scoped3A : memref<!tpu.dma_semaphore, #tpu.memory_space<semaphore_mem>>)
      %dma_wait3A = arith.constant 0 : i32
      %dma_wait3A_26 = tpu.memref_slice %arg5[%arg0, %mul3A_16, %dma_wait3A] : memref<2x10000x128xf32, #tpu.memory_space<hbm>> -> memref<1x624x128xf32, #tpu.memory_space<hbm>>
      %dma_wait3A_27 = tpu.memref_squeeze %dma_wait3A_26 : memref<1x624x128xf32, #tpu.memory_space<hbm>> -> memref<624x128xf32, #tpu.memory_space<hbm>>
      %dma_wait3A_28 = arith.constant 0 : i32
      %dma_wait3A_29 = tpu.memref_slice %arg9[%mul3A_14, %dma_wait3A_28] : memref<10128x128xf32, #tpu.memory_space<vmem_shared>> -> memref<624x128xf32, #tpu.memory_space<vmem_shared>>
      tpu.wait_dma2 semaphore(%run_scoped3A : memref<!tpu.dma_semaphore, #tpu.memory_space<semaphore_mem>>) src(%dma_wait3A_29 : memref<624x128xf32, #tpu.memory_space<vmem_shared>>) dst(%dma_wait3A_27 : memref<624x128xf32, #tpu.memory_space<hbm>>)
      tpu.yield
    }) : () -> ()
    %eq3A_17 = arith.constant 15 : i32
    %eq3A_18 = arith.cmpi eq, %arg1, %eq3A_17 : i32
    %convert_element_type3A_19 = arith.extui %eq3A_18 : i1 to i32
    %cond3A_20 = arith.constant 0 : i32
    %cond3A_21 = arith.cmpi ne, %convert_element_type3A_19, %cond3A_20 : i32
    scf.if %cond3A_21 {
      "tpu.region"() ({
        %run_scoped3A = tpu.sem_alloc : memref<!tpu.dma_semaphore, #tpu.memory_space<semaphore_mem>>
        %dma_start3A = arith.constant 9984 : i32
        %dma_start3A_22 = arith.constant 0 : i32
        %dma_start3A_23 = tpu.memref_slice %arg5[%arg0, %dma_start3A, %dma_start3A_22] : memref<2x10000x128xf32, #tpu.memory_space<hbm>> -> memref<1x16x128xf32, #tpu.memory_space<hbm>>
        %dma_start3A_24 = tpu.memref_squeeze %dma_start3A_23 : memref<1x16x128xf32, #tpu.memory_space<hbm>> -> memref<16x128xf32, #tpu.memory_space<hbm>>
        %dma_start3A_25 = arith.constant 9984 : i32
        %dma_start3A_26 = arith.constant 0 : i32
        %dma_start3A_27 = tpu.memref_slice %arg9[%dma_start3A_25, %dma_start3A_26] : memref<10128x128xf32, #tpu.memory_space<vmem_shared>> -> memref<16x128xf32, #tpu.memory_space<vmem_shared>>
        tpu.enqueue_dma source(%dma_start3A_27 : memref<16x128xf32, #tpu.memory_space<vmem_shared>>) target(%dma_start3A_24 : memref<16x128xf32, #tpu.memory_space<hbm>>) target_semaphore(%run_scoped3A : memref<!tpu.dma_semaphore, #tpu.memory_space<semaphore_mem>>)
        %dma_wait3A = arith.constant 9984 : i32
        %dma_wait3A_28 = arith.constant 0 : i32
        %dma_wait3A_29 = tpu.memref_slice %arg5[%arg0, %dma_wait3A, %dma_wait3A_28] : memref<2x10000x128xf32, #tpu.memory_space<hbm>> -> memref<1x16x128xf32, #tpu.memory_space<hbm>>
        %dma_wait3A_30 = tpu.memref_squeeze %dma_wait3A_29 : memref<1x16x128xf32, #tpu.memory_space<hbm>> -> memref<16x128xf32, #tpu.memory_space<hbm>>
        %dma_wait3A_31 = arith.constant 9984 : i32
        %dma_wait3A_32 = arith.constant 0 : i32
        %dma_wait3A_33 = tpu.memref_slice %arg9[%dma_wait3A_31, %dma_wait3A_32] : memref<10128x128xf32, #tpu.memory_space<vmem_shared>> -> memref<16x128xf32, #tpu.memory_space<vmem_shared>>
        tpu.wait_dma2 semaphore(%run_scoped3A : memref<!tpu.dma_semaphore, #tpu.memory_space<semaphore_mem>>) src(%dma_wait3A_33 : memref<16x128xf32, #tpu.memory_space<vmem_shared>>) dst(%dma_wait3A_30 : memref<16x128xf32, #tpu.memory_space<hbm>>)
        tpu.yield
      }) : () -> ()
    } else {
    }
    return
  }
}

#map = affine_map<(d0, d1) -> (0, 0)>
#map1 = affine_map<(d0, d1) -> (0, 0, 0)>
module attributes {stable_mosaic.version = 14 : i64} {
  func.func @_sc_agg_body(%arg0: i32, %arg1: i32, %arg2: memref<10000x128xf32, #tpu.memory_space<hbm>>, %arg3: memref<32x126x80xi32, #tpu.memory_space<hbm>>, %arg4: memref<10128x128xf32, #tpu.memory_space<hbm>>, %arg5: memref<2x10000x128xf32, #tpu.memory_space<hbm>>, %arg6: memref<126x80xi32, #tpu.memory_space<vmem>>, %arg7: memref<6x80xi32, #tpu.memory_space<vmem>>, %arg8: memref<80x128xf32, #tpu.memory_space<vmem>>, %arg9: memref<80x128xf32, #tpu.memory_space<vmem>>, %arg10: memref<80x128xf32, #tpu.memory_space<vmem>>, %arg11: memref<10128x128xf32, #tpu.memory_space<vmem_shared>>, %arg12: memref<!tpu.dma_semaphore, #tpu.memory_space<semaphore_mem>>, %arg13: memref<!tpu.dma_semaphore, #tpu.memory_space<semaphore_mem>>, %arg14: memref<!tpu.dma_semaphore, #tpu.memory_space<semaphore_mem>>) attributes {dimension_semantics = [#tpu.dimension_semantics<core_parallel>, #tpu.dimension_semantics<subcore_parallel>], iteration_bounds = array<i64: 2, 16>, scalar_prefetch = 0 : i64, scratch_operands = 9 : i64, tpu.core_type = #tpu.core_type<sc_vector_subcore>, window_params = [{transform_indices = #map}, {transform_indices = #map1}, {transform_indices = #map}, {transform_indices = #map1}]} {
    %mul3A = arith.constant 2 : i32
    %mul3A_0 = arith.muli %arg1, %mul3A : i32
    %add3A = arith.addi %mul3A_0, %arg0 : i32
    %mul3A_1 = arith.constant 624 : i32
    %mul3A_2 = arith.muli %arg1, %mul3A_1 : i32
    %mul3A_3 = arith.constant 624 : i32
    %mul3A_4 = arith.muli %arg1, %mul3A_3 : i32
    "tpu.region"() ({
      %run_scoped3A = tpu.sem_alloc : memref<!tpu.dma_semaphore, #tpu.memory_space<semaphore_mem>>
      %dma_start3A_261 = arith.constant 0 : i32
      %dma_start3A_262 = tpu.memref_slice %arg11[%mul3A_4, %dma_start3A_261] : memref<10128x128xf32, #tpu.memory_space<vmem_shared>> -> memref<624x128xf32, #tpu.memory_space<vmem_shared>>
      %dma_start3A_263 = arith.constant 0 : i32
      %dma_start3A_264 = tpu.memref_slice %arg4[%mul3A_2, %dma_start3A_263] : memref<10128x128xf32, #tpu.memory_space<hbm>> -> memref<624x128xf32, #tpu.memory_space<hbm>>
      tpu.enqueue_dma source(%dma_start3A_264 : memref<624x128xf32, #tpu.memory_space<hbm>>) target(%dma_start3A_262 : memref<624x128xf32, #tpu.memory_space<vmem_shared>>) target_semaphore(%run_scoped3A : memref<!tpu.dma_semaphore, #tpu.memory_space<semaphore_mem>>)
      %dma_wait3A = arith.constant 0 : i32
      %dma_wait3A_265 = tpu.memref_slice %arg11[%mul3A_4, %dma_wait3A] : memref<10128x128xf32, #tpu.memory_space<vmem_shared>> -> memref<624x128xf32, #tpu.memory_space<vmem_shared>>
      %dma_wait3A_266 = arith.constant 0 : i32
      %dma_wait3A_267 = tpu.memref_slice %arg4[%mul3A_2, %dma_wait3A_266] : memref<10128x128xf32, #tpu.memory_space<hbm>> -> memref<624x128xf32, #tpu.memory_space<hbm>>
      tpu.wait_dma2 semaphore(%run_scoped3A : memref<!tpu.dma_semaphore, #tpu.memory_space<semaphore_mem>>) src(%dma_wait3A_267 : memref<624x128xf32, #tpu.memory_space<hbm>>) dst(%dma_wait3A_265 : memref<624x128xf32, #tpu.memory_space<vmem_shared>>)
      tpu.yield
    }) : () -> ()
    %eq3A = arith.constant 15 : i32
    %eq3A_5 = arith.cmpi eq, %arg1, %eq3A : i32
    %convert_element_type3A = arith.extui %eq3A_5 : i1 to i32
    %cond3A = arith.constant 0 : i32
    %cond3A_6 = arith.cmpi ne, %convert_element_type3A, %cond3A : i32
    scf.if %cond3A_6 {
      "tpu.region"() ({
        %run_scoped3A = tpu.sem_alloc : memref<!tpu.dma_semaphore, #tpu.memory_space<semaphore_mem>>
        %dma_start3A_261 = arith.constant 9984 : i32
        %dma_start3A_262 = arith.constant 0 : i32
        %dma_start3A_263 = tpu.memref_slice %arg11[%dma_start3A_261, %dma_start3A_262] : memref<10128x128xf32, #tpu.memory_space<vmem_shared>> -> memref<144x128xf32, #tpu.memory_space<vmem_shared>>
        %dma_start3A_264 = arith.constant 9984 : i32
        %dma_start3A_265 = arith.constant 0 : i32
        %dma_start3A_266 = tpu.memref_slice %arg4[%dma_start3A_264, %dma_start3A_265] : memref<10128x128xf32, #tpu.memory_space<hbm>> -> memref<144x128xf32, #tpu.memory_space<hbm>>
        tpu.enqueue_dma source(%dma_start3A_266 : memref<144x128xf32, #tpu.memory_space<hbm>>) target(%dma_start3A_263 : memref<144x128xf32, #tpu.memory_space<vmem_shared>>) target_semaphore(%run_scoped3A : memref<!tpu.dma_semaphore, #tpu.memory_space<semaphore_mem>>)
        %dma_wait3A = arith.constant 9984 : i32
        %dma_wait3A_267 = arith.constant 0 : i32
        %dma_wait3A_268 = tpu.memref_slice %arg11[%dma_wait3A, %dma_wait3A_267] : memref<10128x128xf32, #tpu.memory_space<vmem_shared>> -> memref<144x128xf32, #tpu.memory_space<vmem_shared>>
        %dma_wait3A_269 = arith.constant 9984 : i32
        %dma_wait3A_270 = arith.constant 0 : i32
        %dma_wait3A_271 = tpu.memref_slice %arg4[%dma_wait3A_269, %dma_wait3A_270] : memref<10128x128xf32, #tpu.memory_space<hbm>> -> memref<144x128xf32, #tpu.memory_space<hbm>>
        tpu.wait_dma2 semaphore(%run_scoped3A : memref<!tpu.dma_semaphore, #tpu.memory_space<semaphore_mem>>) src(%dma_wait3A_271 : memref<144x128xf32, #tpu.memory_space<hbm>>) dst(%dma_wait3A_268 : memref<144x128xf32, #tpu.memory_space<vmem_shared>>)
        tpu.yield
      }) : () -> ()
    } else {
    }
    "tpu.region"() ({
      %run_scoped3A = tpu.sem_alloc : memref<!tpu.dma_semaphore, #tpu.memory_space<semaphore_mem>>
      %dma_start3A_261 = arith.constant 0 : i32
      %dma_start3A_262 = arith.constant 0 : i32
      %dma_start3A_263 = tpu.memref_slice %arg3[%add3A, %dma_start3A_261, %dma_start3A_262] : memref<32x126x80xi32, #tpu.memory_space<hbm>> -> memref<1x126x80xi32, #tpu.memory_space<hbm>>
      %dma_start3A_264 = tpu.memref_squeeze %dma_start3A_263 : memref<1x126x80xi32, #tpu.memory_space<hbm>> -> memref<126x80xi32, #tpu.memory_space<hbm>>
      %dma_start3A_265 = arith.constant 0 : i32
      %dma_start3A_266 = arith.constant 0 : i32
      %dma_start3A_267 = tpu.memref_slice %arg3[%add3A, %dma_start3A_265, %dma_start3A_266] : memref<32x126x80xi32, #tpu.memory_space<hbm>> -> memref<1x126x80xi32, #tpu.memory_space<hbm>>
      %dma_start3A_268 = tpu.memref_squeeze %dma_start3A_267 : memref<1x126x80xi32, #tpu.memory_space<hbm>> -> memref<126x80xi32, #tpu.memory_space<hbm>>
      tpu.enqueue_dma source(%dma_start3A_268 : memref<126x80xi32, #tpu.memory_space<hbm>>) target(%arg6 : memref<126x80xi32, #tpu.memory_space<vmem>>) target_semaphore(%run_scoped3A : memref<!tpu.dma_semaphore, #tpu.memory_space<semaphore_mem>>)
      %dma_wait3A = arith.constant 0 : i32
      %dma_wait3A_269 = arith.constant 0 : i32
      %dma_wait3A_270 = tpu.memref_slice %arg3[%add3A, %dma_wait3A, %dma_wait3A_269] : memref<32x126x80xi32, #tpu.memory_space<hbm>> -> memref<1x126x80xi32, #tpu.memory_space<hbm>>
      %dma_wait3A_271 = tpu.memref_squeeze %dma_wait3A_270 : memref<1x126x80xi32, #tpu.memory_space<hbm>> -> memref<126x80xi32, #tpu.memory_space<hbm>>
      %dma_wait3A_272 = arith.constant 0 : i32
      %dma_wait3A_273 = arith.constant 0 : i32
      %dma_wait3A_274 = tpu.memref_slice %arg3[%add3A, %dma_wait3A_272, %dma_wait3A_273] : memref<32x126x80xi32, #tpu.memory_space<hbm>> -> memref<1x126x80xi32, #tpu.memory_space<hbm>>
      %dma_wait3A_275 = tpu.memref_squeeze %dma_wait3A_274 : memref<1x126x80xi32, #tpu.memory_space<hbm>> -> memref<126x80xi32, #tpu.memory_space<hbm>>
      tpu.wait_dma2 semaphore(%run_scoped3A : memref<!tpu.dma_semaphore, #tpu.memory_space<semaphore_mem>>) src(%dma_wait3A_275 : memref<126x80xi32, #tpu.memory_space<hbm>>) dst(%arg6 : memref<126x80xi32, #tpu.memory_space<vmem>>)
      tpu.yield
    }) : () -> ()
    %barrier3A = arith.constant 0 : index
    tpu.barrier barrier_id(%barrier3A)
    %get3A = arith.constant 0 : i32
    %get3A_7 = arith.index_cast %get3A : i32 to index
    %get3A_8 = arith.constant 0 : index
    %get3A_9 = tpu.vector_load %arg6[%get3A_7, %get3A_8] {strides = array<i32>} : memref<126x80xi32, #tpu.memory_space<vmem>>, vector<1x16xi32>,
    %get3A_10 = vector.shape_cast %get3A_9 : vector<1x16xi32> to vector<16xi32>
    %and3A = arith.constant 65535 : i32
    %and3A_11 = vector.broadcast %and3A : i32 to vector<16xi32>
    %and3A_12 = arith.andi %get3A_10, %and3A_11 : vector<16xi32>
    %swap3A = arith.constant 0 : i32
    %swap3A_13 = arith.index_cast %swap3A : i32 to index
    %swap3A_14 = arith.constant 0 : index
    %swap3A_15 = tpu.vector_load %arg7[%swap3A_13, %swap3A_14] {strides = array<i32>} : memref<6x80xi32, #tpu.memory_space<vmem>>, vector<1x16xi32>,
    %swap3A_16 = vector.shape_cast %swap3A_15 : vector<1x16xi32> to vector<16xi32>
    %swap3A_17 = vector.shape_cast %and3A_12 : vector<16xi32> to vector<1x16xi32>
    tpu.vector_store %arg7[%swap3A_13, %swap3A_14], %swap3A_17 {strides = array<i32>} : memref<6x80xi32, #tpu.memory_space<vmem>>, vector<1x16xi32>,
    %shift_right_logical3A = arith.constant 16 : i32
    %shift_right_logical3A_18 = vector.broadcast %shift_right_logical3A : i32 to vector<16xi32>
    %shift_right_logical3A_19 = arith.shrui %get3A_10, %shift_right_logical3A_18 : vector<16xi32>
    %swap3A_20 = arith.constant 3 : i32
    %swap3A_21 = arith.index_cast %swap3A_20 : i32 to index
    %swap3A_22 = arith.constant 0 : index
    %swap3A_23 = tpu.vector_load %arg7[%swap3A_21, %swap3A_22] {strides = array<i32>} : memref<6x80xi32, #tpu.memory_space<vmem>>, vector<1x16xi32>,
    %swap3A_24 = vector.shape_cast %swap3A_23 : vector<1x16xi32> to vector<16xi32>
    %swap3A_25 = vector.shape_cast %shift_right_logical3A_19 : vector<16xi32> to vector<1x16xi32>
    tpu.vector_store %arg7[%swap3A_21, %swap3A_22], %swap3A_25 {strides = array<i32>} : memref<6x80xi32, #tpu.memory_space<vmem>>, vector<1x16xi32>,
    %get3A_26 = arith.constant 0 : i32
    %get3A_27 = arith.index_cast %get3A_26 : i32 to index
    %get3A_28 = arith.constant 16 : index
    %get3A_29 = tpu.vector_load %arg6[%get3A_27, %get3A_28] {strides = array<i32>} : memref<126x80xi32, #tpu.memory_space<vmem>>, vector<1x16xi32>,
    %get3A_30 = vector.shape_cast %get3A_29 : vector<1x16xi32> to vector<16xi32>
    %and3A_31 = arith.constant 65535 : i32
    %and3A_32 = vector.broadcast %and3A_31 : i32 to vector<16xi32>
    %and3A_33 = arith.andi %get3A_30, %and3A_32 : vector<16xi32>
    %swap3A_34 = arith.constant 0 : i32
    %swap3A_35 = arith.index_cast %swap3A_34 : i32 to index
    %swap3A_36 = arith.constant 16 : index
    %swap3A_37 = tpu.vector_load %arg7[%swap3A_35, %swap3A_36] {strides = array<i32>} : memref<6x80xi32, #tpu.memory_space<vmem>>, vector<1x16xi32>,
    %swap3A_38 = vector.shape_cast %swap3A_37 : vector<1x16xi32> to vector<16xi32>
    %swap3A_39 = vector.shape_cast %and3A_33 : vector<16xi32> to vector<1x16xi32>
    tpu.vector_store %arg7[%swap3A_35, %swap3A_36], %swap3A_39 {strides = array<i32>} : memref<6x80xi32, #tpu.memory_space<vmem>>, vector<1x16xi32>,
    %shift_right_logical3A_40 = arith.constant 16 : i32
    %shift_right_logical3A_41 = vector.broadcast %shift_right_logical3A_40 : i32 to vector<16xi32>
    %shift_right_logical3A_42 = arith.shrui %get3A_30, %shift_right_logical3A_41 : vector<16xi32>
    %swap3A_43 = arith.constant 3 : i32
    %swap3A_44 = arith.index_cast %swap3A_43 : i32 to index
    %swap3A_45 = arith.constant 16 : index
    %swap3A_46 = tpu.vector_load %arg7[%swap3A_44, %swap3A_45] {strides = array<i32>} : memref<6x80xi32, #tpu.memory_space<vmem>>, vector<1x16xi32>,
    %swap3A_47 = vector.shape_cast %swap3A_46 : vector<1x16xi32> to vector<16xi32>
    %swap3A_48 = vector.shape_cast %shift_right_logical3A_42 : vector<16xi32> to vector<1x16xi32>
    tpu.vector_store %arg7[%swap3A_44, %swap3A_45], %swap3A_48 {strides = array<i32>} : memref<6x80xi32, #tpu.memory_space<vmem>>, vector<1x16xi32>,
    %get3A_49 = arith.constant 0 : i32
    %get3A_50 = arith.index_cast %get3A_49 : i32 to index
    %get3A_51 = arith.constant 32 : index
    %get3A_52 = tpu.vector_load %arg6[%get3A_50, %get3A_51] {strides = array<i32>} : memref<126x80xi32, #tpu.memory_space<vmem>>, vector<1x16xi32>,
    %get3A_53 = vector.shape_cast %get3A_52 : vector<1x16xi32> to vector<16xi32>
    %and3A_54 = arith.constant 65535 : i32
    %and3A_55 = vector.broadcast %and3A_54 : i32 to vector<16xi32>
    %and3A_56 = arith.andi %get3A_53, %and3A_55 : vector<16xi32>
    %swap3A_57 = arith.constant 0 : i32
    %swap3A_58 = arith.index_cast %swap3A_57 : i32 to index
    %swap3A_59 = arith.constant 32 : index
    %swap3A_60 = tpu.vector_load %arg7[%swap3A_58, %swap3A_59] {strides = array<i32>} : memref<6x80xi32, #tpu.memory_space<vmem>>, vector<1x16xi32>,
    %swap3A_61 = vector.shape_cast %swap3A_60 : vector<1x16xi32> to vector<16xi32>
    %swap3A_62 = vector.shape_cast %and3A_56 : vector<16xi32> to vector<1x16xi32>
    tpu.vector_store %arg7[%swap3A_58, %swap3A_59], %swap3A_62 {strides = array<i32>} : memref<6x80xi32, #tpu.memory_space<vmem>>, vector<1x16xi32>,
    %shift_right_logical3A_63 = arith.constant 16 : i32
    %shift_right_logical3A_64 = vector.broadcast %shift_right_logical3A_63 : i32 to vector<16xi32>
    %shift_right_logical3A_65 = arith.shrui %get3A_53, %shift_right_logical3A_64 : vector<16xi32>
    %swap3A_66 = arith.constant 3 : i32
    %swap3A_67 = arith.index_cast %swap3A_66 : i32 to index
    %swap3A_68 = arith.constant 32 : index
    %swap3A_69 = tpu.vector_load %arg7[%swap3A_67, %swap3A_68] {strides = array<i32>} : memref<6x80xi32, #tpu.memory_space<vmem>>, vector<1x16xi32>,
    %swap3A_70 = vector.shape_cast %swap3A_69 : vector<1x16xi32> to vector<16xi32>
    %swap3A_71 = vector.shape_cast %shift_right_logical3A_65 : vector<16xi32> to vector<1x16xi32>
    tpu.vector_store %arg7[%swap3A_67, %swap3A_68], %swap3A_71 {strides = array<i32>} : memref<6x80xi32, #tpu.memory_space<vmem>>, vector<1x16xi32>,
    %get3A_72 = arith.constant 0 : i32
    %get3A_73 = arith.index_cast %get3A_72 : i32 to index
    %get3A_74 = arith.constant 48 : index
    %get3A_75 = tpu.vector_load %arg6[%get3A_73, %get3A_74] {strides = array<i32>} : memref<126x80xi32, #tpu.memory_space<vmem>>, vector<1x16xi32>,
    %get3A_76 = vector.shape_cast %get3A_75 : vector<1x16xi32> to vector<16xi32>
    %and3A_77 = arith.constant 65535 : i32
    %and3A_78 = vector.broadcast %and3A_77 : i32 to vector<16xi32>
    %and3A_79 = arith.andi %get3A_76, %and3A_78 : vector<16xi32>
    %swap3A_80 = arith.constant 0 : i32
    %swap3A_81 = arith.index_cast %swap3A_80 : i32 to index
    %swap3A_82 = arith.constant 48 : index
    %swap3A_83 = tpu.vector_load %arg7[%swap3A_81, %swap3A_82] {strides = array<i32>} : memref<6x80xi32, #tpu.memory_space<vmem>>, vector<1x16xi32>,
    %swap3A_84 = vector.shape_cast %swap3A_83 : vector<1x16xi32> to vector<16xi32>
    %swap3A_85 = vector.shape_cast %and3A_79 : vector<16xi32> to vector<1x16xi32>
    tpu.vector_store %arg7[%swap3A_81, %swap3A_82], %swap3A_85 {strides = array<i32>} : memref<6x80xi32, #tpu.memory_space<vmem>>, vector<1x16xi32>,
    %shift_right_logical3A_86 = arith.constant 16 : i32
    %shift_right_logical3A_87 = vector.broadcast %shift_right_logical3A_86 : i32 to vector<16xi32>
    %shift_right_logical3A_88 = arith.shrui %get3A_76, %shift_right_logical3A_87 : vector<16xi32>
    %swap3A_89 = arith.constant 3 : i32
    %swap3A_90 = arith.index_cast %swap3A_89 : i32 to index
    %swap3A_91 = arith.constant 48 : index
    %swap3A_92 = tpu.vector_load %arg7[%swap3A_90, %swap3A_91] {strides = array<i32>} : memref<6x80xi32, #tpu.memory_space<vmem>>, vector<1x16xi32>,
    %swap3A_93 = vector.shape_cast %swap3A_92 : vector<1x16xi32> to vector<16xi32>
    %swap3A_94 = vector.shape_cast %shift_right_logical3A_88 : vector<16xi32> to vector<1x16xi32>
    tpu.vector_store %arg7[%swap3A_90, %swap3A_91], %swap3A_94 {strides = array<i32>} : memref<6x80xi32, #tpu.memory_space<vmem>>, vector<1x16xi32>,
    %get3A_95 = arith.constant 0 : i32
    %get3A_96 = arith.index_cast %get3A_95 : i32 to index
    %get3A_97 = arith.constant 64 : index
    %get3A_98 = tpu.vector_load %arg6[%get3A_96, %get3A_97] {strides = array<i32>} : memref<126x80xi32, #tpu.memory_space<vmem>>, vector<1x16xi32>,
    %get3A_99 = vector.shape_cast %get3A_98 : vector<1x16xi32> to vector<16xi32>
    %and3A_100 = arith.constant 65535 : i32
    %and3A_101 = vector.broadcast %and3A_100 : i32 to vector<16xi32>
    %and3A_102 = arith.andi %get3A_99, %and3A_101 : vector<16xi32>
    %swap3A_103 = arith.constant 0 : i32
    %swap3A_104 = arith.index_cast %swap3A_103 : i32 to index
    %swap3A_105 = arith.constant 64 : index
    %swap3A_106 = tpu.vector_load %arg7[%swap3A_104, %swap3A_105] {strides = array<i32>} : memref<6x80xi32, #tpu.memory_space<vmem>>, vector<1x16xi32>,
    %swap3A_107 = vector.shape_cast %swap3A_106 : vector<1x16xi32> to vector<16xi32>
    %swap3A_108 = vector.shape_cast %and3A_102 : vector<16xi32> to vector<1x16xi32>
    tpu.vector_store %arg7[%swap3A_104, %swap3A_105], %swap3A_108 {strides = array<i32>} : memref<6x80xi32, #tpu.memory_space<vmem>>, vector<1x16xi32>,
    %shift_right_logical3A_109 = arith.constant 16 : i32
    %shift_right_logical3A_110 = vector.broadcast %shift_right_logical3A_109 : i32 to vector<16xi32>
    %shift_right_logical3A_111 = arith.shrui %get3A_99, %shift_right_logical3A_110 : vector<16xi32>
    %swap3A_112 = arith.constant 3 : i32
    %swap3A_113 = arith.index_cast %swap3A_112 : i32 to index
    %swap3A_114 = arith.constant 64 : index
    %swap3A_115 = tpu.vector_load %arg7[%swap3A_113, %swap3A_114] {strides = array<i32>} : memref<6x80xi32, #tpu.memory_space<vmem>>, vector<1x16xi32>,
    %swap3A_116 = vector.shape_cast %swap3A_115 : vector<1x16xi32> to vector<16xi32>
    %swap3A_117 = vector.shape_cast %shift_right_logical3A_111 : vector<16xi32> to vector<1x16xi32>
    tpu.vector_store %arg7[%swap3A_113, %swap3A_114], %swap3A_117 {strides = array<i32>} : memref<6x80xi32, #tpu.memory_space<vmem>>, vector<1x16xi32>,
    %dma_start3A = arith.constant 0 : i32
    %dma_start3A_118 = arith.constant 0 : i32
    %dma_start3A_119 = tpu.memref_slice %arg7[%dma_start3A, %dma_start3A_118] : memref<6x80xi32, #tpu.memory_space<vmem>> -> memref<1x80xi32, #tpu.memory_space<vmem>>
    %dma_start3A_120 = tpu.memref_squeeze %dma_start3A_119 : memref<1x80xi32, #tpu.memory_space<vmem>> -> memref<80xi32, #tpu.memory_space<vmem>>
    %dma_start3A_121 = arith.constant 0 : i32
    %dma_start3A_122 = arith.constant 0 : i32
    %dma_start3A_123 = tpu.memref_slice %arg2[%dma_start3A_121, %dma_start3A_122] : memref<10000x128xf32, #tpu.memory_space<hbm>> -> memref<10000x128xf32, #tpu.memory_space<hbm>>
    tpu.enqueue_indirect_dma source(%dma_start3A_123 : memref<10000x128xf32, #tpu.memory_space<hbm>>) target(%arg8 : memref<80x128xf32, #tpu.memory_space<vmem>>) offsets(%dma_start3A_120 : memref<80xi32, #tpu.memory_space<vmem>>) semaphore(%arg12 : memref<!tpu.dma_semaphore, #tpu.memory_space<semaphore_mem>>)
    %get3A_124 = arith.constant 1 : i32
    %get3A_125 = arith.index_cast %get3A_124 : i32 to index
    %get3A_126 = arith.constant 0 : index
    %get3A_127 = tpu.vector_load %arg6[%get3A_125, %get3A_126] {strides = array<i32>} : memref<126x80xi32, #tpu.memory_space<vmem>>, vector<1x16xi32>,
    %get3A_128 = vector.shape_cast %get3A_127 : vector<1x16xi32> to vector<16xi32>
    %and3A_129 = arith.constant 65535 : i32
    %and3A_130 = vector.broadcast %and3A_129 : i32 to vector<16xi32>
    %and3A_131 = arith.andi %get3A_128, %and3A_130 : vector<16xi32>
    %swap3A_132 = arith.constant 1 : i32
    %swap3A_133 = arith.index_cast %swap3A_132 : i32 to index
    %swap3A_134 = arith.constant 0 : index
    %swap3A_135 = tpu.vector_load %arg7[%swap3A_133, %swap3A_134] {strides = array<i32>} : memref<6x80xi32, #tpu.memory_space<vmem>>, vector<1x16xi32>,
    %swap3A_136 = vector.shape_cast %swap3A_135 : vector<1x16xi32> to vector<16xi32>
    %swap3A_137 = vector.shape_cast %and3A_131 : vector<16xi32> to vector<1x16xi32>
    tpu.vector_store %arg7[%swap3A_133, %swap3A_134], %swap3A_137 {strides = array<i32>} : memref<6x80xi32, #tpu.memory_space<vmem>>, vector<1x16xi32>,
    %shift_right_logical3A_138 = arith.constant 16 : i32
    %shift_right_logical3A_139 = vector.broadcast %shift_right_logical3A_138 : i32 to vector<16xi32>
    %shift_right_logical3A_140 = arith.shrui %get3A_128, %shift_right_logical3A_139 : vector<16xi32>
    %swap3A_141 = arith.constant 4 : i32
    %swap3A_142 = arith.index_cast %swap3A_141 : i32 to index
    %swap3A_143 = arith.constant 0 : index
    %swap3A_144 = tpu.vector_load %arg7[%swap3A_142, %swap3A_143] {strides = array<i32>} : memref<6x80xi32, #tpu.memory_space<vmem>>, vector<1x16xi32>,
    %swap3A_145 = vector.shape_cast %swap3A_144 : vector<1x16xi32> to vector<16xi32>
    %swap3A_146 = vector.shape_cast %shift_right_logical3A_140 : vector<16xi32> to vector<1x16xi32>
    tpu.vector_store %arg7[%swap3A_142, %swap3A_143], %swap3A_146 {strides = array<i32>} : memref<6x80xi32, #tpu.memory_space<vmem>>, vector<1x16xi32>,
    %get3A_147 = arith.constant 1 : i32
    %get3A_148 = arith.index_cast %get3A_147 : i32 to index
    %get3A_149 = arith.constant 16 : index
    %get3A_150 = tpu.vector_load %arg6[%get3A_148, %get3A_149] {strides = array<i32>} : memref<126x80xi32, #tpu.memory_space<vmem>>, vector<1x16xi32>,
    %get3A_151 = vector.shape_cast %get3A_150 : vector<1x16xi32> to vector<16xi32>
    %and3A_152 = arith.constant 65535 : i32
    %and3A_153 = vector.broadcast %and3A_152 : i32 to vector<16xi32>
    %and3A_154 = arith.andi %get3A_151, %and3A_153 : vector<16xi32>
    %swap3A_155 = arith.constant 1 : i32
    %swap3A_156 = arith.index_cast %swap3A_155 : i32 to index
    %swap3A_157 = arith.constant 16 : index
    %swap3A_158 = tpu.vector_load %arg7[%swap3A_156, %swap3A_157] {strides = array<i32>} : memref<6x80xi32, #tpu.memory_space<vmem>>, vector<1x16xi32>,
    %swap3A_159 = vector.shape_cast %swap3A_158 : vector<1x16xi32> to vector<16xi32>
    %swap3A_160 = vector.shape_cast %and3A_154 : vector<16xi32> to vector<1x16xi32>
    tpu.vector_store %arg7[%swap3A_156, %swap3A_157], %swap3A_160 {strides = array<i32>} : memref<6x80xi32, #tpu.memory_space<vmem>>, vector<1x16xi32>,
    %shift_right_logical3A_161 = arith.constant 16 : i32
    %shift_right_logical3A_162 = vector.broadcast %shift_right_logical3A_161 : i32 to vector<16xi32>
    %shift_right_logical3A_163 = arith.shrui %get3A_151, %shift_right_logical3A_162 : vector<16xi32>
    %swap3A_164 = arith.constant 4 : i32
    %swap3A_165 = arith.index_cast %swap3A_164 : i32 to index
    %swap3A_166 = arith.constant 16 : index
    %swap3A_167 = tpu.vector_load %arg7[%swap3A_165, %swap3A_166] {strides = array<i32>} : memref<6x80xi32, #tpu.memory_space<vmem>>, vector<1x16xi32>,
    %swap3A_168 = vector.shape_cast %swap3A_167 : vector<1x16xi32> to vector<16xi32>
    %swap3A_169 = vector.shape_cast %shift_right_logical3A_163 : vector<16xi32> to vector<1x16xi32>
    tpu.vector_store %arg7[%swap3A_165, %swap3A_166], %swap3A_169 {strides = array<i32>} : memref<6x80xi32, #tpu.memory_space<vmem>>, vector<1x16xi32>,
    %get3A_170 = arith.constant 1 : i32
    %get3A_171 = arith.index_cast %get3A_170 : i32 to index
    %get3A_172 = arith.constant 32 : index
    %get3A_173 = tpu.vector_load %arg6[%get3A_171, %get3A_172] {strides = array<i32>} : memref<126x80xi32, #tpu.memory_space<vmem>>, vector<1x16xi32>,
    %get3A_174 = vector.shape_cast %get3A_173 : vector<1x16xi32> to vector<16xi32>
    %and3A_175 = arith.constant 65535 : i32
    %and3A_176 = vector.broadcast %and3A_175 : i32 to vector<16xi32>
    %and3A_177 = arith.andi %get3A_174, %and3A_176 : vector<16xi32>
    %swap3A_178 = arith.constant 1 : i32
    %swap3A_179 = arith.index_cast %swap3A_178 : i32 to index
    %swap3A_180 = arith.constant 32 : index
    %swap3A_181 = tpu.vector_load %arg7[%swap3A_179, %swap3A_180] {strides = array<i32>} : memref<6x80xi32, #tpu.memory_space<vmem>>, vector<1x16xi32>,
    %swap3A_182 = vector.shape_cast %swap3A_181 : vector<1x16xi32> to vector<16xi32>
    %swap3A_183 = vector.shape_cast %and3A_177 : vector<16xi32> to vector<1x16xi32>
    tpu.vector_store %arg7[%swap3A_179, %swap3A_180], %swap3A_183 {strides = array<i32>} : memref<6x80xi32, #tpu.memory_space<vmem>>, vector<1x16xi32>,
    %shift_right_logical3A_184 = arith.constant 16 : i32
    %shift_right_logical3A_185 = vector.broadcast %shift_right_logical3A_184 : i32 to vector<16xi32>
    %shift_right_logical3A_186 = arith.shrui %get3A_174, %shift_right_logical3A_185 : vector<16xi32>
    %swap3A_187 = arith.constant 4 : i32
    %swap3A_188 = arith.index_cast %swap3A_187 : i32 to index
    %swap3A_189 = arith.constant 32 : index
    %swap3A_190 = tpu.vector_load %arg7[%swap3A_188, %swap3A_189] {strides = array<i32>} : memref<6x80xi32, #tpu.memory_space<vmem>>, vector<1x16xi32>,
    %swap3A_191 = vector.shape_cast %swap3A_190 : vector<1x16xi32> to vector<16xi32>
    %swap3A_192 = vector.shape_cast %shift_right_logical3A_186 : vector<16xi32> to vector<1x16xi32>
    tpu.vector_store %arg7[%swap3A_188, %swap3A_189], %swap3A_192 {strides = array<i32>} : memref<6x80xi32, #tpu.memory_space<vmem>>, vector<1x16xi32>,
    %get3A_193 = arith.constant 1 : i32
    %get3A_194 = arith.index_cast %get3A_193 : i32 to index
    %get3A_195 = arith.constant 48 : index
    %get3A_196 = tpu.vector_load %arg6[%get3A_194, %get3A_195] {strides = array<i32>} : memref<126x80xi32, #tpu.memory_space<vmem>>, vector<1x16xi32>,
    %get3A_197 = vector.shape_cast %get3A_196 : vector<1x16xi32> to vector<16xi32>
    %and3A_198 = arith.constant 65535 : i32
    %and3A_199 = vector.broadcast %and3A_198 : i32 to vector<16xi32>
    %and3A_200 = arith.andi %get3A_197, %and3A_199 : vector<16xi32>
    %swap3A_201 = arith.constant 1 : i32
    %swap3A_202 = arith.index_cast %swap3A_201 : i32 to index
    %swap3A_203 = arith.constant 48 : index
    %swap3A_204 = tpu.vector_load %arg7[%swap3A_202, %swap3A_203] {strides = array<i32>} : memref<6x80xi32, #tpu.memory_space<vmem>>, vector<1x16xi32>,
    %swap3A_205 = vector.shape_cast %swap3A_204 : vector<1x16xi32> to vector<16xi32>
    %swap3A_206 = vector.shape_cast %and3A_200 : vector<16xi32> to vector<1x16xi32>
    tpu.vector_store %arg7[%swap3A_202, %swap3A_203], %swap3A_206 {strides = array<i32>} : memref<6x80xi32, #tpu.memory_space<vmem>>, vector<1x16xi32>,
    %shift_right_logical3A_207 = arith.constant 16 : i32
    %shift_right_logical3A_208 = vector.broadcast %shift_right_logical3A_207 : i32 to vector<16xi32>
    %shift_right_logical3A_209 = arith.shrui %get3A_197, %shift_right_logical3A_208 : vector<16xi32>
    %swap3A_210 = arith.constant 4 : i32
    %swap3A_211 = arith.index_cast %swap3A_210 : i32 to index
    %swap3A_212 = arith.constant 48 : index
    %swap3A_213 = tpu.vector_load %arg7[%swap3A_211, %swap3A_212] {strides = array<i32>} : memref<6x80xi32, #tpu.memory_space<vmem>>, vector<1x16xi32>,
    %swap3A_214 = vector.shape_cast %swap3A_213 : vector<1x16xi32> to vector<16xi32>
    %swap3A_215 = vector.shape_cast %shift_right_logical3A_209 : vector<16xi32> to vector<1x16xi32>
    tpu.vector_store %arg7[%swap3A_211, %swap3A_212], %swap3A_215 {strides = array<i32>} : memref<6x80xi32, #tpu.memory_space<vmem>>, vector<1x16xi32>,
    %get3A_216 = arith.constant 1 : i32
    %get3A_217 = arith.index_cast %get3A_216 : i32 to index
    %get3A_218 = arith.constant 64 : index
    %get3A_219 = tpu.vector_load %arg6[%get3A_217, %get3A_218] {strides = array<i32>} : memref<126x80xi32, #tpu.memory_space<vmem>>, vector<1x16xi32>,
    %get3A_220 = vector.shape_cast %get3A_219 : vector<1x16xi32> to vector<16xi32>
    %and3A_221 = arith.constant 65535 : i32
    %and3A_222 = vector.broadcast %and3A_221 : i32 to vector<16xi32>
    %and3A_223 = arith.andi %get3A_220, %and3A_222 : vector<16xi32>
    %swap3A_224 = arith.constant 1 : i32
    %swap3A_225 = arith.index_cast %swap3A_224 : i32 to index
    %swap3A_226 = arith.constant 64 : index
    %swap3A_227 = tpu.vector_load %arg7[%swap3A_225, %swap3A_226] {strides = array<i32>} : memref<6x80xi32, #tpu.memory_space<vmem>>, vector<1x16xi32>,
    %swap3A_228 = vector.shape_cast %swap3A_227 : vector<1x16xi32> to vector<16xi32>
    %swap3A_229 = vector.shape_cast %and3A_223 : vector<16xi32> to vector<1x16xi32>
    tpu.vector_store %arg7[%swap3A_225, %swap3A_226], %swap3A_229 {strides = array<i32>} : memref<6x80xi32, #tpu.memory_space<vmem>>, vector<1x16xi32>,
    %shift_right_logical3A_230 = arith.constant 16 : i32
    %shift_right_logical3A_231 = vector.broadcast %shift_right_logical3A_230 : i32 to vector<16xi32>
    %shift_right_logical3A_232 = arith.shrui %get3A_220, %shift_right_logical3A_231 : vector<16xi32>
    %swap3A_233 = arith.constant 4 : i32
    %swap3A_234 = arith.index_cast %swap3A_233 : i32 to index
    %swap3A_235 = arith.constant 64 : index
    %swap3A_236 = tpu.vector_load %arg7[%swap3A_234, %swap3A_235] {strides = array<i32>} : memref<6x80xi32, #tpu.memory_space<vmem>>, vector<1x16xi32>,
    %swap3A_237 = vector.shape_cast %swap3A_236 : vector<1x16xi32> to vector<16xi32>
    %swap3A_238 = vector.shape_cast %shift_right_logical3A_232 : vector<16xi32> to vector<1x16xi32>
    tpu.vector_store %arg7[%swap3A_234, %swap3A_235], %swap3A_238 {strides = array<i32>} : memref<6x80xi32, #tpu.memory_space<vmem>>, vector<1x16xi32>,
    %dma_start3A_239 = arith.constant 1 : i32
    %dma_start3A_240 = arith.constant 0 : i32
    %dma_start3A_241 = tpu.memref_slice %arg7[%dma_start3A_239, %dma_start3A_240] : memref<6x80xi32, #tpu.memory_space<vmem>> -> memref<1x80xi32, #tpu.memory_space<vmem>>
    %dma_start3A_242 = tpu.memref_squeeze %dma_start3A_241 : memref<1x80xi32, #tpu.memory_space<vmem>> -> memref<80xi32, #tpu.memory_space<vmem>>
    %dma_start3A_243 = arith.constant 0 : i32
    %dma_start3A_244 = arith.constant 0 : i32
    %dma_start3A_245 = tpu.memref_slice %arg2[%dma_start3A_243, %dma_start3A_244] : memref<10000x128xf32, #tpu.memory_space<hbm>> -> memref<10000x128xf32, #tpu.memory_space<hbm>>
    tpu.enqueue_indirect_dma source(%dma_start3A_245 : memref<10000x128xf32, #tpu.memory_space<hbm>>) target(%arg9 : memref<80x128xf32, #tpu.memory_space<vmem>>) offsets(%dma_start3A_242 : memref<80xi32, #tpu.memory_space<vmem>>) semaphore(%arg13 : memref<!tpu.dma_semaphore, #tpu.memory_space<semaphore_mem>>)
    %scan3A = arith.constant 0 : i32
    %scan3A_246 = arith.constant 0 : i32
    %scan3A_247 = arith.constant 42 : i32
    %scan3A_248 = arith.addi %scan3A_246, %scan3A_247 : i32
    %scan3A_249 = arith.constant 1 : i32
    scf.for %scan3A_261 = %scan3A_246 to %scan3A_248 step %scan3A_249  : i32 {
      %mul3A_262 = arith.constant 3 : i32
      %mul3A_263 = arith.muli %mul3A_262, %scan3A_261 : i32
      %add3A_264 = arith.constant 0 : i32
      %add3A_265 = arith.addi %mul3A_263, %add3A_264 : i32
      %dma_wait3A = arith.constant 0 : i32
      %dma_wait3A_266 = arith.constant 0 : i32
      %dma_wait3A_267 = tpu.memref_slice %arg7[%dma_wait3A, %dma_wait3A_266] : memref<6x80xi32, #tpu.memory_space<vmem>> -> memref<1x80xi32, #tpu.memory_space<vmem>>
      %dma_wait3A_268 = tpu.memref_squeeze %dma_wait3A_267 : memref<1x80xi32, #tpu.memory_space<vmem>> -> memref<80xi32, #tpu.memory_space<vmem>>
      %dma_wait3A_269 = arith.constant 0 : i32
      %dma_wait3A_270 = arith.constant 0 : i32
      %dma_wait3A_271 = tpu.memref_slice %arg2[%dma_wait3A_269, %dma_wait3A_270] : memref<10000x128xf32, #tpu.memory_space<hbm>> -> memref<10000x128xf32, #tpu.memory_space<hbm>>
      tpu.wait_indirect_dma semaphore(%arg12 : memref<!tpu.dma_semaphore, #tpu.memory_space<semaphore_mem>>) src(%dma_wait3A_271 : memref<10000x128xf32, #tpu.memory_space<hbm>>) dst(%arg8 : memref<80x128xf32, #tpu.memory_space<vmem>>)
      %add3A_272 = arith.constant 2 : i32
      %add3A_273 = arith.addi %add3A_265, %add3A_272 : i32
      %lt3A = arith.constant 126 : i32
      %lt3A_274 = arith.cmpi slt, %add3A_273, %lt3A : i32
      %convert_element_type3A_275 = arith.extui %lt3A_274 : i1 to i32
      %cond3A_276 = arith.constant 0 : i32
      %cond3A_277 = arith.cmpi ne, %convert_element_type3A_275, %cond3A_276 : i32
      scf.if %cond3A_277 {
        %add3A_316 = arith.constant 2 : i32
        %add3A_317 = arith.addi %add3A_265, %add3A_316 : i32
        %get3A_318 = arith.index_cast %add3A_317 : i32 to index
        %get3A_319 = arith.constant 0 : index
        %get3A_320 = tpu.vector_load %arg6[%get3A_318, %get3A_319] {strides = array<i32>} : memref<126x80xi32, #tpu.memory_space<vmem>>, vector<1x16xi32>,
        %get3A_321 = vector.shape_cast %get3A_320 : vector<1x16xi32> to vector<16xi32>
        %and3A_322 = arith.constant 65535 : i32
        %and3A_323 = vector.broadcast %and3A_322 : i32 to vector<16xi32>
        %and3A_324 = arith.andi %get3A_321, %and3A_323 : vector<16xi32>
        %swap3A_325 = arith.constant 2 : i32
        %swap3A_326 = arith.index_cast %swap3A_325 : i32 to index
        %swap3A_327 = arith.constant 0 : index
        %swap3A_328 = tpu.vector_load %arg7[%swap3A_326, %swap3A_327] {strides = array<i32>} : memref<6x80xi32, #tpu.memory_space<vmem>>, vector<1x16xi32>,
        %swap3A_329 = vector.shape_cast %swap3A_328 : vector<1x16xi32> to vector<16xi32>
        %swap3A_330 = vector.shape_cast %and3A_324 : vector<16xi32> to vector<1x16xi32>
        tpu.vector_store %arg7[%swap3A_326, %swap3A_327], %swap3A_330 {strides = array<i32>} : memref<6x80xi32, #tpu.memory_space<vmem>>, vector<1x16xi32>,
        %shift_right_logical3A_331 = arith.constant 16 : i32
        %shift_right_logical3A_332 = vector.broadcast %shift_right_logical3A_331 : i32 to vector<16xi32>
        %shift_right_logical3A_333 = arith.shrui %get3A_321, %shift_right_logical3A_332 : vector<16xi32>
        %swap3A_334 = arith.constant 5 : i32
        %swap3A_335 = arith.index_cast %swap3A_334 : i32 to index
        %swap3A_336 = arith.constant 0 : index
        %swap3A_337 = tpu.vector_load %arg7[%swap3A_335, %swap3A_336] {strides = array<i32>} : memref<6x80xi32, #tpu.memory_space<vmem>>, vector<1x16xi32>,
        %swap3A_338 = vector.shape_cast %swap3A_337 : vector<1x16xi32> to vector<16xi32>
        %swap3A_339 = vector.shape_cast %shift_right_logical3A_333 : vector<16xi32> to vector<1x16xi32>
        tpu.vector_store %arg7[%swap3A_335, %swap3A_336], %swap3A_339 {strides = array<i32>} : memref<6x80xi32, #tpu.memory_space<vmem>>, vector<1x16xi32>,
        %get3A_340 = arith.index_cast %add3A_317 : i32 to index
        %get3A_341 = arith.constant 16 : index
        %get3A_342 = tpu.vector_load %arg6[%get3A_340, %get3A_341] {strides = array<i32>} : memref<126x80xi32, #tpu.memory_space<vmem>>, vector<1x16xi32>,
        %get3A_343 = vector.shape_cast %get3A_342 : vector<1x16xi32> to vector<16xi32>
        %and3A_344 = arith.constant 65535 : i32
        %and3A_345 = vector.broadcast %and3A_344 : i32 to vector<16xi32>
        %and3A_346 = arith.andi %get3A_343, %and3A_345 : vector<16xi32>
        %swap3A_347 = arith.constant 2 : i32
        %swap3A_348 = arith.index_cast %swap3A_347 : i32 to index
        %swap3A_349 = arith.constant 16 : index
        %swap3A_350 = tpu.vector_load %arg7[%swap3A_348, %swap3A_349] {strides = array<i32>} : memref<6x80xi32, #tpu.memory_space<vmem>>, vector<1x16xi32>,
        %swap3A_351 = vector.shape_cast %swap3A_350 : vector<1x16xi32> to vector<16xi32>
        %swap3A_352 = vector.shape_cast %and3A_346 : vector<16xi32> to vector<1x16xi32>
        tpu.vector_store %arg7[%swap3A_348, %swap3A_349], %swap3A_352 {strides = array<i32>} : memref<6x80xi32, #tpu.memory_space<vmem>>, vector<1x16xi32>,
        %shift_right_logical3A_353 = arith.constant 16 : i32
        %shift_right_logical3A_354 = vector.broadcast %shift_right_logical3A_353 : i32 to vector<16xi32>
        %shift_right_logical3A_355 = arith.shrui %get3A_343, %shift_right_logical3A_354 : vector<16xi32>
        %swap3A_356 = arith.constant 5 : i32
        %swap3A_357 = arith.index_cast %swap3A_356 : i32 to index
        %swap3A_358 = arith.constant 16 : index
        %swap3A_359 = tpu.vector_load %arg7[%swap3A_357, %swap3A_358] {strides = array<i32>} : memref<6x80xi32, #tpu.memory_space<vmem>>, vector<1x16xi32>,
        %swap3A_360 = vector.shape_cast %swap3A_359 : vector<1x16xi32> to vector<16xi32>
        %swap3A_361 = vector.shape_cast %shift_right_logical3A_355 : vector<16xi32> to vector<1x16xi32>
        tpu.vector_store %arg7[%swap3A_357, %swap3A_358], %swap3A_361 {strides = array<i32>} : memref<6x80xi32, #tpu.memory_space<vmem>>, vector<1x16xi32>,
        %get3A_362 = arith.index_cast %add3A_317 : i32 to index
        %get3A_363 = arith.constant 32 : index
        %get3A_364 = tpu.vector_load %arg6[%get3A_362, %get3A_363] {strides = array<i32>} : memref<126x80xi32, #tpu.memory_space<vmem>>, vector<1x16xi32>,
        %get3A_365 = vector.shape_cast %get3A_364 : vector<1x16xi32> to vector<16xi32>
        %and3A_366 = arith.constant 65535 : i32
        %and3A_367 = vector.broadcast %and3A_366 : i32 to vector<16xi32>
        %and3A_368 = arith.andi %get3A_365, %and3A_367 : vector<16xi32>
        %swap3A_369 = arith.constant 2 : i32
        %swap3A_370 = arith.index_cast %swap3A_369 : i32 to index
        %swap3A_371 = arith.constant 32 : index
        %swap3A_372 = tpu.vector_load %arg7[%swap3A_370, %swap3A_371] {strides = array<i32>} : memref<6x80xi32, #tpu.memory_space<vmem>>, vector<1x16xi32>,
        %swap3A_373 = vector.shape_cast %swap3A_372 : vector<1x16xi32> to vector<16xi32>
        %swap3A_374 = vector.shape_cast %and3A_368 : vector<16xi32> to vector<1x16xi32>
        tpu.vector_store %arg7[%swap3A_370, %swap3A_371], %swap3A_374 {strides = array<i32>} : memref<6x80xi32, #tpu.memory_space<vmem>>, vector<1x16xi32>,
        %shift_right_logical3A_375 = arith.constant 16 : i32
        %shift_right_logical3A_376 = vector.broadcast %shift_right_logical3A_375 : i32 to vector<16xi32>
        %shift_right_logical3A_377 = arith.shrui %get3A_365, %shift_right_logical3A_376 : vector<16xi32>
        %swap3A_378 = arith.constant 5 : i32
        %swap3A_379 = arith.index_cast %swap3A_378 : i32 to index
        %swap3A_380 = arith.constant 32 : index
        %swap3A_381 = tpu.vector_load %arg7[%swap3A_379, %swap3A_380] {strides = array<i32>} : memref<6x80xi32, #tpu.memory_space<vmem>>, vector<1x16xi32>,
        %swap3A_382 = vector.shape_cast %swap3A_381 : vector<1x16xi32> to vector<16xi32>
        %swap3A_383 = vector.shape_cast %shift_right_logical3A_377 : vector<16xi32> to vector<1x16xi32>
        tpu.vector_store %arg7[%swap3A_379, %swap3A_380], %swap3A_383 {strides = array<i32>} : memref<6x80xi32, #tpu.memory_space<vmem>>, vector<1x16xi32>,
        %get3A_384 = arith.index_cast %add3A_317 : i32 to index
        %get3A_385 = arith.constant 48 : index
        %get3A_386 = tpu.vector_load %arg6[%get3A_384, %get3A_385] {strides = array<i32>} : memref<126x80xi32, #tpu.memory_space<vmem>>, vector<1x16xi32>,
        %get3A_387 = vector.shape_cast %get3A_386 : vector<1x16xi32> to vector<16xi32>
        %and3A_388 = arith.constant 65535 : i32
        %and3A_389 = vector.broadcast %and3A_388 : i32 to vector<16xi32>
        %and3A_390 = arith.andi %get3A_387, %and3A_389 : vector<16xi32>
        %swap3A_391 = arith.constant 2 : i32
        %swap3A_392 = arith.index_cast %swap3A_391 : i32 to index
        %swap3A_393 = arith.constant 48 : index
        %swap3A_394 = tpu.vector_load %arg7[%swap3A_392, %swap3A_393] {strides = array<i32>} : memref<6x80xi32, #tpu.memory_space<vmem>>, vector<1x16xi32>,
        %swap3A_395 = vector.shape_cast %swap3A_394 : vector<1x16xi32> to vector<16xi32>
        %swap3A_396 = vector.shape_cast %and3A_390 : vector<16xi32> to vector<1x16xi32>
        tpu.vector_store %arg7[%swap3A_392, %swap3A_393], %swap3A_396 {strides = array<i32>} : memref<6x80xi32, #tpu.memory_space<vmem>>, vector<1x16xi32>,
        %shift_right_logical3A_397 = arith.constant 16 : i32
        %shift_right_logical3A_398 = vector.broadcast %shift_right_logical3A_397 : i32 to vector<16xi32>
        %shift_right_logical3A_399 = arith.shrui %get3A_387, %shift_right_logical3A_398 : vector<16xi32>
        %swap3A_400 = arith.constant 5 : i32
        %swap3A_401 = arith.index_cast %swap3A_400 : i32 to index
        %swap3A_402 = arith.constant 48 : index
        %swap3A_403 = tpu.vector_load %arg7[%swap3A_401, %swap3A_402] {strides = array<i32>} : memref<6x80xi32, #tpu.memory_space<vmem>>, vector<1x16xi32>,
        %swap3A_404 = vector.shape_cast %swap3A_403 : vector<1x16xi32> to vector<16xi32>
        %swap3A_405 = vector.shape_cast %shift_right_logical3A_399 : vector<16xi32> to vector<1x16xi32>
        tpu.vector_store %arg7[%swap3A_401, %swap3A_402], %swap3A_405 {strides = array<i32>} : memref<6x80xi32, #tpu.memory_space<vmem>>, vector<1x16xi32>,
        %get3A_406 = arith.index_cast %add3A_317 : i32 to index
        %get3A_407 = arith.constant 64 : index
        %get3A_408 = tpu.vector_load %arg6[%get3A_406, %get3A_407] {strides = array<i32>} : memref<126x80xi32, #tpu.memory_space<vmem>>, vector<1x16xi32>,
        %get3A_409 = vector.shape_cast %get3A_408 : vector<1x16xi32> to vector<16xi32>
        %and3A_410 = arith.constant 65535 : i32
        %and3A_411 = vector.broadcast %and3A_410 : i32 to vector<16xi32>
        %and3A_412 = arith.andi %get3A_409, %and3A_411 : vector<16xi32>
        %swap3A_413 = arith.constant 2 : i32
        %swap3A_414 = arith.index_cast %swap3A_413 : i32 to index
        %swap3A_415 = arith.constant 64 : index
        %swap3A_416 = tpu.vector_load %arg7[%swap3A_414, %swap3A_415] {strides = array<i32>} : memref<6x80xi32, #tpu.memory_space<vmem>>, vector<1x16xi32>,
        %swap3A_417 = vector.shape_cast %swap3A_416 : vector<1x16xi32> to vector<16xi32>
        %swap3A_418 = vector.shape_cast %and3A_412 : vector<16xi32> to vector<1x16xi32>
        tpu.vector_store %arg7[%swap3A_414, %swap3A_415], %swap3A_418 {strides = array<i32>} : memref<6x80xi32, #tpu.memory_space<vmem>>, vector<1x16xi32>,
        %shift_right_logical3A_419 = arith.constant 16 : i32
        %shift_right_logical3A_420 = vector.broadcast %shift_right_logical3A_419 : i32 to vector<16xi32>
        %shift_right_logical3A_421 = arith.shrui %get3A_409, %shift_right_logical3A_420 : vector<16xi32>
        %swap3A_422 = arith.constant 5 : i32
        %swap3A_423 = arith.index_cast %swap3A_422 : i32 to index
        %swap3A_424 = arith.constant 64 : index
        %swap3A_425 = tpu.vector_load %arg7[%swap3A_423, %swap3A_424] {strides = array<i32>} : memref<6x80xi32, #tpu.memory_space<vmem>>, vector<1x16xi32>,
        %swap3A_426 = vector.shape_cast %swap3A_425 : vector<1x16xi32> to vector<16xi32>
        %swap3A_427 = vector.shape_cast %shift_right_logical3A_421 : vector<16xi32> to vector<1x16xi32>
        tpu.vector_store %arg7[%swap3A_423, %swap3A_424], %swap3A_427 {strides = array<i32>} : memref<6x80xi32, #tpu.memory_space<vmem>>, vector<1x16xi32>,
        %dma_start3A_428 = arith.constant 2 : i32
        %dma_start3A_429 = arith.constant 0 : i32
        %dma_start3A_430 = tpu.memref_slice %arg7[%dma_start3A_428, %dma_start3A_429] : memref<6x80xi32, #tpu.memory_space<vmem>> -> memref<1x80xi32, #tpu.memory_space<vmem>>
        %dma_start3A_431 = tpu.memref_squeeze %dma_start3A_430 : memref<1x80xi32, #tpu.memory_space<vmem>> -> memref<80xi32, #tpu.memory_space<vmem>>
        %dma_start3A_432 = arith.constant 0 : i32
        %dma_start3A_433 = arith.constant 0 : i32
        %dma_start3A_434 = tpu.memref_slice %arg2[%dma_start3A_432, %dma_start3A_433] : memref<10000x128xf32, #tpu.memory_space<hbm>> -> memref<10000x128xf32, #tpu.memory_space<hbm>>
        tpu.enqueue_indirect_dma source(%dma_start3A_434 : memref<10000x128xf32, #tpu.memory_space<hbm>>) target(%arg10 : memref<80x128xf32, #tpu.memory_space<vmem>>) offsets(%dma_start3A_431 : memref<80xi32, #tpu.memory_space<vmem>>) semaphore(%arg14 : memref<!tpu.dma_semaphore, #tpu.memory_space<semaphore_mem>>)
      } else {
      }
      %run_scoped3A = arith.constant 3 : i32
      "tpu.region"() ({
        %run_scoped3A_316 = tpu.sem_alloc : memref<!tpu.dma_semaphore, #tpu.memory_space<semaphore_mem>>
        %dma_start3A_317 = arith.constant 0 : i32
        %dma_start3A_318 = tpu.memref_slice %arg7[%run_scoped3A, %dma_start3A_317] : memref<6x80xi32, #tpu.memory_space<vmem>> -> memref<1x80xi32, #tpu.memory_space<vmem>>
        %dma_start3A_319 = tpu.memref_squeeze %dma_start3A_318 : memref<1x80xi32, #tpu.memory_space<vmem>> -> memref<80xi32, #tpu.memory_space<vmem>>
        %dma_start3A_320 = arith.constant 0 : i32
        %dma_start3A_321 = arith.constant 0 : i32
        %dma_start3A_322 = tpu.memref_slice %arg11[%dma_start3A_320, %dma_start3A_321] : memref<10128x128xf32, #tpu.memory_space<vmem_shared>> -> memref<10128x128xf32, #tpu.memory_space<vmem_shared>>
        tpu.enqueue_indirect_dma source(%arg8 : memref<80x128xf32, #tpu.memory_space<vmem>>) target(%dma_start3A_322 : memref<10128x128xf32, #tpu.memory_space<vmem_shared>>) offsets(%dma_start3A_319 : memref<80xi32, #tpu.memory_space<vmem>>) semaphore(%run_scoped3A_316 : memref<!tpu.dma_semaphore, #tpu.memory_space<semaphore_mem>>) {add = true}
        %dma_wait3A_323 = arith.constant 0 : i32
        %dma_wait3A_324 = tpu.memref_slice %arg7[%run_scoped3A, %dma_wait3A_323] : memref<6x80xi32, #tpu.memory_space<vmem>> -> memref<1x80xi32, #tpu.memory_space<vmem>>
        %dma_wait3A_325 = tpu.memref_squeeze %dma_wait3A_324 : memref<1x80xi32, #tpu.memory_space<vmem>> -> memref<80xi32, #tpu.memory_space<vmem>>
        %dma_wait3A_326 = arith.constant 0 : i32
        %dma_wait3A_327 = arith.constant 0 : i32
        %dma_wait3A_328 = tpu.memref_slice %arg11[%dma_wait3A_326, %dma_wait3A_327] : memref<10128x128xf32, #tpu.memory_space<vmem_shared>> -> memref<10128x128xf32, #tpu.memory_space<vmem_shared>>
        tpu.wait_indirect_dma semaphore(%run_scoped3A_316 : memref<!tpu.dma_semaphore, #tpu.memory_space<semaphore_mem>>) src(%arg8 : memref<80x128xf32, #tpu.memory_space<vmem>>) dst(%dma_wait3A_328 : memref<10128x128xf32, #tpu.memory_space<vmem_shared>>)
        tpu.yield
      }) : () -> ()
      %mul3A_278 = arith.constant 3 : i32
      %mul3A_279 = arith.muli %mul3A_278, %scan3A_261 : i32
      %add3A_280 = arith.constant 1 : i32
      %add3A_281 = arith.addi %mul3A_279, %add3A_280 : i32
      %dma_wait3A_282 = arith.constant 1 : i32
      %dma_wait3A_283 = arith.constant 0 : i32
      %dma_wait3A_284 = tpu.memref_slice %arg7[%dma_wait3A_282, %dma_wait3A_283] : memref<6x80xi32, #tpu.memory_space<vmem>> -> memref<1x80xi32, #tpu.memory_space<vmem>>
      %dma_wait3A_285 = tpu.memref_squeeze %dma_wait3A_284 : memref<1x80xi32, #tpu.memory_space<vmem>> -> memref<80xi32, #tpu.memory_space<vmem>>
      %dma_wait3A_286 = arith.constant 0 : i32
      %dma_wait3A_287 = arith.constant 0 : i32
      %dma_wait3A_288 = tpu.memref_slice %arg2[%dma_wait3A_286, %dma_wait3A_287] : memref<10000x128xf32, #tpu.memory_space<hbm>> -> memref<10000x128xf32, #tpu.memory_space<hbm>>
      tpu.wait_indirect_dma semaphore(%arg13 : memref<!tpu.dma_semaphore, #tpu.memory_space<semaphore_mem>>) src(%dma_wait3A_288 : memref<10000x128xf32, #tpu.memory_space<hbm>>) dst(%arg9 : memref<80x128xf32, #tpu.memory_space<vmem>>)
      %add3A_289 = arith.constant 2 : i32
      %add3A_290 = arith.addi %add3A_281, %add3A_289 : i32
      %lt3A_291 = arith.constant 126 : i32
      %lt3A_292 = arith.cmpi slt, %add3A_290, %lt3A_291 : i32
      %convert_element_type3A_293 = arith.extui %lt3A_292 : i1 to i32
      %cond3A_294 = arith.constant 0 : i32
      %cond3A_295 = arith.cmpi ne, %convert_element_type3A_293, %cond3A_294 : i32
      scf.if %cond3A_295 {
        %add3A_316 = arith.constant 2 : i32
        %add3A_317 = arith.addi %add3A_281, %add3A_316 : i32
        %get3A_318 = arith.index_cast %add3A_317 : i32 to index
        %get3A_319 = arith.constant 0 : index
        %get3A_320 = tpu.vector_load %arg6[%get3A_318, %get3A_319] {strides = array<i32>} : memref<126x80xi32, #tpu.memory_space<vmem>>, vector<1x16xi32>,
        %get3A_321 = vector.shape_cast %get3A_320 : vector<1x16xi32> to vector<16xi32>
        %and3A_322 = arith.constant 65535 : i32
        %and3A_323 = vector.broadcast %and3A_322 : i32 to vector<16xi32>
        %and3A_324 = arith.andi %get3A_321, %and3A_323 : vector<16xi32>
        %swap3A_325 = arith.constant 0 : i32
        %swap3A_326 = arith.index_cast %swap3A_325 : i32 to index
        %swap3A_327 = arith.constant 0 : index
        %swap3A_328 = tpu.vector_load %arg7[%swap3A_326, %swap3A_327] {strides = array<i32>} : memref<6x80xi32, #tpu.memory_space<vmem>>, vector<1x16xi32>,
        %swap3A_329 = vector.shape_cast %swap3A_328 : vector<1x16xi32> to vector<16xi32>
        %swap3A_330 = vector.shape_cast %and3A_324 : vector<16xi32> to vector<1x16xi32>
        tpu.vector_store %arg7[%swap3A_326, %swap3A_327], %swap3A_330 {strides = array<i32>} : memref<6x80xi32, #tpu.memory_space<vmem>>, vector<1x16xi32>,
        %shift_right_logical3A_331 = arith.constant 16 : i32
        %shift_right_logical3A_332 = vector.broadcast %shift_right_logical3A_331 : i32 to vector<16xi32>
        %shift_right_logical3A_333 = arith.shrui %get3A_321, %shift_right_logical3A_332 : vector<16xi32>
        %swap3A_334 = arith.constant 3 : i32
        %swap3A_335 = arith.index_cast %swap3A_334 : i32 to index
        %swap3A_336 = arith.constant 0 : index
        %swap3A_337 = tpu.vector_load %arg7[%swap3A_335, %swap3A_336] {strides = array<i32>} : memref<6x80xi32, #tpu.memory_space<vmem>>, vector<1x16xi32>,
        %swap3A_338 = vector.shape_cast %swap3A_337 : vector<1x16xi32> to vector<16xi32>
        %swap3A_339 = vector.shape_cast %shift_right_logical3A_333 : vector<16xi32> to vector<1x16xi32>
        tpu.vector_store %arg7[%swap3A_335, %swap3A_336], %swap3A_339 {strides = array<i32>} : memref<6x80xi32, #tpu.memory_space<vmem>>, vector<1x16xi32>,
        %get3A_340 = arith.index_cast %add3A_317 : i32 to index
        %get3A_341 = arith.constant 16 : index
        %get3A_342 = tpu.vector_load %arg6[%get3A_340, %get3A_341] {strides = array<i32>} : memref<126x80xi32, #tpu.memory_space<vmem>>, vector<1x16xi32>,
        %get3A_343 = vector.shape_cast %get3A_342 : vector<1x16xi32> to vector<16xi32>
        %and3A_344 = arith.constant 65535 : i32
        %and3A_345 = vector.broadcast %and3A_344 : i32 to vector<16xi32>
        %and3A_346 = arith.andi %get3A_343, %and3A_345 : vector<16xi32>
        %swap3A_347 = arith.constant 0 : i32
        %swap3A_348 = arith.index_cast %swap3A_347 : i32 to index
        %swap3A_349 = arith.constant 16 : index
        %swap3A_350 = tpu.vector_load %arg7[%swap3A_348, %swap3A_349] {strides = array<i32>} : memref<6x80xi32, #tpu.memory_space<vmem>>, vector<1x16xi32>,
        %swap3A_351 = vector.shape_cast %swap3A_350 : vector<1x16xi32> to vector<16xi32>
        %swap3A_352 = vector.shape_cast %and3A_346 : vector<16xi32> to vector<1x16xi32>
        tpu.vector_store %arg7[%swap3A_348, %swap3A_349], %swap3A_352 {strides = array<i32>} : memref<6x80xi32, #tpu.memory_space<vmem>>, vector<1x16xi32>,
        %shift_right_logical3A_353 = arith.constant 16 : i32
        %shift_right_logical3A_354 = vector.broadcast %shift_right_logical3A_353 : i32 to vector<16xi32>
        %shift_right_logical3A_355 = arith.shrui %get3A_343, %shift_right_logical3A_354 : vector<16xi32>
        %swap3A_356 = arith.constant 3 : i32
        %swap3A_357 = arith.index_cast %swap3A_356 : i32 to index
        %swap3A_358 = arith.constant 16 : index
        %swap3A_359 = tpu.vector_load %arg7[%swap3A_357, %swap3A_358] {strides = array<i32>} : memref<6x80xi32, #tpu.memory_space<vmem>>, vector<1x16xi32>,
        %swap3A_360 = vector.shape_cast %swap3A_359 : vector<1x16xi32> to vector<16xi32>
        %swap3A_361 = vector.shape_cast %shift_right_logical3A_355 : vector<16xi32> to vector<1x16xi32>
        tpu.vector_store %arg7[%swap3A_357, %swap3A_358], %swap3A_361 {strides = array<i32>} : memref<6x80xi32, #tpu.memory_space<vmem>>, vector<1x16xi32>,
        %get3A_362 = arith.index_cast %add3A_317 : i32 to index
        %get3A_363 = arith.constant 32 : index
        %get3A_364 = tpu.vector_load %arg6[%get3A_362, %get3A_363] {strides = array<i32>} : memref<126x80xi32, #tpu.memory_space<vmem>>, vector<1x16xi32>,
        %get3A_365 = vector.shape_cast %get3A_364 : vector<1x16xi32> to vector<16xi32>
        %and3A_366 = arith.constant 65535 : i32
        %and3A_367 = vector.broadcast %and3A_366 : i32 to vector<16xi32>
        %and3A_368 = arith.andi %get3A_365, %and3A_367 : vector<16xi32>
        %swap3A_369 = arith.constant 0 : i32
        %swap3A_370 = arith.index_cast %swap3A_369 : i32 to index
        %swap3A_371 = arith.constant 32 : index
        %swap3A_372 = tpu.vector_load %arg7[%swap3A_370, %swap3A_371] {strides = array<i32>} : memref<6x80xi32, #tpu.memory_space<vmem>>, vector<1x16xi32>,
        %swap3A_373 = vector.shape_cast %swap3A_372 : vector<1x16xi32> to vector<16xi32>
        %swap3A_374 = vector.shape_cast %and3A_368 : vector<16xi32> to vector<1x16xi32>
        tpu.vector_store %arg7[%swap3A_370, %swap3A_371], %swap3A_374 {strides = array<i32>} : memref<6x80xi32, #tpu.memory_space<vmem>>, vector<1x16xi32>,
        %shift_right_logical3A_375 = arith.constant 16 : i32
        %shift_right_logical3A_376 = vector.broadcast %shift_right_logical3A_375 : i32 to vector<16xi32>
        %shift_right_logical3A_377 = arith.shrui %get3A_365, %shift_right_logical3A_376 : vector<16xi32>
        %swap3A_378 = arith.constant 3 : i32
        %swap3A_379 = arith.index_cast %swap3A_378 : i32 to index
        %swap3A_380 = arith.constant 32 : index
        %swap3A_381 = tpu.vector_load %arg7[%swap3A_379, %swap3A_380] {strides = array<i32>} : memref<6x80xi32, #tpu.memory_space<vmem>>, vector<1x16xi32>,
        %swap3A_382 = vector.shape_cast %swap3A_381 : vector<1x16xi32> to vector<16xi32>
        %swap3A_383 = vector.shape_cast %shift_right_logical3A_377 : vector<16xi32> to vector<1x16xi32>
        tpu.vector_store %arg7[%swap3A_379, %swap3A_380], %swap3A_383 {strides = array<i32>} : memref<6x80xi32, #tpu.memory_space<vmem>>, vector<1x16xi32>,
        %get3A_384 = arith.index_cast %add3A_317 : i32 to index
        %get3A_385 = arith.constant 48 : index
        %get3A_386 = tpu.vector_load %arg6[%get3A_384, %get3A_385] {strides = array<i32>} : memref<126x80xi32, #tpu.memory_space<vmem>>, vector<1x16xi32>,
        %get3A_387 = vector.shape_cast %get3A_386 : vector<1x16xi32> to vector<16xi32>
        %and3A_388 = arith.constant 65535 : i32
        %and3A_389 = vector.broadcast %and3A_388 : i32 to vector<16xi32>
        %and3A_390 = arith.andi %get3A_387, %and3A_389 : vector<16xi32>
        %swap3A_391 = arith.constant 0 : i32
        %swap3A_392 = arith.index_cast %swap3A_391 : i32 to index
        %swap3A_393 = arith.constant 48 : index
        %swap3A_394 = tpu.vector_load %arg7[%swap3A_392, %swap3A_393] {strides = array<i32>} : memref<6x80xi32, #tpu.memory_space<vmem>>, vector<1x16xi32>,
        %swap3A_395 = vector.shape_cast %swap3A_394 : vector<1x16xi32> to vector<16xi32>
        %swap3A_396 = vector.shape_cast %and3A_390 : vector<16xi32> to vector<1x16xi32>
        tpu.vector_store %arg7[%swap3A_392, %swap3A_393], %swap3A_396 {strides = array<i32>} : memref<6x80xi32, #tpu.memory_space<vmem>>, vector<1x16xi32>,
        %shift_right_logical3A_397 = arith.constant 16 : i32
        %shift_right_logical3A_398 = vector.broadcast %shift_right_logical3A_397 : i32 to vector<16xi32>
        %shift_right_logical3A_399 = arith.shrui %get3A_387, %shift_right_logical3A_398 : vector<16xi32>
        %swap3A_400 = arith.constant 3 : i32
        %swap3A_401 = arith.index_cast %swap3A_400 : i32 to index
        %swap3A_402 = arith.constant 48 : index
        %swap3A_403 = tpu.vector_load %arg7[%swap3A_401, %swap3A_402] {strides = array<i32>} : memref<6x80xi32, #tpu.memory_space<vmem>>, vector<1x16xi32>,
        %swap3A_404 = vector.shape_cast %swap3A_403 : vector<1x16xi32> to vector<16xi32>
        %swap3A_405 = vector.shape_cast %shift_right_logical3A_399 : vector<16xi32> to vector<1x16xi32>
        tpu.vector_store %arg7[%swap3A_401, %swap3A_402], %swap3A_405 {strides = array<i32>} : memref<6x80xi32, #tpu.memory_space<vmem>>, vector<1x16xi32>,
        %get3A_406 = arith.index_cast %add3A_317 : i32 to index
        %get3A_407 = arith.constant 64 : index
        %get3A_408 = tpu.vector_load %arg6[%get3A_406, %get3A_407] {strides = array<i32>} : memref<126x80xi32, #tpu.memory_space<vmem>>, vector<1x16xi32>,
        %get3A_409 = vector.shape_cast %get3A_408 : vector<1x16xi32> to vector<16xi32>
        %and3A_410 = arith.constant 65535 : i32
        %and3A_411 = vector.broadcast %and3A_410 : i32 to vector<16xi32>
        %and3A_412 = arith.andi %get3A_409, %and3A_411 : vector<16xi32>
        %swap3A_413 = arith.constant 0 : i32
        %swap3A_414 = arith.index_cast %swap3A_413 : i32 to index
        %swap3A_415 = arith.constant 64 : index
        %swap3A_416 = tpu.vector_load %arg7[%swap3A_414, %swap3A_415] {strides = array<i32>} : memref<6x80xi32, #tpu.memory_space<vmem>>, vector<1x16xi32>,
        %swap3A_417 = vector.shape_cast %swap3A_416 : vector<1x16xi32> to vector<16xi32>
        %swap3A_418 = vector.shape_cast %and3A_412 : vector<16xi32> to vector<1x16xi32>
        tpu.vector_store %arg7[%swap3A_414, %swap3A_415], %swap3A_418 {strides = array<i32>} : memref<6x80xi32, #tpu.memory_space<vmem>>, vector<1x16xi32>,
        %shift_right_logical3A_419 = arith.constant 16 : i32
        %shift_right_logical3A_420 = vector.broadcast %shift_right_logical3A_419 : i32 to vector<16xi32>
        %shift_right_logical3A_421 = arith.shrui %get3A_409, %shift_right_logical3A_420 : vector<16xi32>
        %swap3A_422 = arith.constant 3 : i32
        %swap3A_423 = arith.index_cast %swap3A_422 : i32 to index
        %swap3A_424 = arith.constant 64 : index
        %swap3A_425 = tpu.vector_load %arg7[%swap3A_423, %swap3A_424] {strides = array<i32>} : memref<6x80xi32, #tpu.memory_space<vmem>>, vector<1x16xi32>,
        %swap3A_426 = vector.shape_cast %swap3A_425 : vector<1x16xi32> to vector<16xi32>
        %swap3A_427 = vector.shape_cast %shift_right_logical3A_421 : vector<16xi32> to vector<1x16xi32>
        tpu.vector_store %arg7[%swap3A_423, %swap3A_424], %swap3A_427 {strides = array<i32>} : memref<6x80xi32, #tpu.memory_space<vmem>>, vector<1x16xi32>,
        %dma_start3A_428 = arith.constant 0 : i32
        %dma_start3A_429 = arith.constant 0 : i32
        %dma_start3A_430 = tpu.memref_slice %arg7[%dma_start3A_428, %dma_start3A_429] : memref<6x80xi32, #tpu.memory_space<vmem>> -> memref<1x80xi32, #tpu.memory_space<vmem>>
        %dma_start3A_431 = tpu.memref_squeeze %dma_start3A_430 : memref<1x80xi32, #tpu.memory_space<vmem>> -> memref<80xi32, #tpu.memory_space<vmem>>
        %dma_start3A_432 = arith.constant 0 : i32
        %dma_start3A_433 = arith.constant 0 : i32
        %dma_start3A_434 = tpu.memref_slice %arg2[%dma_start3A_432, %dma_start3A_433] : memref<10000x128xf32, #tpu.memory_space<hbm>> -> memref<10000x128xf32, #tpu.memory_space<hbm>>
        tpu.enqueue_indirect_dma source(%dma_start3A_434 : memref<10000x128xf32, #tpu.memory_space<hbm>>) target(%arg8 : memref<80x128xf32, #tpu.memory_space<vmem>>) offsets(%dma_start3A_431 : memref<80xi32, #tpu.memory_space<vmem>>) semaphore(%arg12 : memref<!tpu.dma_semaphore, #tpu.memory_space<semaphore_mem>>)
      } else {
      }
      %run_scoped3A_296 = arith.constant 4 : i32
      "tpu.region"() ({
        %run_scoped3A_316 = tpu.sem_alloc : memref<!tpu.dma_semaphore, #tpu.memory_space<semaphore_mem>>
        %dma_start3A_317 = arith.constant 0 : i32
        %dma_start3A_318 = tpu.memref_slice %arg7[%run_scoped3A_296, %dma_start3A_317] : memref<6x80xi32, #tpu.memory_space<vmem>> -> memref<1x80xi32, #tpu.memory_space<vmem>>
        %dma_start3A_319 = tpu.memref_squeeze %dma_start3A_318 : memref<1x80xi32, #tpu.memory_space<vmem>> -> memref<80xi32, #tpu.memory_space<vmem>>
        %dma_start3A_320 = arith.constant 0 : i32
        %dma_start3A_321 = arith.constant 0 : i32
        %dma_start3A_322 = tpu.memref_slice %arg11[%dma_start3A_320, %dma_start3A_321] : memref<10128x128xf32, #tpu.memory_space<vmem_shared>> -> memref<10128x128xf32, #tpu.memory_space<vmem_shared>>
        tpu.enqueue_indirect_dma source(%arg9 : memref<80x128xf32, #tpu.memory_space<vmem>>) target(%dma_start3A_322 : memref<10128x128xf32, #tpu.memory_space<vmem_shared>>) offsets(%dma_start3A_319 : memref<80xi32, #tpu.memory_space<vmem>>) semaphore(%run_scoped3A_316 : memref<!tpu.dma_semaphore, #tpu.memory_space<semaphore_mem>>) {add = true}
        %dma_wait3A_323 = arith.constant 0 : i32
        %dma_wait3A_324 = tpu.memref_slice %arg7[%run_scoped3A_296, %dma_wait3A_323] : memref<6x80xi32, #tpu.memory_space<vmem>> -> memref<1x80xi32, #tpu.memory_space<vmem>>
        %dma_wait3A_325 = tpu.memref_squeeze %dma_wait3A_324 : memref<1x80xi32, #tpu.memory_space<vmem>> -> memref<80xi32, #tpu.memory_space<vmem>>
        %dma_wait3A_326 = arith.constant 0 : i32
        %dma_wait3A_327 = arith.constant 0 : i32
        %dma_wait3A_328 = tpu.memref_slice %arg11[%dma_wait3A_326, %dma_wait3A_327] : memref<10128x128xf32, #tpu.memory_space<vmem_shared>> -> memref<10128x128xf32, #tpu.memory_space<vmem_shared>>
        tpu.wait_indirect_dma semaphore(%run_scoped3A_316 : memref<!tpu.dma_semaphore, #tpu.memory_space<semaphore_mem>>) src(%arg9 : memref<80x128xf32, #tpu.memory_space<vmem>>) dst(%dma_wait3A_328 : memref<10128x128xf32, #tpu.memory_space<vmem_shared>>)
        tpu.yield
      }) : () -> ()
      %mul3A_297 = arith.constant 3 : i32
      %mul3A_298 = arith.muli %mul3A_297, %scan3A_261 : i32
      %add3A_299 = arith.constant 2 : i32
      %add3A_300 = arith.addi %mul3A_298, %add3A_299 : i32
      %dma_wait3A_301 = arith.constant 2 : i32
      %dma_wait3A_302 = arith.constant 0 : i32
      %dma_wait3A_303 = tpu.memref_slice %arg7[%dma_wait3A_301, %dma_wait3A_302] : memref<6x80xi32, #tpu.memory_space<vmem>> -> memref<1x80xi32, #tpu.memory_space<vmem>>
      %dma_wait3A_304 = tpu.memref_squeeze %dma_wait3A_303 : memref<1x80xi32, #tpu.memory_space<vmem>> -> memref<80xi32, #tpu.memory_space<vmem>>
      %dma_wait3A_305 = arith.constant 0 : i32
      %dma_wait3A_306 = arith.constant 0 : i32
      %dma_wait3A_307 = tpu.memref_slice %arg2[%dma_wait3A_305, %dma_wait3A_306] : memref<10000x128xf32, #tpu.memory_space<hbm>> -> memref<10000x128xf32, #tpu.memory_space<hbm>>
      tpu.wait_indirect_dma semaphore(%arg14 : memref<!tpu.dma_semaphore, #tpu.memory_space<semaphore_mem>>) src(%dma_wait3A_307 : memref<10000x128xf32, #tpu.memory_space<hbm>>) dst(%arg10 : memref<80x128xf32, #tpu.memory_space<vmem>>)
      %add3A_308 = arith.constant 2 : i32
      %add3A_309 = arith.addi %add3A_300, %add3A_308 : i32
      %lt3A_310 = arith.constant 126 : i32
      %lt3A_311 = arith.cmpi slt, %add3A_309, %lt3A_310 : i32
      %convert_element_type3A_312 = arith.extui %lt3A_311 : i1 to i32
      %cond3A_313 = arith.constant 0 : i32
      %cond3A_314 = arith.cmpi ne, %convert_element_type3A_312, %cond3A_313 : i32
      scf.if %cond3A_314 {
        %add3A_316 = arith.constant 2 : i32
        %add3A_317 = arith.addi %add3A_300, %add3A_316 : i32
        %get3A_318 = arith.index_cast %add3A_317 : i32 to index
        %get3A_319 = arith.constant 0 : index
        %get3A_320 = tpu.vector_load %arg6[%get3A_318, %get3A_319] {strides = array<i32>} : memref<126x80xi32, #tpu.memory_space<vmem>>, vector<1x16xi32>,
        %get3A_321 = vector.shape_cast %get3A_320 : vector<1x16xi32> to vector<16xi32>
        %and3A_322 = arith.constant 65535 : i32
        %and3A_323 = vector.broadcast %and3A_322 : i32 to vector<16xi32>
        %and3A_324 = arith.andi %get3A_321, %and3A_323 : vector<16xi32>
        %swap3A_325 = arith.constant 1 : i32
        %swap3A_326 = arith.index_cast %swap3A_325 : i32 to index
        %swap3A_327 = arith.constant 0 : index
        %swap3A_328 = tpu.vector_load %arg7[%swap3A_326, %swap3A_327] {strides = array<i32>} : memref<6x80xi32, #tpu.memory_space<vmem>>, vector<1x16xi32>,
        %swap3A_329 = vector.shape_cast %swap3A_328 : vector<1x16xi32> to vector<16xi32>
        %swap3A_330 = vector.shape_cast %and3A_324 : vector<16xi32> to vector<1x16xi32>
        tpu.vector_store %arg7[%swap3A_326, %swap3A_327], %swap3A_330 {strides = array<i32>} : memref<6x80xi32, #tpu.memory_space<vmem>>, vector<1x16xi32>,
        %shift_right_logical3A_331 = arith.constant 16 : i32
        %shift_right_logical3A_332 = vector.broadcast %shift_right_logical3A_331 : i32 to vector<16xi32>
        %shift_right_logical3A_333 = arith.shrui %get3A_321, %shift_right_logical3A_332 : vector<16xi32>
        %swap3A_334 = arith.constant 4 : i32
        %swap3A_335 = arith.index_cast %swap3A_334 : i32 to index
        %swap3A_336 = arith.constant 0 : index
        %swap3A_337 = tpu.vector_load %arg7[%swap3A_335, %swap3A_336] {strides = array<i32>} : memref<6x80xi32, #tpu.memory_space<vmem>>, vector<1x16xi32>,
        %swap3A_338 = vector.shape_cast %swap3A_337 : vector<1x16xi32> to vector<16xi32>
        %swap3A_339 = vector.shape_cast %shift_right_logical3A_333 : vector<16xi32> to vector<1x16xi32>
        tpu.vector_store %arg7[%swap3A_335, %swap3A_336], %swap3A_339 {strides = array<i32>} : memref<6x80xi32, #tpu.memory_space<vmem>>, vector<1x16xi32>,
        %get3A_340 = arith.index_cast %add3A_317 : i32 to index
        %get3A_341 = arith.constant 16 : index
        %get3A_342 = tpu.vector_load %arg6[%get3A_340, %get3A_341] {strides = array<i32>} : memref<126x80xi32, #tpu.memory_space<vmem>>, vector<1x16xi32>,
        %get3A_343 = vector.shape_cast %get3A_342 : vector<1x16xi32> to vector<16xi32>
        %and3A_344 = arith.constant 65535 : i32
        %and3A_345 = vector.broadcast %and3A_344 : i32 to vector<16xi32>
        %and3A_346 = arith.andi %get3A_343, %and3A_345 : vector<16xi32>
        %swap3A_347 = arith.constant 1 : i32
        %swap3A_348 = arith.index_cast %swap3A_347 : i32 to index
        %swap3A_349 = arith.constant 16 : index
        %swap3A_350 = tpu.vector_load %arg7[%swap3A_348, %swap3A_349] {strides = array<i32>} : memref<6x80xi32, #tpu.memory_space<vmem>>, vector<1x16xi32>,
        %swap3A_351 = vector.shape_cast %swap3A_350 : vector<1x16xi32> to vector<16xi32>
        %swap3A_352 = vector.shape_cast %and3A_346 : vector<16xi32> to vector<1x16xi32>
        tpu.vector_store %arg7[%swap3A_348, %swap3A_349], %swap3A_352 {strides = array<i32>} : memref<6x80xi32, #tpu.memory_space<vmem>>, vector<1x16xi32>,
        %shift_right_logical3A_353 = arith.constant 16 : i32
        %shift_right_logical3A_354 = vector.broadcast %shift_right_logical3A_353 : i32 to vector<16xi32>
        %shift_right_logical3A_355 = arith.shrui %get3A_343, %shift_right_logical3A_354 : vector<16xi32>
        %swap3A_356 = arith.constant 4 : i32
        %swap3A_357 = arith.index_cast %swap3A_356 : i32 to index
        %swap3A_358 = arith.constant 16 : index
        %swap3A_359 = tpu.vector_load %arg7[%swap3A_357, %swap3A_358] {strides = array<i32>} : memref<6x80xi32, #tpu.memory_space<vmem>>, vector<1x16xi32>,
        %swap3A_360 = vector.shape_cast %swap3A_359 : vector<1x16xi32> to vector<16xi32>
        %swap3A_361 = vector.shape_cast %shift_right_logical3A_355 : vector<16xi32> to vector<1x16xi32>
        tpu.vector_store %arg7[%swap3A_357, %swap3A_358], %swap3A_361 {strides = array<i32>} : memref<6x80xi32, #tpu.memory_space<vmem>>, vector<1x16xi32>,
        %get3A_362 = arith.index_cast %add3A_317 : i32 to index
        %get3A_363 = arith.constant 32 : index
        %get3A_364 = tpu.vector_load %arg6[%get3A_362, %get3A_363] {strides = array<i32>} : memref<126x80xi32, #tpu.memory_space<vmem>>, vector<1x16xi32>,
        %get3A_365 = vector.shape_cast %get3A_364 : vector<1x16xi32> to vector<16xi32>
        %and3A_366 = arith.constant 65535 : i32
        %and3A_367 = vector.broadcast %and3A_366 : i32 to vector<16xi32>
        %and3A_368 = arith.andi %get3A_365, %and3A_367 : vector<16xi32>
        %swap3A_369 = arith.constant 1 : i32
        %swap3A_370 = arith.index_cast %swap3A_369 : i32 to index
        %swap3A_371 = arith.constant 32 : index
        %swap3A_372 = tpu.vector_load %arg7[%swap3A_370, %swap3A_371] {strides = array<i32>} : memref<6x80xi32, #tpu.memory_space<vmem>>, vector<1x16xi32>,
        %swap3A_373 = vector.shape_cast %swap3A_372 : vector<1x16xi32> to vector<16xi32>
        %swap3A_374 = vector.shape_cast %and3A_368 : vector<16xi32> to vector<1x16xi32>
        tpu.vector_store %arg7[%swap3A_370, %swap3A_371], %swap3A_374 {strides = array<i32>} : memref<6x80xi32, #tpu.memory_space<vmem>>, vector<1x16xi32>,
        %shift_right_logical3A_375 = arith.constant 16 : i32
        %shift_right_logical3A_376 = vector.broadcast %shift_right_logical3A_375 : i32 to vector<16xi32>
        %shift_right_logical3A_377 = arith.shrui %get3A_365, %shift_right_logical3A_376 : vector<16xi32>
        %swap3A_378 = arith.constant 4 : i32
        %swap3A_379 = arith.index_cast %swap3A_378 : i32 to index
        %swap3A_380 = arith.constant 32 : index
        %swap3A_381 = tpu.vector_load %arg7[%swap3A_379, %swap3A_380] {strides = array<i32>} : memref<6x80xi32, #tpu.memory_space<vmem>>, vector<1x16xi32>,
        %swap3A_382 = vector.shape_cast %swap3A_381 : vector<1x16xi32> to vector<16xi32>
        %swap3A_383 = vector.shape_cast %shift_right_logical3A_377 : vector<16xi32> to vector<1x16xi32>
        tpu.vector_store %arg7[%swap3A_379, %swap3A_380], %swap3A_383 {strides = array<i32>} : memref<6x80xi32, #tpu.memory_space<vmem>>, vector<1x16xi32>,
        %get3A_384 = arith.index_cast %add3A_317 : i32 to index
        %get3A_385 = arith.constant 48 : index
        %get3A_386 = tpu.vector_load %arg6[%get3A_384, %get3A_385] {strides = array<i32>} : memref<126x80xi32, #tpu.memory_space<vmem>>, vector<1x16xi32>,
        %get3A_387 = vector.shape_cast %get3A_386 : vector<1x16xi32> to vector<16xi32>
        %and3A_388 = arith.constant 65535 : i32
        %and3A_389 = vector.broadcast %and3A_388 : i32 to vector<16xi32>
        %and3A_390 = arith.andi %get3A_387, %and3A_389 : vector<16xi32>
        %swap3A_391 = arith.constant 1 : i32
        %swap3A_392 = arith.index_cast %swap3A_391 : i32 to index
        %swap3A_393 = arith.constant 48 : index
        %swap3A_394 = tpu.vector_load %arg7[%swap3A_392, %swap3A_393] {strides = array<i32>} : memref<6x80xi32, #tpu.memory_space<vmem>>, vector<1x16xi32>,
        %swap3A_395 = vector.shape_cast %swap3A_394 : vector<1x16xi32> to vector<16xi32>
        %swap3A_396 = vector.shape_cast %and3A_390 : vector<16xi32> to vector<1x16xi32>
        tpu.vector_store %arg7[%swap3A_392, %swap3A_393], %swap3A_396 {strides = array<i32>} : memref<6x80xi32, #tpu.memory_space<vmem>>, vector<1x16xi32>,
        %shift_right_logical3A_397 = arith.constant 16 : i32
        %shift_right_logical3A_398 = vector.broadcast %shift_right_logical3A_397 : i32 to vector<16xi32>
        %shift_right_logical3A_399 = arith.shrui %get3A_387, %shift_right_logical3A_398 : vector<16xi32>
        %swap3A_400 = arith.constant 4 : i32
        %swap3A_401 = arith.index_cast %swap3A_400 : i32 to index
        %swap3A_402 = arith.constant 48 : index
        %swap3A_403 = tpu.vector_load %arg7[%swap3A_401, %swap3A_402] {strides = array<i32>} : memref<6x80xi32, #tpu.memory_space<vmem>>, vector<1x16xi32>,
        %swap3A_404 = vector.shape_cast %swap3A_403 : vector<1x16xi32> to vector<16xi32>
        %swap3A_405 = vector.shape_cast %shift_right_logical3A_399 : vector<16xi32> to vector<1x16xi32>
        tpu.vector_store %arg7[%swap3A_401, %swap3A_402], %swap3A_405 {strides = array<i32>} : memref<6x80xi32, #tpu.memory_space<vmem>>, vector<1x16xi32>,
        %get3A_406 = arith.index_cast %add3A_317 : i32 to index
        %get3A_407 = arith.constant 64 : index
        %get3A_408 = tpu.vector_load %arg6[%get3A_406, %get3A_407] {strides = array<i32>} : memref<126x80xi32, #tpu.memory_space<vmem>>, vector<1x16xi32>,
        %get3A_409 = vector.shape_cast %get3A_408 : vector<1x16xi32> to vector<16xi32>
        %and3A_410 = arith.constant 65535 : i32
        %and3A_411 = vector.broadcast %and3A_410 : i32 to vector<16xi32>
        %and3A_412 = arith.andi %get3A_409, %and3A_411 : vector<16xi32>
        %swap3A_413 = arith.constant 1 : i32
        %swap3A_414 = arith.index_cast %swap3A_413 : i32 to index
        %swap3A_415 = arith.constant 64 : index
        %swap3A_416 = tpu.vector_load %arg7[%swap3A_414, %swap3A_415] {strides = array<i32>} : memref<6x80xi32, #tpu.memory_space<vmem>>, vector<1x16xi32>,
        %swap3A_417 = vector.shape_cast %swap3A_416 : vector<1x16xi32> to vector<16xi32>
        %swap3A_418 = vector.shape_cast %and3A_412 : vector<16xi32> to vector<1x16xi32>
        tpu.vector_store %arg7[%swap3A_414, %swap3A_415], %swap3A_418 {strides = array<i32>} : memref<6x80xi32, #tpu.memory_space<vmem>>, vector<1x16xi32>,
        %shift_right_logical3A_419 = arith.constant 16 : i32
        %shift_right_logical3A_420 = vector.broadcast %shift_right_logical3A_419 : i32 to vector<16xi32>
        %shift_right_logical3A_421 = arith.shrui %get3A_409, %shift_right_logical3A_420 : vector<16xi32>
        %swap3A_422 = arith.constant 4 : i32
        %swap3A_423 = arith.index_cast %swap3A_422 : i32 to index
        %swap3A_424 = arith.constant 64 : index
        %swap3A_425 = tpu.vector_load %arg7[%swap3A_423, %swap3A_424] {strides = array<i32>} : memref<6x80xi32, #tpu.memory_space<vmem>>, vector<1x16xi32>,
        %swap3A_426 = vector.shape_cast %swap3A_425 : vector<1x16xi32> to vector<16xi32>
        %swap3A_427 = vector.shape_cast %shift_right_logical3A_421 : vector<16xi32> to vector<1x16xi32>
        tpu.vector_store %arg7[%swap3A_423, %swap3A_424], %swap3A_427 {strides = array<i32>} : memref<6x80xi32, #tpu.memory_space<vmem>>, vector<1x16xi32>,
        %dma_start3A_428 = arith.constant 1 : i32
        %dma_start3A_429 = arith.constant 0 : i32
        %dma_start3A_430 = tpu.memref_slice %arg7[%dma_start3A_428, %dma_start3A_429] : memref<6x80xi32, #tpu.memory_space<vmem>> -> memref<1x80xi32, #tpu.memory_space<vmem>>
        %dma_start3A_431 = tpu.memref_squeeze %dma_start3A_430 : memref<1x80xi32, #tpu.memory_space<vmem>> -> memref<80xi32, #tpu.memory_space<vmem>>
        %dma_start3A_432 = arith.constant 0 : i32
        %dma_start3A_433 = arith.constant 0 : i32
        %dma_start3A_434 = tpu.memref_slice %arg2[%dma_start3A_432, %dma_start3A_433] : memref<10000x128xf32, #tpu.memory_space<hbm>> -> memref<10000x128xf32, #tpu.memory_space<hbm>>
        tpu.enqueue_indirect_dma source(%dma_start3A_434 : memref<10000x128xf32, #tpu.memory_space<hbm>>) target(%arg9 : memref<80x128xf32, #tpu.memory_space<vmem>>) offsets(%dma_start3A_431 : memref<80xi32, #tpu.memory_space<vmem>>) semaphore(%arg13 : memref<!tpu.dma_semaphore, #tpu.memory_space<semaphore_mem>>)
      } else {
      }
      %run_scoped3A_315 = arith.constant 5 : i32
      "tpu.region"() ({
        %run_scoped3A_316 = tpu.sem_alloc : memref<!tpu.dma_semaphore, #tpu.memory_space<semaphore_mem>>
        %dma_start3A_317 = arith.constant 0 : i32
        %dma_start3A_318 = tpu.memref_slice %arg7[%run_scoped3A_315, %dma_start3A_317] : memref<6x80xi32, #tpu.memory_space<vmem>> -> memref<1x80xi32, #tpu.memory_space<vmem>>
        %dma_start3A_319 = tpu.memref_squeeze %dma_start3A_318 : memref<1x80xi32, #tpu.memory_space<vmem>> -> memref<80xi32, #tpu.memory_space<vmem>>
        %dma_start3A_320 = arith.constant 0 : i32
        %dma_start3A_321 = arith.constant 0 : i32
        %dma_start3A_322 = tpu.memref_slice %arg11[%dma_start3A_320, %dma_start3A_321] : memref<10128x128xf32, #tpu.memory_space<vmem_shared>> -> memref<10128x128xf32, #tpu.memory_space<vmem_shared>>
        tpu.enqueue_indirect_dma source(%arg10 : memref<80x128xf32, #tpu.memory_space<vmem>>) target(%dma_start3A_322 : memref<10128x128xf32, #tpu.memory_space<vmem_shared>>) offsets(%dma_start3A_319 : memref<80xi32, #tpu.memory_space<vmem>>) semaphore(%run_scoped3A_316 : memref<!tpu.dma_semaphore, #tpu.memory_space<semaphore_mem>>) {add = true}
        %dma_wait3A_323 = arith.constant 0 : i32
        %dma_wait3A_324 = tpu.memref_slice %arg7[%run_scoped3A_315, %dma_wait3A_323] : memref<6x80xi32, #tpu.memory_space<vmem>> -> memref<1x80xi32, #tpu.memory_space<vmem>>
        %dma_wait3A_325 = tpu.memref_squeeze %dma_wait3A_324 : memref<1x80xi32, #tpu.memory_space<vmem>> -> memref<80xi32, #tpu.memory_space<vmem>>
        %dma_wait3A_326 = arith.constant 0 : i32
        %dma_wait3A_327 = arith.constant 0 : i32
        %dma_wait3A_328 = tpu.memref_slice %arg11[%dma_wait3A_326, %dma_wait3A_327] : memref<10128x128xf32, #tpu.memory_space<vmem_shared>> -> memref<10128x128xf32, #tpu.memory_space<vmem_shared>>
        tpu.wait_indirect_dma semaphore(%run_scoped3A_316 : memref<!tpu.dma_semaphore, #tpu.memory_space<semaphore_mem>>) src(%arg10 : memref<80x128xf32, #tpu.memory_space<vmem>>) dst(%dma_wait3A_328 : memref<10128x128xf32, #tpu.memory_space<vmem_shared>>)
        tpu.yield
      }) : () -> ()
    }
    %scan3A_250 = arith.constant 42 : i32
    %barrier3A_251 = arith.constant 0 : index
    tpu.barrier barrier_id(%barrier3A_251)
    %mul3A_252 = arith.constant 624 : i32
    %mul3A_253 = arith.muli %arg1, %mul3A_252 : i32
    %mul3A_254 = arith.constant 624 : i32
    %mul3A_255 = arith.muli %arg1, %mul3A_254 : i32
    "tpu.region"() ({
      %run_scoped3A = tpu.sem_alloc : memref<!tpu.dma_semaphore, #tpu.memory_space<semaphore_mem>>
      %dma_start3A_261 = arith.constant 0 : i32
      %dma_start3A_262 = tpu.memref_slice %arg5[%arg0, %mul3A_255, %dma_start3A_261] : memref<2x10000x128xf32, #tpu.memory_space<hbm>> -> memref<1x624x128xf32, #tpu.memory_space<hbm>>
      %dma_start3A_263 = tpu.memref_squeeze %dma_start3A_262 : memref<1x624x128xf32, #tpu.memory_space<hbm>> -> memref<624x128xf32, #tpu.memory_space<hbm>>
      %dma_start3A_264 = arith.constant 0 : i32
      %dma_start3A_265 = tpu.memref_slice %arg11[%mul3A_253, %dma_start3A_264] : memref<10128x128xf32, #tpu.memory_space<vmem_shared>> -> memref<624x128xf32, #tpu.memory_space<vmem_shared>>
      tpu.enqueue_dma source(%dma_start3A_265 : memref<624x128xf32, #tpu.memory_space<vmem_shared>>) target(%dma_start3A_263 : memref<624x128xf32, #tpu.memory_space<hbm>>) target_semaphore(%run_scoped3A : memref<!tpu.dma_semaphore, #tpu.memory_space<semaphore_mem>>)
      %dma_wait3A = arith.constant 0 : i32
      %dma_wait3A_266 = tpu.memref_slice %arg5[%arg0, %mul3A_255, %dma_wait3A] : memref<2x10000x128xf32, #tpu.memory_space<hbm>> -> memref<1x624x128xf32, #tpu.memory_space<hbm>>
      %dma_wait3A_267 = tpu.memref_squeeze %dma_wait3A_266 : memref<1x624x128xf32, #tpu.memory_space<hbm>> -> memref<624x128xf32, #tpu.memory_space<hbm>>
      %dma_wait3A_268 = arith.constant 0 : i32
      %dma_wait3A_269 = tpu.memref_slice %arg11[%mul3A_253, %dma_wait3A_268] : memref<10128x128xf32, #tpu.memory_space<vmem_shared>> -> memref<624x128xf32, #tpu.memory_space<vmem_shared>>
      tpu.wait_dma2 semaphore(%run_scoped3A : memref<!tpu.dma_semaphore, #tpu.memory_space<semaphore_mem>>) src(%dma_wait3A_269 : memref<624x128xf32, #tpu.memory_space<vmem_shared>>) dst(%dma_wait3A_267 : memref<624x128xf32, #tpu.memory_space<hbm>>)
      tpu.yield
    }) : () -> ()
    %eq3A_256 = arith.constant 15 : i32
    %eq3A_257 = arith.cmpi eq, %arg1, %eq3A_256 : i32
    %convert_element_type3A_258 = arith.extui %eq3A_257 : i1 to i32
    %cond3A_259 = arith.constant 0 : i32
    %cond3A_260 = arith.cmpi ne, %convert_element_type3A_258, %cond3A_259 : i32
    scf.if %cond3A_260 {
      "tpu.region"() ({
        %run_scoped3A = tpu.sem_alloc : memref<!tpu.dma_semaphore, #tpu.memory_space<semaphore_mem>>
        %dma_start3A_261 = arith.constant 9984 : i32
        %dma_start3A_262 = arith.constant 0 : i32
        %dma_start3A_263 = tpu.memref_slice %arg5[%arg0, %dma_start3A_261, %dma_start3A_262] : memref<2x10000x128xf32, #tpu.memory_space<hbm>> -> memref<1x16x128xf32, #tpu.memory_space<hbm>>
        %dma_start3A_264 = tpu.memref_squeeze %dma_start3A_263 : memref<1x16x128xf32, #tpu.memory_space<hbm>> -> memref<16x128xf32, #tpu.memory_space<hbm>>
        %dma_start3A_265 = arith.constant 9984 : i32
        %dma_start3A_266 = arith.constant 0 : i32
        %dma_start3A_267 = tpu.memref_slice %arg11[%dma_start3A_265, %dma_start3A_266] : memref<10128x128xf32, #tpu.memory_space<vmem_shared>> -> memref<16x128xf32, #tpu.memory_space<vmem_shared>>
        tpu.enqueue_dma source(%dma_start3A_267 : memref<16x128xf32, #tpu.memory_space<vmem_shared>>) target(%dma_start3A_264 : memref<16x128xf32, #tpu.memory_space<hbm>>) target_semaphore(%run_scoped3A : memref<!tpu.dma_semaphore, #tpu.memory_space<semaphore_mem>>)
        %dma_wait3A = arith.constant 9984 : i32
        %dma_wait3A_268 = arith.constant 0 : i32
        %dma_wait3A_269 = tpu.memref_slice %arg5[%arg0, %dma_wait3A, %dma_wait3A_268] : memref<2x10000x128xf32, #tpu.memory_space<hbm>> -> memref<1x16x128xf32, #tpu.memory_space<hbm>>
        %dma_wait3A_270 = tpu.memref_squeeze %dma_wait3A_269 : memref<1x16x128xf32, #tpu.memory_space<hbm>> -> memref<16x128xf32, #tpu.memory_space<hbm>>
        %dma_wait3A_271 = arith.constant 9984 : i32
        %dma_wait3A_272 = arith.constant 0 : i32
        %dma_wait3A_273 = tpu.memref_slice %arg11[%dma_wait3A_271, %dma_wait3A_272] : memref<10128x128xf32, #tpu.memory_space<vmem_shared>> -> memref<16x128xf32, #tpu.memory_space<vmem_shared>>
        tpu.wait_dma2 semaphore(%run_scoped3A : memref<!tpu.dma_semaphore, #tpu.memory_space<semaphore_mem>>) src(%dma_wait3A_273 : memref<16x128xf32, #tpu.memory_space<vmem_shared>>) dst(%dma_wait3A_270 : memref<16x128xf32, #tpu.memory_space<hbm>>)
        tpu.yield
      }) : () -> ()
    } else {
    }
    return
  }
}

module attributes {stable_mosaic.version = 14 : i64} {
  func.func @_tc_layer_body(%arg0: memref<2x10000x128xf32, #tpu.memory_space<vmem>>, %arg1: memref<2x10000x128xf32, #tpu.memory_space<vmem>>, %arg2: memref<10000x128xf32, #tpu.memory_space<vmem>>, %arg3: memref<128x128xf32, #tpu.memory_space<vmem>>, %arg4: memref<1x128xf32, #tpu.memory_space<vmem>>, %arg5: memref<128x128xf32, #tpu.memory_space<vmem>>, %arg6: memref<1x1xf32, #tpu.memory_space<vmem>>, %arg7: memref<10000x128xf32, #tpu.memory_space<vmem>>) attributes {dimension_semantics = [], scalar_prefetch = 0 : i64, scratch_operands = 0 : i64, tpu.core_type = #tpu.core_type<tc>} {
    %get3A = arith.constant 0 : index
    %get3A_0 = arith.constant 0 : index
    %get3A_1 = arith.constant 0 : index
    %get3A_2 = vector.load %arg0[%get3A, %get3A_0, %get3A_1] : memref<2x10000x128xf32, #tpu.memory_space<vmem>>, vector<1x10000x128xf32>
    %get3A_3 = vector.shape_cast %get3A_2 : vector<1x10000x128xf32> to vector<10000x128xf32>
    %get3A_4 = arith.constant 1 : index
    %get3A_5 = arith.constant 0 : index
    %get3A_6 = arith.constant 0 : index
    %get3A_7 = vector.load %arg0[%get3A_4, %get3A_5, %get3A_6] : memref<2x10000x128xf32, #tpu.memory_space<vmem>>, vector<1x10000x128xf32>
    %get3A_8 = vector.shape_cast %get3A_7 : vector<1x10000x128xf32> to vector<10000x128xf32>
    %add3A = arith.addf %get3A_3, %get3A_8 : vector<10000x128xf32>
    %get3A_9 = arith.constant 0 : index
    %get3A_10 = arith.constant 0 : index
    %get3A_11 = arith.constant 0 : index
    %get3A_12 = vector.load %arg1[%get3A_9, %get3A_10, %get3A_11] : memref<2x10000x128xf32, #tpu.memory_space<vmem>>, vector<1x10000x1xf32>
    %get3A_13 = vector.shape_cast %get3A_12 : vector<1x10000x1xf32> to vector<10000x1xf32>
    %get3A_14 = arith.constant 1 : index
    %get3A_15 = arith.constant 0 : index
    %get3A_16 = arith.constant 0 : index
    %get3A_17 = vector.load %arg1[%get3A_14, %get3A_15, %get3A_16] : memref<2x10000x128xf32, #tpu.memory_space<vmem>>, vector<1x10000x1xf32>
    %get3A_18 = vector.shape_cast %get3A_17 : vector<1x10000x1xf32> to vector<10000x1xf32>
    %add3A_19 = arith.addf %get3A_13, %get3A_18 : vector<10000x1xf32>
    %max3A = arith.constant 1.000000e+00 : f32
    %max3A_20 = vector.broadcast %max3A : f32 to vector<10000x1xf32>
    %max3A_21 = arith.maximumf %add3A_19, %max3A_20 : vector<10000x1xf32>
    %div3A = vector.broadcast %max3A_21 : vector<10000x1xf32> to vector<10000x128xf32>
    %div3A_22 = arith.divf %add3A, %div3A : vector<10000x128xf32>
    %get3A_23 = arith.constant 0 : index
    %get3A_24 = arith.constant 0 : index
    %get3A_25 = vector.load %arg3[%get3A_23, %get3A_24] : memref<128x128xf32, #tpu.memory_space<vmem>>, vector<128x128xf32>
    %dot_general3A = arith.constant dense<0.000000e+00> : vector<10000x128xf32>
    %dot_general3A_26 = tpu.matmul %div3A_22, %get3A_25, %dot_general3A {dimension_numbers = #tpu.dot_dimension_numbers<[1], [1], [0], [0], [0, 0, 1, 0], [], []>, transpose_lhs_hint = false} : vector<10000x128xf32>, vector<128x128xf32>, vector<10000x128xf32> -> vector<10000x128xf32>
    %get3A_27 = arith.constant 0 : index
    %get3A_28 = arith.constant 0 : index
    %get3A_29 = vector.load %arg4[%get3A_27, %get3A_28] : memref<1x128xf32, #tpu.memory_space<vmem>>, vector<1x128xf32>
    %add3A_30 = vector.broadcast %get3A_29 : vector<1x128xf32> to vector<10000x128xf32>
    %add3A_31 = arith.addf %dot_general3A_26, %add3A_30 : vector<10000x128xf32>
    %get3A_32 = arith.constant 0 : index
    %get3A_33 = arith.constant 0 : index
    %get3A_34 = vector.load %arg2[%get3A_32, %get3A_33] : memref<10000x128xf32, #tpu.memory_space<vmem>>, vector<10000x128xf32>
    %get3A_35 = arith.constant 0 : index
    %get3A_36 = arith.constant 0 : index
    %get3A_37 = vector.load %arg5[%get3A_35, %get3A_36] : memref<128x128xf32, #tpu.memory_space<vmem>>, vector<128x128xf32>
    %dot_general3A_38 = arith.constant dense<0.000000e+00> : vector<10000x128xf32>
    %dot_general3A_39 = tpu.matmul %get3A_34, %get3A_37, %dot_general3A_38 {dimension_numbers = #tpu.dot_dimension_numbers<[1], [1], [0], [0], [0, 0, 1, 0], [], []>, transpose_lhs_hint = false} : vector<10000x128xf32>, vector<128x128xf32>, vector<10000x128xf32> -> vector<10000x128xf32>
    %add3A_40 = arith.addf %add3A_31, %dot_general3A_39 : vector<10000x128xf32>
    %get3A_41 = arith.constant 0 : index
    %get3A_42 = arith.constant 0 : index
    %get3A_43 = vector.load %arg6[%get3A_41, %get3A_42] : memref<1x1xf32, #tpu.memory_space<vmem>>, vector<1x1xf32>
    %get3A_44 = vector.extract %get3A_43[0, 0] : f32 from vector<1x1xf32>
    %gt3A = arith.constant 0.000000e+00 : f32
    %gt3A_45 = arith.cmpf ogt, %get3A_44, %gt3A : f32
    %max3A_46 = arith.constant 0.000000e+00 : f32
    %max3A_47 = vector.broadcast %max3A_46 : f32 to vector<10000x128xf32>
    %max3A_48 = arith.maximumf %add3A_40, %max3A_47 : vector<10000x128xf32>
    %select_n3A = arith.select %gt3A_45, %max3A_48, %add3A_40 : vector<10000x128xf32>
    %swap3A = arith.constant 0 : index
    %swap3A_49 = arith.constant 0 : index
    %swap3A_50 = vector.load %arg7[%swap3A, %swap3A_49] : memref<10000x128xf32, #tpu.memory_space<vmem>>, vector<10000x128xf32>
    tpu.vector_store %arg7[%swap3A, %swap3A_49], %select_n3A {strides = array<i32>} : memref<10000x128xf32, #tpu.memory_space<vmem>>, vector<10000x128xf32>,
    return
  }
}

module attributes {stable_mosaic.version = 14 : i64} {
  func.func @_tc_layer_body(%arg0: memref<2x10000x128xf32, #tpu.memory_space<vmem>>, %arg1: memref<2x10000x128xf32, #tpu.memory_space<vmem>>, %arg2: memref<10000x128xf32, #tpu.memory_space<vmem>>, %arg3: memref<128x128xf32, #tpu.memory_space<vmem>>, %arg4: memref<1x128xf32, #tpu.memory_space<vmem>>, %arg5: memref<128x128xf32, #tpu.memory_space<vmem>>, %arg6: memref<1x1xf32, #tpu.memory_space<vmem>>, %arg7: memref<10000x128xf32, #tpu.memory_space<vmem>>) attributes {dimension_semantics = [], scalar_prefetch = 0 : i64, scratch_operands = 0 : i64, tpu.core_type = #tpu.core_type<tc>} {
    %get3A = arith.constant 0 : index
    %get3A_0 = arith.constant 0 : index
    %get3A_1 = arith.constant 0 : index
    %get3A_2 = vector.load %arg0[%get3A, %get3A_0, %get3A_1] : memref<2x10000x128xf32, #tpu.memory_space<vmem>>, vector<1x10000x128xf32>
    %get3A_3 = vector.shape_cast %get3A_2 : vector<1x10000x128xf32> to vector<10000x128xf32>
    %get3A_4 = arith.constant 1 : index
    %get3A_5 = arith.constant 0 : index
    %get3A_6 = arith.constant 0 : index
    %get3A_7 = vector.load %arg0[%get3A_4, %get3A_5, %get3A_6] : memref<2x10000x128xf32, #tpu.memory_space<vmem>>, vector<1x10000x128xf32>
    %get3A_8 = vector.shape_cast %get3A_7 : vector<1x10000x128xf32> to vector<10000x128xf32>
    %add3A = arith.addf %get3A_3, %get3A_8 : vector<10000x128xf32>
    %get3A_9 = arith.constant 0 : index
    %get3A_10 = arith.constant 0 : index
    %get3A_11 = arith.constant 0 : index
    %get3A_12 = vector.load %arg1[%get3A_9, %get3A_10, %get3A_11] : memref<2x10000x128xf32, #tpu.memory_space<vmem>>, vector<1x10000x1xf32>
    %get3A_13 = vector.shape_cast %get3A_12 : vector<1x10000x1xf32> to vector<10000x1xf32>
    %get3A_14 = arith.constant 1 : index
    %get3A_15 = arith.constant 0 : index
    %get3A_16 = arith.constant 0 : index
    %get3A_17 = vector.load %arg1[%get3A_14, %get3A_15, %get3A_16] : memref<2x10000x128xf32, #tpu.memory_space<vmem>>, vector<1x10000x1xf32>
    %get3A_18 = vector.shape_cast %get3A_17 : vector<1x10000x1xf32> to vector<10000x1xf32>
    %add3A_19 = arith.addf %get3A_13, %get3A_18 : vector<10000x1xf32>
    %max3A = arith.constant 1.000000e+00 : f32
    %max3A_20 = vector.broadcast %max3A : f32 to vector<10000x1xf32>
    %max3A_21 = arith.maximumf %add3A_19, %max3A_20 : vector<10000x1xf32>
    %div3A = vector.broadcast %max3A_21 : vector<10000x1xf32> to vector<10000x128xf32>
    %div3A_22 = arith.divf %add3A, %div3A : vector<10000x128xf32>
    %get3A_23 = arith.constant 0 : index
    %get3A_24 = arith.constant 0 : index
    %get3A_25 = vector.load %arg3[%get3A_23, %get3A_24] : memref<128x128xf32, #tpu.memory_space<vmem>>, vector<128x128xf32>
    %dot_general3A = arith.constant dense<0.000000e+00> : vector<10000x128xf32>
    %dot_general3A_26 = tpu.matmul %div3A_22, %get3A_25, %dot_general3A {dimension_numbers = #tpu.dot_dimension_numbers<[1], [1], [0], [0], [0, 0, 1, 0], [], []>, transpose_lhs_hint = false} : vector<10000x128xf32>, vector<128x128xf32>, vector<10000x128xf32> -> vector<10000x128xf32>
    %get3A_27 = arith.constant 0 : index
    %get3A_28 = arith.constant 0 : index
    %get3A_29 = vector.load %arg4[%get3A_27, %get3A_28] : memref<1x128xf32, #tpu.memory_space<vmem>>, vector<1x128xf32>
    %add3A_30 = vector.broadcast %get3A_29 : vector<1x128xf32> to vector<10000x128xf32>
    %add3A_31 = arith.addf %dot_general3A_26, %add3A_30 : vector<10000x128xf32>
    %get3A_32 = arith.constant 0 : index
    %get3A_33 = arith.constant 0 : index
    %get3A_34 = vector.load %arg2[%get3A_32, %get3A_33] : memref<10000x128xf32, #tpu.memory_space<vmem>>, vector<10000x128xf32>
    %get3A_35 = arith.constant 0 : index
    %get3A_36 = arith.constant 0 : index
    %get3A_37 = vector.load %arg5[%get3A_35, %get3A_36] : memref<128x128xf32, #tpu.memory_space<vmem>>, vector<128x128xf32>
    %dot_general3A_38 = arith.constant dense<0.000000e+00> : vector<10000x128xf32>
    %dot_general3A_39 = tpu.matmul %get3A_34, %get3A_37, %dot_general3A_38 {dimension_numbers = #tpu.dot_dimension_numbers<[1], [1], [0], [0], [0, 0, 1, 0], [], []>, transpose_lhs_hint = false} : vector<10000x128xf32>, vector<128x128xf32>, vector<10000x128xf32> -> vector<10000x128xf32>
    %add3A_40 = arith.addf %add3A_31, %dot_general3A_39 : vector<10000x128xf32>
    %get3A_41 = arith.constant 0 : index
    %get3A_42 = arith.constant 0 : index
    %get3A_43 = vector.load %arg6[%get3A_41, %get3A_42] : memref<1x1xf32, #tpu.memory_space<vmem>>, vector<1x1xf32>
    %get3A_44 = vector.extract %get3A_43[0, 0] : f32 from vector<1x1xf32>
    %gt3A = arith.constant 0.000000e+00 : f32
    %gt3A_45 = arith.cmpf ogt, %get3A_44, %gt3A : f32
    %max3A_46 = arith.constant 0.000000e+00 : f32
    %max3A_47 = vector.broadcast %max3A_46 : f32 to vector<10000x128xf32>
    %max3A_48 = arith.maximumf %add3A_40, %max3A_47 : vector<10000x128xf32>
    %select_n3A = arith.select %gt3A_45, %max3A_48, %add3A_40 : vector<10000x128xf32>
    %swap3A = arith.constant 0 : index
    %swap3A_49 = arith.constant 0 : index
    %swap3A_50 = vector.load %arg7[%swap3A, %swap3A_49] : memref<10000x128xf32, #tpu.memory_space<vmem>>, vector<10000x128xf32>
    tpu.vector_store %arg7[%swap3A, %swap3A_49], %select_n3A {strides = array<i32>} : memref<10000x128xf32, #tpu.memory_space<vmem>>, vector<10000x128xf32>,
    return
  }
}

</mosaic_0001>

<sc_bundles>
// kernel: kernel.10.cloned.1.call-start
scs
__scs_entry_jumppad:
0x0: {  	(pc) =	sbr.rel $0x88, $3  }
0x1: {  	(tag) =	ssettag $0x0;
	lr =	simm.s32 $0x1  }
0x2: {  	[smem:$0x3F99] =	sst lr;
	_ =	strace $0xD0000000  }
0x3: {  	_ = 	snop  }
0x4: {  	_ = 	snop  }
0x5: {  	_ = 	snop  }
0x6: {  	_ = 	snop  }
0x7: {  	_ = 	snop  }
__scs_overlays_trampoline_lowered:
0x8: {  	[smem:$0x3FA8] =	sst s0  }
0x9: {  	[smem:$0x3FA9] =	sst s1  }
0xa: {  	[smem:$0x3FAA] =	sst s2  }
0xb: {  	[smem:$0x3FAB] =	sst s3  }
0xc: {  	[smem:$0x3FAC] =	sst s4  }
0xd: {  	[smem:$0x3FAD] =	sst s5  }
0xe: {  	[smem:$0x3FAE] =	sst s6  }
0xf: {  	[smem:$0x3FAF] =	sst s7  }
0x10: {  	[smem:$0x3FB0] =	sst s8  }
0x11: {  	[smem:$0x3FB1] =	sst s9;
	s0 =	simm.s32 @!p0 $0x0  }
0x12: {  	s1 =	sld [smem:$0x3F97];
	s0 =	simm.s32 @p0 $0x1  }
0x13: {  	[smem:$0x3FB2] =	sst s0;
	s0 =	simm.s32 @!p1 $0x0  }
0x14: {  	s2 =	sld [smem:$0x3F96];
	s0 =	simm.s32 @p1 $0x1  }
0x15: {  	[smem:$0x3FB3] =	sst s0;
	s0 =	simm.s32 @!p2 $0x0  }
0x16: {  	s3 =	sld [smem:$0x3FDB];
	s0 =	simm.s32 @p2 $0x1  }
0x17: {  	s4 =	simm.s32 $0x1BF5;
	[smem:$0x3FB5] =	sst s0  }
0x18: {  	s0 =	sld [smem:$0x3F98];
	_ =	swait.ge [sflag:s4], $0x0  }
0x19: {  	s7 =	sld [smem:$0x3F99]  }
0x1a: {  	s8 =	sadd.s32 $0xFFFFE003, lr  }
0x1b: {  	s9 =	sadd.s32 $0xFFFFFEF7, lr;
	s5 =	simm.s32 $0xFFFFFFFF;
	p2 =	slt.u32 s8, $0xFFFFF086  }
0x1c: {  	p1 =	slt.u32 s9, $0xF7A;
	s5 =	simm.s32 @!p2 $0x0  }
0x1d: {  	s5 =	simm.s32 @p1 $0x1;
	p0 =	seq.s32 s7, s2  }
0x1e: {  	s7 =	smul.u32 @!p0 $0xF7A, s2;
	p2 =	seq.s32 @!p0 s5, $0x0  }
0x1f: {  	s9 =	smul.u32 $0xF7A, s1;
	s8 =	simm.s32 @!p0 $0x1BF5;
	p2 =	por !p2, p0  }
0x20: {  	[sflag:s8] =	ssyncset.s32 @!p0 $0xFFFFF086;
	s6 =	sadd.s32 @!p0 s3, s7;
	s7 =	simm.s32 @!p0 $0x108  }
0x21: {  	s3 =	sadd.s32 s3, s9;
	s6 =	sadd.s32 @!p0 $0x88, s6;
	s7 =	simm.s32 @p2 $0x1082  }
0x22: {  	[simem:s7], [sflag:s8] =	dma.local @!p0 [hbm:s6], $0xF7A  }
0x23: {  	s9 =	sor.u32 $0xD0000000, s2;
	s6 =	simm.s32 $0x108;
	_ =	swait.ge @!p0 [sflag:s8], $0x0  }
0x24: {  	s3 =	sadd.s32 $0x88, s3;
	s6 =	simm.s32 @!p1 $0x1082;
	[sflag:s4] =	ssyncset.s32 $0xFFFFF086  }
0x25: {  	[simem:s6], [sflag:s4] =	dma.local [hbm:s3], $0xF7A  }
0x26: {  	[smem:$0x3F99] =	sst s1;
	(tag) =	ssettag s2;
	_ =	strace s9  }
0x27: {  	s1 =	sld [smem:$0x3FA9]  }
0x28: {  	s2 =	sld [smem:$0x3FAA]  }
0x29: {  	s4 =	sld [smem:$0x3FAC]  }
0x2a: {  	p0 =	seq.s32 s5, $0x0;
	s5 =	sld [smem:$0x3FAD]  }
0x2b: {  	s6 =	sld [smem:$0x3FAE]  }
0x2c: {  	s7 =	sld [smem:$0x3FAF]  }
0x2d: {  	s3 =	simm.s32 $0x108;
	s8 =	sld [smem:$0x3FB0]  }
0x2e: {  	s3 =	simm.s32 @!p0 $0x1082;
	s9 =	sld [smem:$0x3FB1]  }
0x2f: {  	lr =	sadd.s32 s0, s3;
	s0 =	sld [smem:$0x3FA8]  }
0x30: {  	s3 =	sld [smem:$0x3FAB]  }
0x31: {  	[smem:$0x3FB4] =	sst s10  }
0x32: {  	s10 =	sld [smem:$0x3FB2];
	_ =	sdelay $0x3  }
0x33: {  	p0 =	seq.s32 s10, $0x1;
	s10 =	sld [smem:$0x3FB4];
	_ =	sdelay $0x3  }
0x34: {  	[smem:$0x3FB4] =	sst s10  }
0x35: {  	s10 =	sld [smem:$0x3FB3];
	_ =	sdelay $0x3  }
0x36: {  	p1 =	seq.s32 s10, $0x1;
	s10 =	sld [smem:$0x3FB4];
	_ =	sdelay $0x3  }
0x37: {  	[smem:$0x3FB4] =	sst s10  }
0x38: {  	s10 =	sld [smem:$0x3FB5]  }
0x39: {  	_ = 	snop;
	(pc) =	sbr.ind lr, $3  }
0x3a: {  	_ = 	snop  }
0x3b: {  	_ = 	snop  }
0x3c: {  	p2 =	seq.s32 s10, $0x1;
	s10 =	sld [smem:$0x3FB4]  }
0x3d: {  	_ =	shalt  }
0x3e: {  	_ =	shalt  }
0x3f: {  	_ =	shalt  }
0x40: {  	_ =	shalt  }
0x41: {  	_ =	shalt  }
0x42: {  	_ =	shalt  }
0x43: {  	_ =	shalt  }
0x44: {  	_ =	shalt  }
0x45: {  	_ =	shalt  }
0x46: {  	_ =	shalt  }
0x47: {  	_ =	shalt  }
0x48: {  	_ =	shalt  }
0x49: {  	_ =	shalt  }
0x4a: {  	_ =	shalt  }
0x4b: {  	_ =	shalt  }
0x4c: {  	_ =	shalt  }
0x4d: {  	_ =	shalt  }
0x4e: {  	_ =	shalt  }
0x4f: {  	_ =	shalt  }
0x50: {  	_ =	shalt  }
0x51: {  	_ =	shalt  }
0x52: {  	_ =	shalt  }
0x53: {  	_ =	shalt  }
0x54: {  	_ =	shalt  }
0x55: {  	_ =	shalt  }
0x56: {  	_ =	shalt  }
0x57: {  	_ =	shalt  }
0x58: {  	_ =	shalt  }
0x59: {  	_ =	shalt  }
0x5a: {  	_ =	shalt  }
0x5b: {  	_ =	shalt  }
0x5c: {  	_ =	shalt  }
0x5d: {  	_ =	shalt  }
0x5e: {  	_ =	shalt  }
0x5f: {  	_ =	shalt  }
0x60: {  	_ =	shalt  }
0x61: {  	_ =	shalt  }
0x62: {  	_ =	shalt  }
0x63: {  	_ =	shalt  }
0x64: {  	_ =	shalt  }
0x65: {  	_ =	shalt  }
0x66: {  	_ =	shalt  }
0x67: {  	_ =	shalt  }
0x68: {  	_ =	shalt  }
0x69: {  	_ =	shalt  }
0x6a: {  	_ =	shalt  }
0x6b: {  	_ =	shalt  }
0x6c: {  	_ =	shalt  }
0x6d: {  	_ =	shalt  }
0x6e: {  	_ =	shalt  }
0x6f: {  	_ =	shalt  }
0x70: {  	_ =	shalt  }
0x71: {  	_ =	shalt  }
0x72: {  	_ =	shalt  }
0x73: {  	_ =	shalt  }
0x74: {  	_ =	shalt  }
0x75: {  	_ =	shalt  }
0x76: {  	_ =	shalt  }
0x77: {  	_ =	shalt  }
0x78: {  	_ =	shalt  }
0x79: {  	_ =	shalt  }
0x7a: {  	_ =	shalt  }
0x7b: {  	_ =	shalt  }
0x7c: {  	_ =	shalt  }
0x7d: {  	_ =	shalt  }
0x7e: {  	_ =	shalt  }
0x7f: {  	_ =	shalt  }
0x80: {  	_ =	shalt  }
0x81: {  	_ =	shalt  }
0x82: {  	_ =	shalt  }
0x83: {  	_ =	shalt  }
0x84: {  	_ =	shalt  }
0x85: {  	_ =	shalt  }
0x86: {  	_ =	shalt  }
0x87: {  	_ =	shalt  }
.Lfunc_end0:
.L_simem_size_0:
called_computation.1_lowered:
.L_overlay_start_0:
0x88: {  	s2 =	sld [smem:$0x3FD9]  }
0x89: {  	s3 =	sld [smem:$0x3FFE];
	_ =	sdelay $0x1  }
0x8a: {  	s1 =	srdreg.scid  }
0x8b: {  	s0 =	sand.u32 $0x1, s1  }
0x8c: {  	s17 =	sshll.u32 s0, $0xA;
	s2 =	sadd.s32 s3, s2  }
0x8d: {  	s2 =	sadd.s32 s2, s17  }
0x8e: {  	[smem:$0x3FC0] =	sst s2  }
0x8f: {  	_ = 	snop  }
0x90: {  	s18 =	sld [smem:$0x3FC9];
	(tm) =	ssettm $0x1  }
0x91: {  	s19 =	sld [smem:$0x3FFB];
	_ =	sdelay $0x3  }
0x92: {  	_ =	strace s19  }
0x93: {  	s2 =	sld [smem:$0x3FFC];
	_ =	sdelay $0x3  }
0x94: {  	_ =	strace s2  }
0x95: {  	s2 =	sld [smem:$0x3FFD];
	_ =	sdelay $0x3  }
0x96: {  	_ =	strace s2  }
0x97: {  	_ =	strace $0x8FFFFFFF  }
0x98: {  	s20 =	sld [smem:$0x3FDB];
	_ =	sdelay $0x1  }
0x99: {  	s4 =	simm.s32 $_scs_section_size  }
0x9a: {  	s5 =	simm.s32 $_size__tile_overlayer_lowered;
	s6 =	simm.s32 $_tile_overlayer_lowered  }
0x9b: {  	s7 =	simm.s32 $0x1BFF;
	s21 =	sshll.u32 s6, $0x1;
	s4 =	sadd.s32 s4, s20  }
0x9c: {  	s22 =	simm.s32 $0x0;
	s5 =	sshll.u32 s5, $0x1;
	s6 =	sadd.s32 s21, s4  }
0x9d: {  	[timem:s22], [sflag:s7] =	dma.local [hbm:s6], s5  }
0x9e: {  	_ =	swait.ge [sflag:s7], s5  }
0x9f: {  	s5 =	ssub.s32 $0x0, s5;
	[sflag:s7] =	ssyncset.done $0x0  }
0xa0: {  	[sflag:s7] =	ssyncadd.s32 s5;
	_ =	sdelay $0x1  }
0xa1: {  	s23 =	simm.s32 $0x1B8B  }
0xa2: {  	_ =	swait.ge [sflag:s23], $0x1  }
0xa3: {  	[sflag:s23] =	ssyncset.done $0x0  }
0xa4: {  	[sflag:s23] =	ssyncadd.s32 $0xFFFFFFFF  }
0xa5: {  	s5 =	sld [smem:$0x0]  }
0xa6: {  	s6 =	sand.u32 $0xFFFFFFFE, s1  }
0xa7: {  	p0 =	sne.s32 s1, s6  }
0xa8: {  	s6 =	sshll.u32 @p0 s6, $0xE  }
0xa9: {  	s6 =	sadd.s32 @p0 $0x11B8D, s6;
	s7 =	sshll.u32 @p0 s5, $0x11  }
0xaa: {  	s6 =	sor.u32 @p0 s7, s6  }
0xab: {  	[sflag:s6] =	ssyncadd.remote.s32 @p0 $0x1;
	_ =	sdelay $0x1  }
0xac: {  	s6 =	simm.s32 @p0 $0x1B8D  }
0xad: {  	_ =	swait.eq @p0 [sflag:s6], $0x1  }
0xae: {  	[sflag:s6] =	ssyncadd.s32 @p0 $0xFFFFFFFF  }
0xaf: {  	s7 =	sshll.u32 @!p0 s1, $0xE  }
0xb0: {  	s7 =	sor.u32 @!p0 $0x4000, s7;
	s6 =	simm.s32 @!p0 $0x1B8D  }
0xb1: {  	s5 =	sshll.u32 @!p0 s5, $0x11;
	s7 =	sadd.s32 @!p0 $0x11B8D, s7;
	_ =	swait.eq @!p0 [sflag:s6], $0x1  }
0xb2: {  	s5 =	sor.u32 @!p0 s5, s7;
	[sflag:s6] =	ssyncadd.s32 @!p0 $0xFFFFFFFF  }
0xb3: {  	s25 =	simm.s32 $0x1B8E;
	s24 =	sld [smem:$0x3FFE];
	[sflag:s5] =	ssyncadd.remote.s32 @!p0 $0x1  }
0xb4: {  	s26 =	simm.s32 $execute0_lowered;
	[smem:$0x3FD2] =	sst s25  }
0xb5: {  	s6 =	sshll.u32 s26, $0x1;
	_ =	strace $0x80000049;
	[dreg:$0x1] =	wrdreg $0xFFFFFFFF  }
0xb6: {  	s28 =	simm.s32 $_size_execute0_lowered;
	s4 =	sadd.s32 s4, s6;
	[dreg:$0x0] =	wrdreg $0x0  }
0xb7: {  	s6 =	sshll.u32 s28, $0x1;
	[dreg:$0x2] =	wrdreg s4  }
0xb8: {  	[dreg:$0x3] =	wrdreg s6  }
0xb9: {  	[dreg:$0x4] =	wrdreg $0xC0  }
0xba: {  	_ =	task [dreg:s22], $0x5FFFF  }
0xbb: {  	[dreg:$0x1] =	wrdreg $0xFFFFFFFF  }
0xbc: {  	[dreg:$0x0] =	wrdreg $0x60  }
0xbd: {  	[dreg:$0x2] =	wrdreg s18  }
0xbe: {  	[dreg:$0x3] =	wrdreg s24  }
0xbf: {  	[dreg:$0x4] =	wrdreg $0xBC000  }
0xc0: {  	[dreg:$0x5] =	wrdreg $0xA  }
0xc1: {  	_ =	task.clear_ibuf [dreg:s22], $0x6FFFF;
	_ =	strace $0x90000049  }
0xc2: {  	s29 =	simm.s32 $0xA;
	_ =	strace $0x8000004B  }
0xc3: {  	_ =	swait.ge [sflag:s29], $0x1  }
0xc4: {  	[sflag:s29] =	ssyncadd.s32 $0xFFFFFFFF  }
0xc5: {  	_ =	strace $0x9000004B  }
0xc6: {  	_ =	sfence  }
0xc7: {  	s30 =	sld [smem:$0x0];
	_ =	sdelay $0x2  }
0xc8: {  	s31 =	sshll.u32 s1, $0xD;
	s1 =	sshrl.u32 s1, $0x2  }
0xc9: {  	s4 =	sand.u32 $0x4000, s31;
	s1 =	sadd.s32 s1, s30  }
0xca: {  	s0 =	sor.u32 s4, s0;
	s1 =	sshll.u32 s1, $0x11  }
0xcb: {  	s0 =	sor.u32 s1, s0  }
0xcc: {  	s0 =	sadd.s32 $0x8F2B, s0  }
0xcd: {  	[sflag:s0] =	ssyncadd.remote.s32 $0x1  }
0xce: {  	_ =	sfence.sel $0xFFFF  }
0xcf: {  	[dreg:$0x0] =	wrdreg $0xFFFFFFFF;
	(pc) =	sbr.abs _section_cstart, $3  }
0xd0: {  	[dreg:$0x1] =	wrdreg $0xFFFFFFFF  }
0xd1: {  	_ =	task.clear_ibuf [dreg:s22], $0x2FFFF;
	_ =	strace $0x9FFFFFFF  }
0xd2: {  	(tm) =	ssettm $0x7FFFFFFF  }
0xd3: {  	_ =	shalt  }
tec
execute0_lowered:
.L_overlay_start_1:
0x0: {  	(tag) =	ssettag $0x1  }
0x1: {  	s1 =	rddreg [dreg:$0x0]  }
0x2: {  	s7 =	rddreg [dreg:$0x1]  }
0x3: {  	s3 =	rddreg [dreg:$0x2]  }
0x4: {  	s0 =	rddreg [dreg:$0x3];
	s4 =	simm.s32 $0x0;
	s2 =	stileid.u32  }
0x5: {  	s5 =	srdreg.scid;
	s16 =	simm.s32 $0x4000;
	s17 =	simm.s32 $0x4400  }
0x6: {  	s18 =	simm.s32 $0x4080;
	s19 =	simm.s32 $0x6C00;
	s20 =	simm.s32 $0x1  }
0x7: {  	s21 =	simm.s32 $0x4100;
	s28 =	simm.s32 $0x4280;
	s29 =	simm.s32 $0x0  }
0x8: {  	[smem:$0x7FF] =	sst s4;
	s8 =	smul.u32 $0x13800, s2;
	s9 =	sand.u32 $0x1, s5  }
0x9: {  	s10 =	smul.u32 $0x4E000, s2;
	s12 =	sadd.s32 $0x87E00, s7;
	s24 =	sshll.u32 s2, $0x6  }
0xa: {  	s15 =	sadd.s32 $0x138000, s3;
	s25 =	sshll.u32 s2, $0xC;
	p0 =	sne.s32 s2, $0xF  }
0xb: {  	_ =	strace $0x8000004A;
	s5 =	sshll.u32 s9, $0xB;
	s23 =	ssub.s32 $0x2, s9  }
0xc: {  	s9 =	smul.u32 $0x138800, s9;
	s6 =	sshrl.u32 s8, $0x3;
	s11 =	sadd.s32 s5, s7  }
0xd: {  	s13 =	sshrl.u32 s23, $0x1;
	s10 =	sshrl.u32 s10, $0x2;
	s22 =	sadd.s32 s6, s7  }
0xe: {  	s13 =	ssub.s32 s23, s13;
	s14 =	sadd.s32 s10, s3;
	s6 =	sor.u32 $0x1C04, s24  }
0xf: {  	s7 =	sadd.s32 $0x39200, s7;
	s10 =	sadd.s32 s25, s11;
	s26 =	sadd.s32 s8, s9  }
0x10: {  	s9 =	sshrl.u32 s9, $0x3;
	s23 =	simm.s32 $0x4180;
	s24 =	simm.s32 $0x2  }
.Ltmp0:
0x11: {  	s25 =	simm.s32 $0x4200;
	s5 =	sadd.s32 $0x12200, s22;
	(pc) =	sbr.rel .LBB2_1-.Ltmp0, $4  }
0x12: {  	s8 =	sadd.s32 $0x2200, s10;
	s30 =	sshrl.u32 s26, $0x3;
	s31 =	sadd.s32 s12, s9  }
0x13: {  	s11 =	smax.u32 s13, $0x1;
	s13 =	simm.s32 $0x4;
	s22 =	simm.s32 $0x9400  }
0x14: {  	s26 =	simm.s32 $0x3;
	s9 =	sadd.s32 s12, s30;
	s10 =	sadd.s32 $0x27000, s31  }
0x15: {  	s12 =	sshrl.u32 s14, $0x3;
	s14 =	sshrl.u32 @!p0 s15, $0x3;
	s15 =	simm.s32 $0x50  }
.LBB2_6:
0x16: {  	[bflag:$0x0] =	sbarrier.arrive $0xFFFF  }
0x17: {  	[hbm:s9], [sflag:s6] =	dma.local [spmem:s12], $0x2700  }
0x18: {  	s29 =	sadd.s32 $0x1, s29;
	_ =	swait.ge [sflag:s13], $0x2700  }
0x19: {  	p1 =	sne.s32 s29, s11;
	[sflag:s13] =	ssyncset.done $0x0  }
.Ltmp1:
0x1a: {  	s30 =	simm.s32 @!p0 $0x4;
	[sflag:s13] =	ssyncadd.s32 $0xFFFFD900;
	(pc) =	sbr.rel @!p1 .LBB2_7-.Ltmp1, $4  }
0x1b: {  	[hbm:s10], [sflag:s6] =	dma.local @!p0 [spmem:s14], $0x100  }
0x1c: {  	_ =	swait.ge @!p0 [sflag:s30], $0x100  }
0x1d: {  	[sflag:s30] =	ssyncset.done @!p0 $0x0  }
0x1e: {  	[sflag:s30] =	ssyncadd.s32 @!p0 $0xFFFFFF00  }
.LBB2_1:
0x1f: {  	[spmem:s12], [sflag:s6] =	dma.local [hbm:s5], $0x2700  }
0x20: {  	_ =	swait.ge [sflag:s13], $0x2700  }
0x21: {  	[sflag:s13] =	ssyncset.done $0x0  }
0x22: {  	s30 =	simm.s32 @!p0 $0x4;
	[sflag:s13] =	ssyncadd.s32 $0xFFFFD900  }
0x23: {  	[spmem:s14], [sflag:s6] =	dma.local @!p0 [hbm:s7], $0x900  }
0x24: {  	_ =	swait.ge @!p0 [sflag:s30], $0x900  }
0x25: {  	[sflag:s30] =	ssyncset.done @!p0 $0x0  }
0x26: {  	[sflag:s30] =	ssyncadd.s32 @!p0 $0xFFFFF700  }
0x27: {  	[tilespmem:s4], [sflag:$0x4] =	stream.linear.gather [hbm4b:s8+s4], $0x3F00, $0x38;
	[tilespmem:$0x1F880] =	vst v63  }
0x28: {  	_ =	swait.ge [sflag:s13], $0x3F00  }
0x29: {  	[sflag:s13] =	ssyncset.done $0x0  }
0x2a: {  	[sflag:s13] =	ssyncadd.s32 $0xFFFFC100  }
0x2b: {  	[bflag:$0x0] =	sbarrier.arrive $0xFFFF  }
0x2c: {  	v0 =	vld [tilespmem:$0x0];
	_ =	sdelay $0x1  }
0x2d: {  	v1 =	vld [tilespmem:$0x10];
	_ =	sdelay $0x1  }
0x2e: {  	v2 =	vld [tilespmem:$0x20]  }
0x2f: {  	v3 =	vand.u32 $0xFFFF, v0  }
0x30: {  	v40 =	vld [tilespmem:$0x30];
	v0 =	vshrl.u32 v0, $0x10;
	[tilespmem:$0x4000] =	vst v3  }
0x31: {  	v41 =	vand.u32 $0xFFFF, v1;
	[tilespmem:$0x4180] =	vst v0  }
0x32: {  	v43 =	vld [tilespmem:$0x40];
	v42 =	vshrl.u32 v1, $0x10;
	[tilespmem:$0x4010] =	vst v41  }
0x33: {  	v44 =	vand.u32 $0xFFFF, v2;
	[tilespmem:$0x4190] =	vst v42  }
0x34: {  	v45 =	vshrl.u32 v2, $0x10;
	[tilespmem:$0x4020] =	vst v44  }
0x35: {  	v46 =	vand.u32 $0xFFFF, v40;
	[tilespmem:$0x41A0] =	vst v45  }
0x36: {  	v47 =	vshrl.u32 v40, $0x10;
	[tilespmem:$0x4030] =	vst v46  }
0x37: {  	v48 =	vand.u32 $0xFFFF, v43;
	[tilespmem:$0x41B0] =	vst v47  }
0x38: {  	v49 =	vshrl.u32 v43, $0x10;
	[tilespmem:$0x4040] =	vst v48  }
0x39: {  	[tilespmem:$0x41C0] =	vst v49  }
0x3a: {  	[tilespmem:s17], [sflag:$0x1] =	stream.indirect.gather [hbm4b:s1+s15], $0x80, s16, s15, $0xb8;
	[tilespmem:$0x1F880] =	vst v63  }
0x3b: {  	v50 =	vld [tilespmem:$0x80];
	_ =	sdelay $0x1  }
0x3c: {  	v51 =	vld [tilespmem:$0x90];
	_ =	sdelay $0x1  }
0x3d: {  	v52 =	vld [tilespmem:$0xA0]  }
0x3e: {  	v53 =	vand.u32 $0xFFFF, v50  }
0x3f: {  	v54 =	vld [tilespmem:$0xB0];
	v0 =	vshrl.u32 v50, $0x10;
	[tilespmem:$0x4080] =	vst v53  }
0x40: {  	v55 =	vand.u32 $0xFFFF, v51;
	[tilespmem:$0x4200] =	vst v0  }
0x41: {  	v57 =	vld [tilespmem:$0xC0];
	v56 =	vshrl.u32 v51, $0x10;
	[tilespmem:$0x4090] =	vst v55  }
0x42: {  	v58 =	vand.u32 $0xFFFF, v52;
	[tilespmem:$0x4210] =	vst v56  }
0x43: {  	v59 =	vshrl.u32 v52, $0x10;
	[tilespmem:$0x40A0] =	vst v58  }
0x44: {  	v60 =	vand.u32 $0xFFFF, v54;
	[tilespmem:$0x4220] =	vst v59  }
.Ltmp2:
0x45: {  	v61 =	vshrl.u32 v54, $0x10;
	[tilespmem:$0x40B0] =	vst v60;
	(pc) =	sbr.rel .LBB2_2-.Ltmp2, $4  }
0x46: {  	v62 =	vand.u32 $0xFFFF, v57;
	[tilespmem:$0x4230] =	vst v61  }
0x47: {  	v63 =	vshrl.u32 v57, $0x10;
	[tilespmem:$0x40C0] =	vst v62  }
0x48: {  	s30 =	simm.s32 $0x0;
	[tilespmem:$0x4240] =	vst v63  }
0x49: {  	[tilespmem:s19], [sflag:$0x2] =	stream.indirect.gather [hbm4b:s1+s15], $0x80, s18, s15, $0xb8;
	[tilespmem:$0x1F880] =	vst v63  }
.LBB2_4:
0x4a: {  	[spmem:s3] =	stream.indirect.scatter.add.f32 [tilespmem:s19], [sflag:$0x4], $0x80, s25, s15, $0xb8;
	[tilespmem:$0x1F880] =	vst v63  }
0x4b: {  	_ =	swait.ge [sflag:s13], $0x2800  }
0x4c: {  	[sflag:s13] =	ssyncset.done $0x0  }
0x4d: {  	[sflag:s13] =	ssyncadd.s32 $0xFFFFD800  }
0x4e: {  	_ =	swait.ge [sflag:s26], $0x2800  }
0x4f: {  	[sflag:s26] =	ssyncset.done $0x0  }
0x50: {  	[sflag:s26] =	ssyncadd.s32 $0xFFFFD800  }
.LBB2_5:
0x51: {  	s30 =	sadd.s32 $0x600, s30  }
0x52: {  	p1 =	sne.s32 s30, $0xFC00  }
.Ltmp3:
0x53: {  	_ = 	snop;
	(pc) =	sbr.rel @!p1 .LBB2_6-.Ltmp3, $4  }
0x54: {  	[spmem:s3] =	stream.indirect.scatter.add.f32 [tilespmem:s22], [sflag:$0x4], $0x80, s28, s15, $0xb8;
	[tilespmem:$0x1F880] =	vst v63  }
0x55: {  	_ =	swait.ge [sflag:s13], $0x2800  }
0x56: {  	[sflag:s13] =	ssyncset.done $0x0  }
0x57: {  	[sflag:s13] =	ssyncadd.s32 $0xFFFFD800  }
.LBB2_2:
0x58: {  	_ =	swait.ge [sflag:s20], $0x2800  }
0x59: {  	[sflag:s20] =	ssyncset.done $0x0  }
0x5a: {  	s31 =	sshra.s32 s30, $0x2;
	[sflag:s20] =	ssyncadd.s32 $0xFFFFD800  }
0x5b: {  	v0 =	vld [tilespmem:s31+$0x100];
	_ =	sdelay $0x4  }
0x5c: {  	v1 =	vand.u32 $0xFFFF, v0  }
0x5d: {  	v0 =	vshrl.u32 v0, $0x10;
	[tilespmem:$0x4100] =	vst v1  }
0x5e: {  	[tilespmem:$0x4280] =	vst v0  }
0x5f: {  	v0 =	vld [tilespmem:s31+$0x110];
	_ =	sdelay $0x4  }
0x60: {  	v60 =	vand.u32 $0xFFFF, v0  }
0x61: {  	v0 =	vshrl.u32 v0, $0x10;
	[tilespmem:$0x4110] =	vst v60  }
0x62: {  	[tilespmem:$0x4290] =	vst v0  }
0x63: {  	v0 =	vld [tilespmem:s31+$0x120];
	_ =	sdelay $0x4  }
0x64: {  	v61 =	vand.u32 $0xFFFF, v0  }
0x65: {  	v0 =	vshrl.u32 v0, $0x10;
	[tilespmem:$0x4120] =	vst v61  }
0x66: {  	[tilespmem:$0x42A0] =	vst v0  }
0x67: {  	v0 =	vld [tilespmem:s31+$0x130];
	_ =	sdelay $0x4  }
0x68: {  	v62 =	vand.u32 $0xFFFF, v0  }
0x69: {  	v0 =	vshrl.u32 v0, $0x10;
	[tilespmem:$0x4130] =	vst v62  }
0x6a: {  	[tilespmem:$0x42B0] =	vst v0  }
0x6b: {  	v0 =	vld [tilespmem:s31+$0x140];
	_ =	sdelay $0x4  }
0x6c: {  	v63 =	vand.u32 $0xFFFF, v0  }
0x6d: {  	v0 =	vshrl.u32 v0, $0x10;
	[tilespmem:$0x4140] =	vst v63  }
0x6e: {  	[tilespmem:$0x42C0] =	vst v0  }
0x6f: {  	[tilespmem:s22], [sflag:$0x3] =	stream.indirect.gather [hbm4b:s1+s15], $0x80, s21, s15, $0xb8;
	[tilespmem:$0x1F880] =	vst v63  }
0x70: {  	_ = 	snop  }
0x71: {  	[spmem:s3] =	stream.indirect.scatter.add.f32 [tilespmem:s17], [sflag:$0x4], $0x80, s23, s15, $0xb8;
	[tilespmem:$0x1F880] =	vst v63  }
0x72: {  	p1 =	seq.s32 s30, $0xF600;
	_ =	swait.ge [sflag:s13], $0x2800  }
.Ltmp4:
0x73: {  	[sflag:s13] =	ssyncset.done $0x0;
	(pc) =	sbr.rel @p1 .LBB2_4-.Ltmp4, $4  }
0x74: {  	[sflag:s13] =	ssyncadd.s32 $0xFFFFD800  }
0x75: {  	_ =	swait.ge [sflag:s24], $0x2800  }
0x76: {  	[sflag:s24] =	ssyncset.done $0x0  }
0x77: {  	[sflag:s24] =	ssyncadd.s32 $0xFFFFD800  }
0x78: {  	v0 =	vld [tilespmem:s31+$0x180];
	_ =	sdelay $0x4  }
0x79: {  	v1 =	vand.u32 $0xFFFF, v0  }
0x7a: {  	v0 =	vshrl.u32 v0, $0x10;
	[tilespmem:$0x4000] =	vst v1  }
0x7b: {  	[tilespmem:$0x4180] =	vst v0  }
0x7c: {  	v0 =	vld [tilespmem:s31+$0x190];
	_ =	sdelay $0x4  }
0x7d: {  	v54 =	vand.u32 $0xFFFF, v0  }
0x7e: {  	v0 =	vshrl.u32 v0, $0x10;
	[tilespmem:$0x4010] =	vst v54  }
0x7f: {  	[tilespmem:$0x4190] =	vst v0  }
0x80: {  	v0 =	vld [tilespmem:s31+$0x1A0];
	_ =	sdelay $0x4  }
0x81: {  	v55 =	vand.u32 $0xFFFF, v0  }
0x82: {  	v0 =	vshrl.u32 v0, $0x10;
	[tilespmem:$0x4020] =	vst v55  }
0x83: {  	[tilespmem:$0x41A0] =	vst v0  }
0x84: {  	v0 =	vld [tilespmem:s31+$0x1B0];
	_ =	sdelay $0x4  }
0x85: {  	v56 =	vand.u32 $0xFFFF, v0  }
0x86: {  	v0 =	vshrl.u32 v0, $0x10;
	[tilespmem:$0x4030] =	vst v56  }
0x87: {  	[tilespmem:$0x41B0] =	vst v0  }
0x88: {  	v0 =	vld [tilespmem:s31+$0x1C0];
	_ =	sdelay $0x4  }
0x89: {  	v57 =	vand.u32 $0xFFFF, v0  }
0x8a: {  	v0 =	vshrl.u32 v0, $0x10;
	[tilespmem:$0x4040] =	vst v57  }
0x8b: {  	[tilespmem:$0x41C0] =	vst v0  }
0x8c: {  	[tilespmem:s17], [sflag:$0x1] =	stream.indirect.gather [hbm4b:s1+s15], $0x80, s16, s15, $0xb8;
	[tilespmem:$0x1F880] =	vst v63  }
0x8d: {  	_ = 	snop  }
0x8e: {  	[spmem:s3] =	stream.indirect.scatter.add.f32 [tilespmem:s19], [sflag:$0x4], $0x80, s25, s15, $0xb8;
	[tilespmem:$0x1F880] =	vst v63  }
0x8f: {  	_ =	swait.ge [sflag:s13], $0x2800  }
0x90: {  	[sflag:s13] =	ssyncset.done $0x0  }
0x91: {  	[sflag:s13] =	ssyncadd.s32 $0xFFFFD800  }
0x92: {  	_ =	swait.ge [sflag:s26], $0x2800  }
0x93: {  	[sflag:s26] =	ssyncset.done $0x0  }
0x94: {  	[sflag:s26] =	ssyncadd.s32 $0xFFFFD800  }
0x95: {  	v58 =	vld [tilespmem:s31+$0x200];
	_ =	sdelay $0x4  }
0x96: {  	v59 =	vand.u32 $0xFFFF, v58  }
0x97: {  	v0 =	vshrl.u32 v58, $0x10;
	[tilespmem:$0x4080] =	vst v59  }
0x98: {  	[tilespmem:$0x4200] =	vst v0  }
0x99: {  	v0 =	vld [tilespmem:s31+$0x210];
	_ =	sdelay $0x4  }
0x9a: {  	v60 =	vand.u32 $0xFFFF, v0  }
0x9b: {  	v0 =	vshrl.u32 v0, $0x10;
	[tilespmem:$0x4090] =	vst v60  }
0x9c: {  	[tilespmem:$0x4210] =	vst v0  }
0x9d: {  	v0 =	vld [tilespmem:s31+$0x220];
	_ =	sdelay $0x4  }
0x9e: {  	v61 =	vand.u32 $0xFFFF, v0  }
0x9f: {  	v0 =	vshrl.u32 v0, $0x10;
	[tilespmem:$0x40A0] =	vst v61  }
0xa0: {  	[tilespmem:$0x4220] =	vst v0  }
0xa1: {  	v0 =	vld [tilespmem:s31+$0x230];
	_ =	sdelay $0x4  }
0xa2: {  	v62 =	vand.u32 $0xFFFF, v0  }
0xa3: {  	v0 =	vshrl.u32 v0, $0x10;
	[tilespmem:$0x40B0] =	vst v62  }
0xa4: {  	[tilespmem:$0x4230] =	vst v0  }
0xa5: {  	v0 =	vld [tilespmem:s31+$0x240];
	_ =	sdelay $0x3  }
.Ltmp5:
0xa6: {  	_ = 	snop;
	(pc) =	sbr.rel .LBB2_5-.Ltmp5, $4  }
0xa7: {  	v63 =	vand.u32 $0xFFFF, v0  }
0xa8: {  	v0 =	vshrl.u32 v0, $0x10;
	[tilespmem:$0x40C0] =	vst v63  }
0xa9: {  	[tilespmem:$0x4240] =	vst v0  }
0xaa: {  	[tilespmem:s19], [sflag:$0x2] =	stream.indirect.gather [hbm4b:s1+s15], $0x80, s18, s15, $0xb8;
	[tilespmem:$0x1F880] =	vst v63  }
.LBB2_7:
0xab: {  	_ =	sfence.sel $0x180000  }
0xac: {  	[bflag:$0x0] =	sbarrier.arrive $0xFFFF  }
0xad: {  	p0 =	sne.s32 s2, $0x0;
	_ =	strace $0x9000004A  }
0xae: {  	s0 =	sadd.s32 @!p0 $0x100000, s0;
	[bflag:$0x2] =	sbarrier.arrive $0xFFFF  }
0xaf: {  	[sflag:s0] =	ssyncadd.tile.s32 @!p0 $0x1;
	_ =	shalt  }
.Lfunc_end2:
_tile_overlayer_lowered:
.L_overlay_start_2:
0xb0: {  	(tag) =	ssettag $0x2  }
0xb1: {  	s0 =	rddreg [dreg:$0x0];
	s2 =	stileid.u32  }
0xb2: {  	s1 =	rddreg [dreg:$0x1];
	p0 =	sne.s32 s2, $0x0  }
0xb3: {  	s3 =	rddreg [dreg:$0x2];
	[bflag:$0x3] =	sbarrier.arrive $0xFFFF;
	s2 =	simm.s32 @!p0 $0x1C04  }
0xb4: {  	[timem:s3], [sflag:s2] =	dma.local @!p0 [hbm:s0], s1  }
0xb5: {  	s0 =	simm.s32 @!p0 $0x4  }
0xb6: {  	_ =	swait.ge @!p0 [sflag:s0], s1  }
0xb7: {  	s1 =	ssub.s32 @!p0 $0x0, s1;
	[sflag:s0] =	ssyncset.done @!p0 $0x0  }
0xb8: {  	[sflag:s0] =	ssyncadd.s32 @!p0 s1  }
0xb9: {  	[bflag:$0x3] =	sbarrier.arrive $0xFFFF  }
0xba: {  	_ =	shalt  }

// kernel: kernel.13.cloned.1.call-start
scs
__scs_entry_jumppad:
0x0: {  	(pc) =	sbr.rel $0x88, $3  }
0x1: {  	(tag) =	ssettag $0x0;
	lr =	simm.s32 $0x1  }
0x2: {  	[smem:$0x3F99] =	sst lr;
	_ =	strace $0xD0000000  }
0x3: {  	_ = 	snop  }
0x4: {  	_ = 	snop  }
0x5: {  	_ = 	snop  }
0x6: {  	_ = 	snop  }
0x7: {  	_ = 	snop  }
__scs_overlays_trampoline_lowered:
0x8: {  	[smem:$0x3FA8] =	sst s0  }
0x9: {  	[smem:$0x3FA9] =	sst s1  }
0xa: {  	[smem:$0x3FAA] =	sst s2  }
0xb: {  	[smem:$0x3FAB] =	sst s3  }
0xc: {  	[smem:$0x3FAC] =	sst s4  }
0xd: {  	[smem:$0x3FAD] =	sst s5  }
0xe: {  	[smem:$0x3FAE] =	sst s6  }
0xf: {  	[smem:$0x3FAF] =	sst s7  }
0x10: {  	[smem:$0x3FB0] =	sst s8  }
0x11: {  	[smem:$0x3FB1] =	sst s9;
	s0 =	simm.s32 @!p0 $0x0  }
0x12: {  	s1 =	sld [smem:$0x3F97];
	s0 =	simm.s32 @p0 $0x1  }
0x13: {  	[smem:$0x3FB2] =	sst s0;
	s0 =	simm.s32 @!p1 $0x0  }
0x14: {  	s2 =	sld [smem:$0x3F96];
	s0 =	simm.s32 @p1 $0x1  }
0x15: {  	[smem:$0x3FB3] =	sst s0;
	s0 =	simm.s32 @!p2 $0x0  }
0x16: {  	s3 =	sld [smem:$0x3FDB];
	s0 =	simm.s32 @p2 $0x1  }
0x17: {  	s4 =	simm.s32 $0x1BF5;
	[smem:$0x3FB5] =	sst s0  }
0x18: {  	s0 =	sld [smem:$0x3F98];
	_ =	swait.ge [sflag:s4], $0x0  }
0x19: {  	s7 =	sld [smem:$0x3F99]  }
0x1a: {  	s8 =	sadd.s32 $0xFFFFE003, lr  }
0x1b: {  	s9 =	sadd.s32 $0xFFFFFEF7, lr;
	s5 =	simm.s32 $0xFFFFFFFF;
	p2 =	slt.u32 s8, $0xFFFFF086  }
0x1c: {  	p1 =	slt.u32 s9, $0xF7A;
	s5 =	simm.s32 @!p2 $0x0  }
0x1d: {  	s5 =	simm.s32 @p1 $0x1;
	p0 =	seq.s32 s7, s2  }
0x1e: {  	s7 =	smul.u32 @!p0 $0xF7A, s2;
	p2 =	seq.s32 @!p0 s5, $0x0  }
0x1f: {  	s9 =	smul.u32 $0xF7A, s1;
	s8 =	simm.s32 @!p0 $0x1BF5;
	p2 =	por !p2, p0  }
0x20: {  	[sflag:s8] =	ssyncset.s32 @!p0 $0xFFFFF086;
	s6 =	sadd.s32 @!p0 s3, s7;
	s7 =	simm.s32 @!p0 $0x108  }
0x21: {  	s3 =	sadd.s32 s3, s9;
	s6 =	sadd.s32 @!p0 $0x88, s6;
	s7 =	simm.s32 @p2 $0x1082  }
0x22: {  	[simem:s7], [sflag:s8] =	dma.local @!p0 [hbm:s6], $0xF7A  }
0x23: {  	s9 =	sor.u32 $0xD0000000, s2;
	s6 =	simm.s32 $0x108;
	_ =	swait.ge @!p0 [sflag:s8], $0x0  }
0x24: {  	s3 =	sadd.s32 $0x88, s3;
	s6 =	simm.s32 @!p1 $0x1082;
	[sflag:s4] =	ssyncset.s32 $0xFFFFF086  }
0x25: {  	[simem:s6], [sflag:s4] =	dma.local [hbm:s3], $0xF7A  }
0x26: {  	[smem:$0x3F99] =	sst s1;
	(tag) =	ssettag s2;
	_ =	strace s9  }
0x27: {  	s1 =	sld [smem:$0x3FA9]  }
0x28: {  	s2 =	sld [smem:$0x3FAA]  }
0x29: {  	s4 =	sld [smem:$0x3FAC]  }
0x2a: {  	p0 =	seq.s32 s5, $0x0;
	s5 =	sld [smem:$0x3FAD]  }
0x2b: {  	s6 =	sld [smem:$0x3FAE]  }
0x2c: {  	s7 =	sld [smem:$0x3FAF]  }
0x2d: {  	s3 =	simm.s32 $0x108;
	s8 =	sld [smem:$0x3FB0]  }
0x2e: {  	s3 =	simm.s32 @!p0 $0x1082;
	s9 =	sld [smem:$0x3FB1]  }
0x2f: {  	lr =	sadd.s32 s0, s3;
	s0 =	sld [smem:$0x3FA8]  }
0x30: {  	s3 =	sld [smem:$0x3FAB]  }
0x31: {  	[smem:$0x3FB4] =	sst s10  }
0x32: {  	s10 =	sld [smem:$0x3FB2];
	_ =	sdelay $0x3  }
0x33: {  	p0 =	seq.s32 s10, $0x1;
	s10 =	sld [smem:$0x3FB4];
	_ =	sdelay $0x3  }
0x34: {  	[smem:$0x3FB4] =	sst s10  }
0x35: {  	s10 =	sld [smem:$0x3FB3];
	_ =	sdelay $0x3  }
0x36: {  	p1 =	seq.s32 s10, $0x1;
	s10 =	sld [smem:$0x3FB4];
	_ =	sdelay $0x3  }
0x37: {  	[smem:$0x3FB4] =	sst s10  }
0x38: {  	s10 =	sld [smem:$0x3FB5]  }
0x39: {  	_ = 	snop;
	(pc) =	sbr.ind lr, $3  }
0x3a: {  	_ = 	snop  }
0x3b: {  	_ = 	snop  }
0x3c: {  	p2 =	seq.s32 s10, $0x1;
	s10 =	sld [smem:$0x3FB4]  }
0x3d: {  	_ =	shalt  }
0x3e: {  	_ =	shalt  }
0x3f: {  	_ =	shalt  }
0x40: {  	_ =	shalt  }
0x41: {  	_ =	shalt  }
0x42: {  	_ =	shalt  }
0x43: {  	_ =	shalt  }
0x44: {  	_ =	shalt  }
0x45: {  	_ =	shalt  }
0x46: {  	_ =	shalt  }
0x47: {  	_ =	shalt  }
0x48: {  	_ =	shalt  }
0x49: {  	_ =	shalt  }
0x4a: {  	_ =	shalt  }
0x4b: {  	_ =	shalt  }
0x4c: {  	_ =	shalt  }
0x4d: {  	_ =	shalt  }
0x4e: {  	_ =	shalt  }
0x4f: {  	_ =	shalt  }
0x50: {  	_ =	shalt  }
0x51: {  	_ =	shalt  }
0x52: {  	_ =	shalt  }
0x53: {  	_ =	shalt  }
0x54: {  	_ =	shalt  }
0x55: {  	_ =	shalt  }
0x56: {  	_ =	shalt  }
0x57: {  	_ =	shalt  }
0x58: {  	_ =	shalt  }
0x59: {  	_ =	shalt  }
0x5a: {  	_ =	shalt  }
0x5b: {  	_ =	shalt  }
0x5c: {  	_ =	shalt  }
0x5d: {  	_ =	shalt  }
0x5e: {  	_ =	shalt  }
0x5f: {  	_ =	shalt  }
0x60: {  	_ =	shalt  }
0x61: {  	_ =	shalt  }
0x62: {  	_ =	shalt  }
0x63: {  	_ =	shalt  }
0x64: {  	_ =	shalt  }
0x65: {  	_ =	shalt  }
0x66: {  	_ =	shalt  }
0x67: {  	_ =	shalt  }
0x68: {  	_ =	shalt  }
0x69: {  	_ =	shalt  }
0x6a: {  	_ =	shalt  }
0x6b: {  	_ =	shalt  }
0x6c: {  	_ =	shalt  }
0x6d: {  	_ =	shalt  }
0x6e: {  	_ =	shalt  }
0x6f: {  	_ =	shalt  }
0x70: {  	_ =	shalt  }
0x71: {  	_ =	shalt  }
0x72: {  	_ =	shalt  }
0x73: {  	_ =	shalt  }
0x74: {  	_ =	shalt  }
0x75: {  	_ =	shalt  }
0x76: {  	_ =	shalt  }
0x77: {  	_ =	shalt  }
0x78: {  	_ =	shalt  }
0x79: {  	_ =	shalt  }
0x7a: {  	_ =	shalt  }
0x7b: {  	_ =	shalt  }
0x7c: {  	_ =	shalt  }
0x7d: {  	_ =	shalt  }
0x7e: {  	_ =	shalt  }
0x7f: {  	_ =	shalt  }
0x80: {  	_ =	shalt  }
0x81: {  	_ =	shalt  }
0x82: {  	_ =	shalt  }
0x83: {  	_ =	shalt  }
0x84: {  	_ =	shalt  }
0x85: {  	_ =	shalt  }
0x86: {  	_ =	shalt  }
0x87: {  	_ =	shalt  }
.Lfunc_end0:
.L_simem_size_0:
called_computation.2_lowered:
.L_overlay_start_0:
0x88: {  	s2 =	sld [smem:$0x3FD9]  }
0x89: {  	s3 =	sld [smem:$0x3FFE];
	_ =	sdelay $0x1  }
0x8a: {  	s1 =	srdreg.scid  }
0x8b: {  	s0 =	sand.u32 $0x1, s1  }
0x8c: {  	s17 =	sshll.u32 s0, $0xA;
	s2 =	sadd.s32 s3, s2  }
0x8d: {  	s2 =	sadd.s32 s2, s17  }
0x8e: {  	[smem:$0x3FC0] =	sst s2  }
0x8f: {  	_ = 	snop  }
0x90: {  	s2 =	sld [smem:$0x3FD0];
	(tm) =	ssettm $0x1  }
0x91: {  	s18 =	sld [smem:$0x3FFB];
	_ =	sdelay $0x3  }
0x92: {  	_ =	strace s18  }
0x93: {  	s3 =	sld [smem:$0x3FFC];
	_ =	sdelay $0x3  }
0x94: {  	_ =	strace s3  }
0x95: {  	s3 =	sld [smem:$0x3FFD];
	_ =	sdelay $0x3  }
0x96: {  	_ =	strace s3  }
0x97: {  	_ =	strace $0x8FFFFFFF  }
0x98: {  	s19 =	sld [smem:$0x3FDB];
	_ =	sdelay $0x1  }
0x99: {  	s4 =	simm.s32 $_scs_section_size  }
0x9a: {  	s5 =	simm.s32 $_size__tile_overlayer_lowered;
	s6 =	simm.s32 $_tile_overlayer_lowered  }
0x9b: {  	s22 =	simm.s32 $0x1BFF;
	s21 =	sshll.u32 s6, $0x1;
	s3 =	sadd.s32 s4, s19  }
0x9c: {  	s7 =	simm.s32 $0x0;
	s20 =	sshll.u32 s5, $0x1;
	s5 =	sadd.s32 s21, s3  }
0x9d: {  	[timem:s7], [sflag:s22] =	dma.local [hbm:s5], s20  }
0x9e: {  	_ =	swait.ge [sflag:s22], s20  }
0x9f: {  	s4 =	ssub.s32 $0x0, s20;
	[sflag:s22] =	ssyncset.done $0x0  }
0xa0: {  	[sflag:s22] =	ssyncadd.s32 s4;
	_ =	sdelay $0x1  }
0xa1: {  	s23 =	simm.s32 $0x1B8B  }
0xa2: {  	_ =	swait.ge [sflag:s23], $0x1  }
0xa3: {  	[sflag:s23] =	ssyncset.done $0x0  }
0xa4: {  	s25 =	simm.s32 $0x1B8E;
	s24 =	sld [smem:$0x3FFE];
	[sflag:s23] =	ssyncadd.s32 $0xFFFFFFFF  }
0xa5: {  	s26 =	simm.s32 $execute0_lowered;
	[smem:$0x3FD2] =	sst s25  }
0xa6: {  	s5 =	sshll.u32 s26, $0x1;
	_ =	strace $0x8000004C;
	[dreg:$0x1] =	wrdreg $0xFFFFFFFF  }
0xa7: {  	s28 =	simm.s32 $_size_execute0_lowered;
	s3 =	sadd.s32 s3, s5;
	[dreg:$0x0] =	wrdreg $0x0  }
0xa8: {  	s5 =	sshll.u32 s28, $0x1;
	[dreg:$0x2] =	wrdreg s3  }
0xa9: {  	[dreg:$0x3] =	wrdreg s5  }
0xaa: {  	[dreg:$0x4] =	wrdreg $0xC0  }
0xab: {  	_ =	task [dreg:s7], $0x5FFFF  }
0xac: {  	[dreg:$0x1] =	wrdreg $0xFFFFFFFF  }
0xad: {  	[dreg:$0x0] =	wrdreg $0x60  }
0xae: {  	[dreg:$0x2] =	wrdreg s2  }
0xaf: {  	[dreg:$0x3] =	wrdreg s24  }
0xb0: {  	[dreg:$0x4] =	wrdreg $0xBC000  }
0xb1: {  	[dreg:$0x5] =	wrdreg $0x9  }
0xb2: {  	_ =	task.clear_ibuf [dreg:s7], $0x6FFFF;
	_ =	strace $0x9000004C  }
0xb3: {  	s29 =	simm.s32 $0x9;
	_ =	strace $0x8000004E  }
0xb4: {  	_ =	swait.ge [sflag:s29], $0x1  }
0xb5: {  	[sflag:s29] =	ssyncadd.s32 $0xFFFFFFFF  }
0xb6: {  	_ =	strace $0x9000004E  }
0xb7: {  	_ =	sfence  }
0xb8: {  	s30 =	sld [smem:$0x0];
	_ =	sdelay $0x2  }
0xb9: {  	s31 =	sshll.u32 s1, $0xD;
	s1 =	sshrl.u32 s1, $0x2  }
0xba: {  	s3 =	sand.u32 $0x4000, s31;
	s1 =	sadd.s32 s1, s30  }
0xbb: {  	s0 =	sor.u32 s3, s0;
	s1 =	sshll.u32 s1, $0x11  }
0xbc: {  	s0 =	sor.u32 s1, s0  }
0xbd: {  	s0 =	sadd.s32 $0x8F2B, s0  }
0xbe: {  	[sflag:s0] =	ssyncadd.remote.s32 $0x1  }
0xbf: {  	_ =	sfence.sel $0xFFFF  }
0xc0: {  	[dreg:$0x0] =	wrdreg $0xFFFFFFFF;
	(pc) =	sbr.abs _section_cstart, $3  }
0xc1: {  	[dreg:$0x1] =	wrdreg $0xFFFFFFFF  }
0xc2: {  	_ =	task.clear_ibuf [dreg:s7], $0x2FFFF;
	_ =	strace $0x9FFFFFFF  }
0xc3: {  	(tm) =	ssettm $0x7FFFFFFF  }
tec
execute0_lowered:
.L_overlay_start_1:
0x0: {  	(tag) =	ssettag $0x1  }
0x1: {  	s1 =	rddreg [dreg:$0x0]  }
0x2: {  	s7 =	rddreg [dreg:$0x1]  }
0x3: {  	s3 =	rddreg [dreg:$0x2]  }
0x4: {  	s0 =	rddreg [dreg:$0x3];
	s4 =	simm.s32 $0x0;
	s2 =	stileid.u32  }
0x5: {  	s5 =	srdreg.scid;
	s16 =	simm.s32 $0x4000;
	s17 =	simm.s32 $0x4400  }
0x6: {  	s18 =	simm.s32 $0x4080;
	s19 =	simm.s32 $0x6C00;
	s20 =	simm.s32 $0x1  }
0x7: {  	s21 =	simm.s32 $0x4100;
	s28 =	simm.s32 $0x4280;
	s29 =	simm.s32 $0x0  }
0x8: {  	[smem:$0x7FF] =	sst s4;
	s8 =	smul.u32 $0x13800, s2;
	s9 =	sand.u32 $0x1, s5  }
0x9: {  	s10 =	smul.u32 $0x4E000, s2;
	s12 =	sadd.s32 $0x87E00, s7;
	s24 =	sshll.u32 s2, $0x6  }
0xa: {  	s15 =	sadd.s32 $0x138000, s3;
	s25 =	sshll.u32 s2, $0xC;
	p0 =	sne.s32 s2, $0xF  }
0xb: {  	_ =	strace $0x8000004D;
	s5 =	sshll.u32 s9, $0xB;
	s23 =	ssub.s32 $0x2, s9  }
0xc: {  	s9 =	smul.u32 $0x138800, s9;
	s6 =	sshrl.u32 s8, $0x3;
	s11 =	sadd.s32 s5, s7  }
0xd: {  	s13 =	sshrl.u32 s23, $0x1;
	s10 =	sshrl.u32 s10, $0x2;
	s22 =	sadd.s32 s6, s7  }
0xe: {  	s13 =	ssub.s32 s23, s13;
	s14 =	sadd.s32 s10, s3;
	s6 =	sor.u32 $0x1C04, s24  }
0xf: {  	s7 =	sadd.s32 $0x39200, s7;
	s10 =	sadd.s32 s25, s11;
	s26 =	sadd.s32 s8, s9  }
0x10: {  	s9 =	sshrl.u32 s9, $0x3;
	s23 =	simm.s32 $0x4180;
	s24 =	simm.s32 $0x2  }
.Ltmp0:
0x11: {  	s25 =	simm.s32 $0x4200;
	s5 =	sadd.s32 $0x12200, s22;
	(pc) =	sbr.rel .LBB2_1-.Ltmp0, $4  }
0x12: {  	s8 =	sadd.s32 $0x2200, s10;
	s30 =	sshrl.u32 s26, $0x3;
	s31 =	sadd.s32 s12, s9  }
0x13: {  	s11 =	smax.u32 s13, $0x1;
	s13 =	simm.s32 $0x4;
	s22 =	simm.s32 $0x9400  }
0x14: {  	s26 =	simm.s32 $0x3;
	s9 =	sadd.s32 s12, s30;
	s10 =	sadd.s32 $0x27000, s31  }
0x15: {  	s12 =	sshrl.u32 s14, $0x3;
	s14 =	sshrl.u32 @!p0 s15, $0x3;
	s15 =	simm.s32 $0x50  }
.LBB2_6:
0x16: {  	[bflag:$0x0] =	sbarrier.arrive $0xFFFF  }
0x17: {  	[hbm:s9], [sflag:s6] =	dma.local [spmem:s12], $0x2700  }
0x18: {  	s29 =	sadd.s32 $0x1, s29;
	_ =	swait.ge [sflag:s13], $0x2700  }
0x19: {  	p1 =	sne.s32 s29, s11;
	[sflag:s13] =	ssyncset.done $0x0  }
.Ltmp1:
0x1a: {  	s30 =	simm.s32 @!p0 $0x4;
	[sflag:s13] =	ssyncadd.s32 $0xFFFFD900;
	(pc) =	sbr.rel @!p1 .LBB2_7-.Ltmp1, $4  }
0x1b: {  	[hbm:s10], [sflag:s6] =	dma.local @!p0 [spmem:s14], $0x100  }
0x1c: {  	_ =	swait.ge @!p0 [sflag:s30], $0x100  }
0x1d: {  	[sflag:s30] =	ssyncset.done @!p0 $0x0  }
0x1e: {  	[sflag:s30] =	ssyncadd.s32 @!p0 $0xFFFFFF00  }
.LBB2_1:
0x1f: {  	[spmem:s12], [sflag:s6] =	dma.local [hbm:s5], $0x2700  }
0x20: {  	_ =	swait.ge [sflag:s13], $0x2700  }
0x21: {  	[sflag:s13] =	ssyncset.done $0x0  }
0x22: {  	s30 =	simm.s32 @!p0 $0x4;
	[sflag:s13] =	ssyncadd.s32 $0xFFFFD900  }
0x23: {  	[spmem:s14], [sflag:s6] =	dma.local @!p0 [hbm:s7], $0x900  }
0x24: {  	_ =	swait.ge @!p0 [sflag:s30], $0x900  }
0x25: {  	[sflag:s30] =	ssyncset.done @!p0 $0x0  }
0x26: {  	[sflag:s30] =	ssyncadd.s32 @!p0 $0xFFFFF700  }
0x27: {  	[tilespmem:s4], [sflag:$0x4] =	stream.linear.gather [hbm4b:s8+s4], $0x3F00, $0x38;
	[tilespmem:$0x1F880] =	vst v63  }
0x28: {  	_ =	swait.ge [sflag:s13], $0x3F00  }
0x29: {  	[sflag:s13] =	ssyncset.done $0x0  }
0x2a: {  	[sflag:s13] =	ssyncadd.s32 $0xFFFFC100  }
0x2b: {  	[bflag:$0x0] =	sbarrier.arrive $0xFFFF  }
0x2c: {  	v0 =	vld [tilespmem:$0x0];
	_ =	sdelay $0x1  }
0x2d: {  	v1 =	vld [tilespmem:$0x10];
	_ =	sdelay $0x1  }
0x2e: {  	v2 =	vld [tilespmem:$0x20]  }
0x2f: {  	v3 =	vand.u32 $0xFFFF, v0  }
0x30: {  	v40 =	vld [tilespmem:$0x30];
	v0 =	vshrl.u32 v0, $0x10;
	[tilespmem:$0x4000] =	vst v3  }
0x31: {  	v41 =	vand.u32 $0xFFFF, v1;
	[tilespmem:$0x4180] =	vst v0  }
0x32: {  	v43 =	vld [tilespmem:$0x40];
	v42 =	vshrl.u32 v1, $0x10;
	[tilespmem:$0x4010] =	vst v41  }
0x33: {  	v44 =	vand.u32 $0xFFFF, v2;
	[tilespmem:$0x4190] =	vst v42  }
0x34: {  	v45 =	vshrl.u32 v2, $0x10;
	[tilespmem:$0x4020] =	vst v44  }
0x35: {  	v46 =	vand.u32 $0xFFFF, v40;
	[tilespmem:$0x41A0] =	vst v45  }
0x36: {  	v47 =	vshrl.u32 v40, $0x10;
	[tilespmem:$0x4030] =	vst v46  }
0x37: {  	v48 =	vand.u32 $0xFFFF, v43;
	[tilespmem:$0x41B0] =	vst v47  }
0x38: {  	v49 =	vshrl.u32 v43, $0x10;
	[tilespmem:$0x4040] =	vst v48  }
0x39: {  	[tilespmem:$0x41C0] =	vst v49  }
0x3a: {  	[tilespmem:s17], [sflag:$0x1] =	stream.indirect.gather [hbm4b:s1+s15], $0x80, s16, s15, $0xb8;
	[tilespmem:$0x1F880] =	vst v63  }
0x3b: {  	v50 =	vld [tilespmem:$0x80];
	_ =	sdelay $0x1  }
0x3c: {  	v51 =	vld [tilespmem:$0x90];
	_ =	sdelay $0x1  }
0x3d: {  	v52 =	vld [tilespmem:$0xA0]  }
0x3e: {  	v53 =	vand.u32 $0xFFFF, v50  }
0x3f: {  	v54 =	vld [tilespmem:$0xB0];
	v0 =	vshrl.u32 v50, $0x10;
	[tilespmem:$0x4080] =	vst v53  }
0x40: {  	v55 =	vand.u32 $0xFFFF, v51;
	[tilespmem:$0x4200] =	vst v0  }
0x41: {  	v57 =	vld [tilespmem:$0xC0];
	v56 =	vshrl.u32 v51, $0x10;
	[tilespmem:$0x4090] =	vst v55  }
0x42: {  	v58 =	vand.u32 $0xFFFF, v52;
	[tilespmem:$0x4210] =	vst v56  }
0x43: {  	v59 =	vshrl.u32 v52, $0x10;
	[tilespmem:$0x40A0] =	vst v58  }
0x44: {  	v60 =	vand.u32 $0xFFFF, v54;
	[tilespmem:$0x4220] =	vst v59  }
.Ltmp2:
0x45: {  	v61 =	vshrl.u32 v54, $0x10;
	[tilespmem:$0x40B0] =	vst v60;
	(pc) =	sbr.rel .LBB2_2-.Ltmp2, $4  }
0x46: {  	v62 =	vand.u32 $0xFFFF, v57;
	[tilespmem:$0x4230] =	vst v61  }
0x47: {  	v63 =	vshrl.u32 v57, $0x10;
	[tilespmem:$0x40C0] =	vst v62  }
0x48: {  	s30 =	simm.s32 $0x0;
	[tilespmem:$0x4240] =	vst v63  }
0x49: {  	[tilespmem:s19], [sflag:$0x2] =	stream.indirect.gather [hbm4b:s1+s15], $0x80, s18, s15, $0xb8;
	[tilespmem:$0x1F880] =	vst v63  }
.LBB2_4:
0x4a: {  	[spmem:s3] =	stream.indirect.scatter.add.f32 [tilespmem:s19], [sflag:$0x4], $0x80, s25, s15, $0xb8;
	[tilespmem:$0x1F880] =	vst v63  }
0x4b: {  	_ =	swait.ge [sflag:s13], $0x2800  }
0x4c: {  	[sflag:s13] =	ssyncset.done $0x0  }
0x4d: {  	[sflag:s13] =	ssyncadd.s32 $0xFFFFD800  }
0x4e: {  	_ =	swait.ge [sflag:s26], $0x2800  }
0x4f: {  	[sflag:s26] =	ssyncset.done $0x0  }
0x50: {  	[sflag:s26] =	ssyncadd.s32 $0xFFFFD800  }
.LBB2_5:
0x51: {  	s30 =	sadd.s32 $0x600, s30  }
0x52: {  	p1 =	sne.s32 s30, $0xFC00  }
.Ltmp3:
0x53: {  	_ = 	snop;
	(pc) =	sbr.rel @!p1 .LBB2_6-.Ltmp3, $4  }
0x54: {  	[spmem:s3] =	stream.indirect.scatter.add.f32 [tilespmem:s22], [sflag:$0x4], $0x80, s28, s15, $0xb8;
	[tilespmem:$0x1F880] =	vst v63  }
0x55: {  	_ =	swait.ge [sflag:s13], $0x2800  }
0x56: {  	[sflag:s13] =	ssyncset.done $0x0  }
0x57: {  	[sflag:s13] =	ssyncadd.s32 $0xFFFFD800  }
.LBB2_2:
0x58: {  	_ =	swait.ge [sflag:s20], $0x2800  }
0x59: {  	[sflag:s20] =	ssyncset.done $0x0  }
0x5a: {  	s31 =	sshra.s32 s30, $0x2;
	[sflag:s20] =	ssyncadd.s32 $0xFFFFD800  }
0x5b: {  	v0 =	vld [tilespmem:s31+$0x100];
	_ =	sdelay $0x4  }
0x5c: {  	v1 =	vand.u32 $0xFFFF, v0  }
0x5d: {  	v0 =	vshrl.u32 v0, $0x10;
	[tilespmem:$0x4100] =	vst v1  }
0x5e: {  	[tilespmem:$0x4280] =	vst v0  }
0x5f: {  	v0 =	vld [tilespmem:s31+$0x110];
	_ =	sdelay $0x4  }
0x60: {  	v60 =	vand.u32 $0xFFFF, v0  }
0x61: {  	v0 =	vshrl.u32 v0, $0x10;
	[tilespmem:$0x4110] =	vst v60  }
0x62: {  	[tilespmem:$0x4290] =	vst v0  }
0x63: {  	v0 =	vld [tilespmem:s31+$0x120];
	_ =	sdelay $0x4  }
0x64: {  	v61 =	vand.u32 $0xFFFF, v0  }
0x65: {  	v0 =	vshrl.u32 v0, $0x10;
	[tilespmem:$0x4120] =	vst v61  }
0x66: {  	[tilespmem:$0x42A0] =	vst v0  }
0x67: {  	v0 =	vld [tilespmem:s31+$0x130];
	_ =	sdelay $0x4  }
0x68: {  	v62 =	vand.u32 $0xFFFF, v0  }
0x69: {  	v0 =	vshrl.u32 v0, $0x10;
	[tilespmem:$0x4130] =	vst v62  }
0x6a: {  	[tilespmem:$0x42B0] =	vst v0  }
0x6b: {  	v0 =	vld [tilespmem:s31+$0x140];
	_ =	sdelay $0x4  }
0x6c: {  	v63 =	vand.u32 $0xFFFF, v0  }
0x6d: {  	v0 =	vshrl.u32 v0, $0x10;
	[tilespmem:$0x4140] =	vst v63  }
0x6e: {  	[tilespmem:$0x42C0] =	vst v0  }
0x6f: {  	[tilespmem:s22], [sflag:$0x3] =	stream.indirect.gather [hbm4b:s1+s15], $0x80, s21, s15, $0xb8;
	[tilespmem:$0x1F880] =	vst v63  }
0x70: {  	_ = 	snop  }
0x71: {  	[spmem:s3] =	stream.indirect.scatter.add.f32 [tilespmem:s17], [sflag:$0x4], $0x80, s23, s15, $0xb8;
	[tilespmem:$0x1F880] =	vst v63  }
0x72: {  	p1 =	seq.s32 s30, $0xF600;
	_ =	swait.ge [sflag:s13], $0x2800  }
.Ltmp4:
0x73: {  	[sflag:s13] =	ssyncset.done $0x0;
	(pc) =	sbr.rel @p1 .LBB2_4-.Ltmp4, $4  }
0x74: {  	[sflag:s13] =	ssyncadd.s32 $0xFFFFD800  }
0x75: {  	_ =	swait.ge [sflag:s24], $0x2800  }
0x76: {  	[sflag:s24] =	ssyncset.done $0x0  }
0x77: {  	[sflag:s24] =	ssyncadd.s32 $0xFFFFD800  }
0x78: {  	v0 =	vld [tilespmem:s31+$0x180];
	_ =	sdelay $0x4  }
0x79: {  	v1 =	vand.u32 $0xFFFF, v0  }
0x7a: {  	v0 =	vshrl.u32 v0, $0x10;
	[tilespmem:$0x4000] =	vst v1  }
0x7b: {  	[tilespmem:$0x4180] =	vst v0  }
0x7c: {  	v0 =	vld [tilespmem:s31+$0x190];
	_ =	sdelay $0x4  }
0x7d: {  	v54 =	vand.u32 $0xFFFF, v0  }
0x7e: {  	v0 =	vshrl.u32 v0, $0x10;
	[tilespmem:$0x4010] =	vst v54  }
0x7f: {  	[tilespmem:$0x4190] =	vst v0  }
0x80: {  	v0 =	vld [tilespmem:s31+$0x1A0];
	_ =	sdelay $0x4  }
0x81: {  	v55 =	vand.u32 $0xFFFF, v0  }
0x82: {  	v0 =	vshrl.u32 v0, $0x10;
	[tilespmem:$0x4020] =	vst v55  }
0x83: {  	[tilespmem:$0x41A0] =	vst v0  }
0x84: {  	v0 =	vld [tilespmem:s31+$0x1B0];
	_ =	sdelay $0x4  }
0x85: {  	v56 =	vand.u32 $0xFFFF, v0  }
0x86: {  	v0 =	vshrl.u32 v0, $0x10;
	[tilespmem:$0x4030] =	vst v56  }
0x87: {  	[tilespmem:$0x41B0] =	vst v0  }
0x88: {  	v0 =	vld [tilespmem:s31+$0x1C0];
	_ =	sdelay $0x4  }
0x89: {  	v57 =	vand.u32 $0xFFFF, v0  }
0x8a: {  	v0 =	vshrl.u32 v0, $0x10;
	[tilespmem:$0x4040] =	vst v57  }
0x8b: {  	[tilespmem:$0x41C0] =	vst v0  }
0x8c: {  	[tilespmem:s17], [sflag:$0x1] =	stream.indirect.gather [hbm4b:s1+s15], $0x80, s16, s15, $0xb8;
	[tilespmem:$0x1F880] =	vst v63  }
0x8d: {  	_ = 	snop  }
0x8e: {  	[spmem:s3] =	stream.indirect.scatter.add.f32 [tilespmem:s19], [sflag:$0x4], $0x80, s25, s15, $0xb8;
	[tilespmem:$0x1F880] =	vst v63  }
0x8f: {  	_ =	swait.ge [sflag:s13], $0x2800  }
0x90: {  	[sflag:s13] =	ssyncset.done $0x0  }
0x91: {  	[sflag:s13] =	ssyncadd.s32 $0xFFFFD800  }
0x92: {  	_ =	swait.ge [sflag:s26], $0x2800  }
0x93: {  	[sflag:s26] =	ssyncset.done $0x0  }
0x94: {  	[sflag:s26] =	ssyncadd.s32 $0xFFFFD800  }
0x95: {  	v58 =	vld [tilespmem:s31+$0x200];
	_ =	sdelay $0x4  }
0x96: {  	v59 =	vand.u32 $0xFFFF, v58  }
0x97: {  	v0 =	vshrl.u32 v58, $0x10;
	[tilespmem:$0x4080] =	vst v59  }
0x98: {  	[tilespmem:$0x4200] =	vst v0  }
0x99: {  	v0 =	vld [tilespmem:s31+$0x210];
	_ =	sdelay $0x4  }
0x9a: {  	v60 =	vand.u32 $0xFFFF, v0  }
0x9b: {  	v0 =	vshrl.u32 v0, $0x10;
	[tilespmem:$0x4090] =	vst v60  }
0x9c: {  	[tilespmem:$0x4210] =	vst v0  }
0x9d: {  	v0 =	vld [tilespmem:s31+$0x220];
	_ =	sdelay $0x4  }
0x9e: {  	v61 =	vand.u32 $0xFFFF, v0  }
0x9f: {  	v0 =	vshrl.u32 v0, $0x10;
	[tilespmem:$0x40A0] =	vst v61  }
0xa0: {  	[tilespmem:$0x4220] =	vst v0  }
0xa1: {  	v0 =	vld [tilespmem:s31+$0x230];
	_ =	sdelay $0x4  }
0xa2: {  	v62 =	vand.u32 $0xFFFF, v0  }
0xa3: {  	v0 =	vshrl.u32 v0, $0x10;
	[tilespmem:$0x40B0] =	vst v62  }
0xa4: {  	[tilespmem:$0x4230] =	vst v0  }
0xa5: {  	v0 =	vld [tilespmem:s31+$0x240];
	_ =	sdelay $0x3  }
.Ltmp5:
0xa6: {  	_ = 	snop;
	(pc) =	sbr.rel .LBB2_5-.Ltmp5, $4  }
0xa7: {  	v63 =	vand.u32 $0xFFFF, v0  }
0xa8: {  	v0 =	vshrl.u32 v0, $0x10;
	[tilespmem:$0x40C0] =	vst v63  }
0xa9: {  	[tilespmem:$0x4240] =	vst v0  }
0xaa: {  	[tilespmem:s19], [sflag:$0x2] =	stream.indirect.gather [hbm4b:s1+s15], $0x80, s18, s15, $0xb8;
	[tilespmem:$0x1F880] =	vst v63  }
.LBB2_7:
0xab: {  	_ =	sfence.sel $0x180000  }
0xac: {  	[bflag:$0x0] =	sbarrier.arrive $0xFFFF  }
0xad: {  	p0 =	sne.s32 s2, $0x0;
	_ =	strace $0x9000004D  }
0xae: {  	s0 =	sadd.s32 @!p0 $0x100000, s0;
	[bflag:$0x2] =	sbarrier.arrive $0xFFFF  }
0xaf: {  	[sflag:s0] =	ssyncadd.tile.s32 @!p0 $0x1;
	_ =	shalt  }
.Lfunc_end2:
_tile_overlayer_lowered:
.L_overlay_start_2:
0xb0: {  	(tag) =	ssettag $0x2  }
0xb1: {  	s0 =	rddreg [dreg:$0x0];
	s2 =	stileid.u32  }
0xb2: {  	s1 =	rddreg [dreg:$0x1];
	p0 =	sne.s32 s2, $0x0  }
0xb3: {  	s3 =	rddreg [dreg:$0x2];
	[bflag:$0x3] =	sbarrier.arrive $0xFFFF;
	s2 =	simm.s32 @!p0 $0x1C04  }
0xb4: {  	[timem:s3], [sflag:s2] =	dma.local @!p0 [hbm:s0], s1  }
0xb5: {  	s0 =	simm.s32 @!p0 $0x4  }
0xb6: {  	_ =	swait.ge @!p0 [sflag:s0], s1  }
0xb7: {  	s1 =	ssub.s32 @!p0 $0x0, s1;
	[sflag:s0] =	ssyncset.done @!p0 $0x0  }
0xb8: {  	[sflag:s0] =	ssyncadd.s32 @!p0 s1  }
0xb9: {  	[bflag:$0x3] =	sbarrier.arrive $0xFFFF  }
0xba: {  	_ =	shalt  }

// kernel: kernel.7.cloned.1.call-start
scs
__scs_entry_jumppad:
0x0: {  	(pc) =	sbr.rel $0x88, $3  }
0x1: {  	(tag) =	ssettag $0x0;
	lr =	simm.s32 $0x1  }
0x2: {  	[smem:$0x3F99] =	sst lr;
	_ =	strace $0xD0000000  }
0x3: {  	_ = 	snop  }
0x4: {  	_ = 	snop  }
0x5: {  	_ = 	snop  }
0x6: {  	_ = 	snop  }
0x7: {  	_ = 	snop  }
__scs_overlays_trampoline_lowered:
0x8: {  	[smem:$0x3FA8] =	sst s0  }
0x9: {  	[smem:$0x3FA9] =	sst s1  }
0xa: {  	[smem:$0x3FAA] =	sst s2  }
0xb: {  	[smem:$0x3FAB] =	sst s3  }
0xc: {  	[smem:$0x3FAC] =	sst s4  }
0xd: {  	[smem:$0x3FAD] =	sst s5  }
0xe: {  	[smem:$0x3FAE] =	sst s6  }
0xf: {  	[smem:$0x3FAF] =	sst s7  }
0x10: {  	[smem:$0x3FB0] =	sst s8  }
0x11: {  	[smem:$0x3FB1] =	sst s9;
	s0 =	simm.s32 @!p0 $0x0  }
0x12: {  	s1 =	sld [smem:$0x3F97];
	s0 =	simm.s32 @p0 $0x1  }
0x13: {  	[smem:$0x3FB2] =	sst s0;
	s0 =	simm.s32 @!p1 $0x0  }
0x14: {  	s2 =	sld [smem:$0x3F96];
	s0 =	simm.s32 @p1 $0x1  }
0x15: {  	[smem:$0x3FB3] =	sst s0;
	s0 =	simm.s32 @!p2 $0x0  }
0x16: {  	s3 =	sld [smem:$0x3FDB];
	s0 =	simm.s32 @p2 $0x1  }
0x17: {  	s4 =	simm.s32 $0x1BF5;
	[smem:$0x3FB5] =	sst s0  }
0x18: {  	s0 =	sld [smem:$0x3F98];
	_ =	swait.ge [sflag:s4], $0x0  }
0x19: {  	s7 =	sld [smem:$0x3F99]  }
0x1a: {  	s8 =	sadd.s32 $0xFFFFE003, lr  }
0x1b: {  	s9 =	sadd.s32 $0xFFFFFEF7, lr;
	s5 =	simm.s32 $0xFFFFFFFF;
	p2 =	slt.u32 s8, $0xFFFFF086  }
0x1c: {  	p1 =	slt.u32 s9, $0xF7A;
	s5 =	simm.s32 @!p2 $0x0  }
0x1d: {  	s5 =	simm.s32 @p1 $0x1;
	p0 =	seq.s32 s7, s2  }
0x1e: {  	s7 =	smul.u32 @!p0 $0xF7A, s2;
	p2 =	seq.s32 @!p0 s5, $0x0  }
0x1f: {  	s9 =	smul.u32 $0xF7A, s1;
	s8 =	simm.s32 @!p0 $0x1BF5;
	p2 =	por !p2, p0  }
0x20: {  	[sflag:s8] =	ssyncset.s32 @!p0 $0xFFFFF086;
	s6 =	sadd.s32 @!p0 s3, s7;
	s7 =	simm.s32 @!p0 $0x108  }
0x21: {  	s3 =	sadd.s32 s3, s9;
	s6 =	sadd.s32 @!p0 $0x88, s6;
	s7 =	simm.s32 @p2 $0x1082  }
0x22: {  	[simem:s7], [sflag:s8] =	dma.local @!p0 [hbm:s6], $0xF7A  }
0x23: {  	s9 =	sor.u32 $0xD0000000, s2;
	s6 =	simm.s32 $0x108;
	_ =	swait.ge @!p0 [sflag:s8], $0x0  }
0x24: {  	s3 =	sadd.s32 $0x88, s3;
	s6 =	simm.s32 @!p1 $0x1082;
	[sflag:s4] =	ssyncset.s32 $0xFFFFF086  }
0x25: {  	[simem:s6], [sflag:s4] =	dma.local [hbm:s3], $0xF7A  }
0x26: {  	[smem:$0x3F99] =	sst s1;
	(tag) =	ssettag s2;
	_ =	strace s9  }
0x27: {  	s1 =	sld [smem:$0x3FA9]  }
0x28: {  	s2 =	sld [smem:$0x3FAA]  }
0x29: {  	s4 =	sld [smem:$0x3FAC]  }
0x2a: {  	p0 =	seq.s32 s5, $0x0;
	s5 =	sld [smem:$0x3FAD]  }
0x2b: {  	s6 =	sld [smem:$0x3FAE]  }
0x2c: {  	s7 =	sld [smem:$0x3FAF]  }
0x2d: {  	s3 =	simm.s32 $0x108;
	s8 =	sld [smem:$0x3FB0]  }
0x2e: {  	s3 =	simm.s32 @!p0 $0x1082;
	s9 =	sld [smem:$0x3FB1]  }
0x2f: {  	lr =	sadd.s32 s0, s3;
	s0 =	sld [smem:$0x3FA8]  }
0x30: {  	s3 =	sld [smem:$0x3FAB]  }
0x31: {  	[smem:$0x3FB4] =	sst s10  }
0x32: {  	s10 =	sld [smem:$0x3FB2];
	_ =	sdelay $0x3  }
0x33: {  	p0 =	seq.s32 s10, $0x1;
	s10 =	sld [smem:$0x3FB4];
	_ =	sdelay $0x3  }
0x34: {  	[smem:$0x3FB4] =	sst s10  }
0x35: {  	s10 =	sld [smem:$0x3FB3];
	_ =	sdelay $0x3  }
0x36: {  	p1 =	seq.s32 s10, $0x1;
	s10 =	sld [smem:$0x3FB4];
	_ =	sdelay $0x3  }
0x37: {  	[smem:$0x3FB4] =	sst s10  }
0x38: {  	s10 =	sld [smem:$0x3FB5]  }
0x39: {  	_ = 	snop;
	(pc) =	sbr.ind lr, $3  }
0x3a: {  	_ = 	snop  }
0x3b: {  	_ = 	snop  }
0x3c: {  	p2 =	seq.s32 s10, $0x1;
	s10 =	sld [smem:$0x3FB4]  }
0x3d: {  	_ =	shalt  }
0x3e: {  	_ =	shalt  }
0x3f: {  	_ =	shalt  }
0x40: {  	_ =	shalt  }
0x41: {  	_ =	shalt  }
0x42: {  	_ =	shalt  }
0x43: {  	_ =	shalt  }
0x44: {  	_ =	shalt  }
0x45: {  	_ =	shalt  }
0x46: {  	_ =	shalt  }
0x47: {  	_ =	shalt  }
0x48: {  	_ =	shalt  }
0x49: {  	_ =	shalt  }
0x4a: {  	_ =	shalt  }
0x4b: {  	_ =	shalt  }
0x4c: {  	_ =	shalt  }
0x4d: {  	_ =	shalt  }
0x4e: {  	_ =	shalt  }
0x4f: {  	_ =	shalt  }
0x50: {  	_ =	shalt  }
0x51: {  	_ =	shalt  }
0x52: {  	_ =	shalt  }
0x53: {  	_ =	shalt  }
0x54: {  	_ =	shalt  }
0x55: {  	_ =	shalt  }
0x56: {  	_ =	shalt  }
0x57: {  	_ =	shalt  }
0x58: {  	_ =	shalt  }
0x59: {  	_ =	shalt  }
0x5a: {  	_ =	shalt  }
0x5b: {  	_ =	shalt  }
0x5c: {  	_ =	shalt  }
0x5d: {  	_ =	shalt  }
0x5e: {  	_ =	shalt  }
0x5f: {  	_ =	shalt  }
0x60: {  	_ =	shalt  }
0x61: {  	_ =	shalt  }
0x62: {  	_ =	shalt  }
0x63: {  	_ =	shalt  }
0x64: {  	_ =	shalt  }
0x65: {  	_ =	shalt  }
0x66: {  	_ =	shalt  }
0x67: {  	_ =	shalt  }
0x68: {  	_ =	shalt  }
0x69: {  	_ =	shalt  }
0x6a: {  	_ =	shalt  }
0x6b: {  	_ =	shalt  }
0x6c: {  	_ =	shalt  }
0x6d: {  	_ =	shalt  }
0x6e: {  	_ =	shalt  }
0x6f: {  	_ =	shalt  }
0x70: {  	_ =	shalt  }
0x71: {  	_ =	shalt  }
0x72: {  	_ =	shalt  }
0x73: {  	_ =	shalt  }
0x74: {  	_ =	shalt  }
0x75: {  	_ =	shalt  }
0x76: {  	_ =	shalt  }
0x77: {  	_ =	shalt  }
0x78: {  	_ =	shalt  }
0x79: {  	_ =	shalt  }
0x7a: {  	_ =	shalt  }
0x7b: {  	_ =	shalt  }
0x7c: {  	_ =	shalt  }
0x7d: {  	_ =	shalt  }
0x7e: {  	_ =	shalt  }
0x7f: {  	_ =	shalt  }
0x80: {  	_ =	shalt  }
0x81: {  	_ =	shalt  }
0x82: {  	_ =	shalt  }
0x83: {  	_ =	shalt  }
0x84: {  	_ =	shalt  }
0x85: {  	_ =	shalt  }
0x86: {  	_ =	shalt  }
0x87: {  	_ =	shalt  }
.Lfunc_end0:
.L_simem_size_0:
called_computation_lowered:
.L_overlay_start_0:
0x88: {  	s2 =	sld [smem:$0x3FD9]  }
0x89: {  	s3 =	sld [smem:$0x3FFE];
	_ =	sdelay $0x1  }
0x8a: {  	s1 =	srdreg.scid  }
0x8b: {  	s0 =	sand.u32 $0x1, s1  }
0x8c: {  	s17 =	sshll.u32 s0, $0xA;
	s2 =	sadd.s32 s3, s2  }
0x8d: {  	s2 =	sadd.s32 s2, s17  }
0x8e: {  	[smem:$0x3FC0] =	sst s2  }
0x8f: {  	_ = 	snop  }
0x90: {  	s2 =	sld [smem:$0x3FD0];
	(tm) =	ssettm $0x1  }
0x91: {  	s18 =	sld [smem:$0x3FFB];
	_ =	sdelay $0x3  }
0x92: {  	_ =	strace s18  }
0x93: {  	s3 =	sld [smem:$0x3FFC];
	_ =	sdelay $0x3  }
0x94: {  	_ =	strace s3  }
0x95: {  	s3 =	sld [smem:$0x3FFD];
	_ =	sdelay $0x3  }
0x96: {  	_ =	strace s3  }
0x97: {  	_ =	strace $0x8FFFFFFF  }
0x98: {  	s19 =	sld [smem:$0x3FDB];
	_ =	sdelay $0x1  }
0x99: {  	s4 =	simm.s32 $_scs_section_size  }
0x9a: {  	s5 =	simm.s32 $_size__tile_overlayer_lowered;
	s6 =	simm.s32 $_tile_overlayer_lowered  }
0x9b: {  	s22 =	simm.s32 $0x1BFF;
	s21 =	sshll.u32 s6, $0x1;
	s3 =	sadd.s32 s4, s19  }
0x9c: {  	s7 =	simm.s32 $0x0;
	s20 =	sshll.u32 s5, $0x1;
	s5 =	sadd.s32 s21, s3  }
0x9d: {  	[timem:s7], [sflag:s22] =	dma.local [hbm:s5], s20  }
0x9e: {  	_ =	swait.ge [sflag:s22], s20  }
0x9f: {  	s4 =	ssub.s32 $0x0, s20;
	[sflag:s22] =	ssyncset.done $0x0  }
0xa0: {  	[sflag:s22] =	ssyncadd.s32 s4;
	_ =	sdelay $0x1  }
0xa1: {  	s23 =	simm.s32 $0x1B8B  }
0xa2: {  	_ =	swait.ge [sflag:s23], $0x1  }
0xa3: {  	[sflag:s23] =	ssyncset.done $0x0  }
0xa4: {  	s25 =	simm.s32 $0x1B8E;
	s24 =	sld [smem:$0x3FFE];
	[sflag:s23] =	ssyncadd.s32 $0xFFFFFFFF  }
0xa5: {  	s26 =	simm.s32 $execute0_lowered;
	[smem:$0x3FD2] =	sst s25  }
0xa6: {  	s5 =	sshll.u32 s26, $0x1;
	_ =	strace $0x80000046;
	[dreg:$0x1] =	wrdreg $0xFFFFFFFF  }
0xa7: {  	s28 =	simm.s32 $_size_execute0_lowered;
	s3 =	sadd.s32 s3, s5;
	[dreg:$0x0] =	wrdreg $0x0  }
0xa8: {  	s5 =	sshll.u32 s28, $0x1;
	[dreg:$0x2] =	wrdreg s3  }
0xa9: {  	[dreg:$0x3] =	wrdreg s5  }
0xaa: {  	[dreg:$0x4] =	wrdreg $0xC0  }
0xab: {  	_ =	task [dreg:s7], $0x5FFFF  }
0xac: {  	[dreg:$0x1] =	wrdreg $0xFFFFFFFF  }
0xad: {  	[dreg:$0x0] =	wrdreg $0x60  }
0xae: {  	[dreg:$0x2] =	wrdreg s24  }
0xaf: {  	[dreg:$0x3] =	wrdreg s2  }
0xb0: {  	[dreg:$0x4] =	wrdreg $0x6A000  }
0xb1: {  	[dreg:$0x5] =	wrdreg $0x9  }
0xb2: {  	_ =	task.clear_ibuf [dreg:s7], $0x6FFFF;
	_ =	strace $0x90000046  }
0xb3: {  	s29 =	simm.s32 $0x9;
	_ =	strace $0x80000048  }
0xb4: {  	_ =	swait.ge [sflag:s29], $0x1  }
0xb5: {  	[sflag:s29] =	ssyncadd.s32 $0xFFFFFFFF  }
0xb6: {  	_ =	strace $0x90000048  }
0xb7: {  	_ =	sfence  }
0xb8: {  	s30 =	sld [smem:$0x0];
	_ =	sdelay $0x2  }
0xb9: {  	s31 =	sshll.u32 s1, $0xD;
	s1 =	sshrl.u32 s1, $0x2  }
0xba: {  	s3 =	sand.u32 $0x4000, s31;
	s1 =	sadd.s32 s1, s30  }
0xbb: {  	s0 =	sor.u32 s3, s0;
	s1 =	sshll.u32 s1, $0x11  }
0xbc: {  	s0 =	sor.u32 s1, s0  }
0xbd: {  	s0 =	sadd.s32 $0x8F2B, s0  }
0xbe: {  	[sflag:s0] =	ssyncadd.remote.s32 $0x1  }
0xbf: {  	_ =	sfence.sel $0xFFFF  }
0xc0: {  	[dreg:$0x0] =	wrdreg $0xFFFFFFFF;
	(pc) =	sbr.abs _section_cstart, $3  }
0xc1: {  	[dreg:$0x1] =	wrdreg $0xFFFFFFFF  }
0xc2: {  	_ =	task.clear_ibuf [dreg:s7], $0x2FFFF;
	_ =	strace $0x9FFFFFFF  }
0xc3: {  	(tm) =	ssettm $0x7FFFFFFF  }
tec
execute0_lowered:
.L_overlay_start_1:
0x0: {  	(tag) =	ssettag $0x1  }
0x1: {  	s7 =	rddreg [dreg:$0x0]  }
0x2: {  	s1 =	rddreg [dreg:$0x1]  }
0x3: {  	s3 =	rddreg [dreg:$0x2]  }
0x4: {  	s0 =	rddreg [dreg:$0x3]  }
0x5: {  	s4 =	simm.s32 $0x0;
	s5 =	srdreg.scid;
	s2 =	stileid.u32  }
0x6: {  	s16 =	simm.s32 $0x50;
	s17 =	simm.s32 $0x4080;
	s18 =	simm.s32 $0x0  }
0x7: {  	[smem:$0x7FF] =	sst s4;
	s6 =	sand.u32 $0x1, s5;
	s8 =	smul.u32 $0x13800, s2  }
0x8: {  	s9 =	smul.u32 $0x4E000, s2;
	s13 =	sadd.s32 $0x39C00, s7;
	s29 =	sshll.u32 s2, $0x6  }
0x9: {  	s15 =	sadd.s32 $0x138000, s3;
	s30 =	sshll.u32 s2, $0xC;
	p0 =	sne.s32 s2, $0xF  }
0xa: {  	_ =	strace $0x80000047;
	s5 =	sshll.u32 s6, $0xB;
	s11 =	ssub.s32 $0x2, s6  }
0xb: {  	s14 =	smul.u32 $0x138800, s6;
	s6 =	sor.u32 $0x1C01, s29;
	s10 =	sadd.s32 s5, s7  }
0xc: {  	s26 =	sshrl.u32 s8, $0x3;
	s12 =	sshrl.u32 s11, $0x1;
	s9 =	sshrl.u32 s9, $0x2  }
0xd: {  	s5 =	sadd.s32 s26, s7;
	s11 =	ssub.s32 s11, s12;
	s28 =	sadd.s32 s9, s3  }
0xe: {  	s7 =	sadd.s32 $0x39200, s7;
	s8 =	sadd.s32 s8, s14;
	s14 =	sshrl.u32 s14, $0x3  }
0xf: {  	s9 =	sadd.s32 s30, s10;
	s5 =	sadd.s32 $0x12200, s5;
	s31 =	sshrl.u32 s8, $0x3  }
0x10: {  	s14 =	sadd.s32 s13, s14;
	s8 =	sadd.s32 $0x2200, s9;
	s11 =	smax.u32 s11, $0x1  }
0x11: {  	s12 =	sshrl.u32 s28, $0x3;
	s9 =	sadd.s32 s13, s31;
	s10 =	sadd.s32 $0x27000, s14  }
0x12: {  	s13 =	simm.s32 $0x1;
	s14 =	sshrl.u32 @!p0 s15, $0x3;
	s15 =	simm.s32 $0x4200  }
.LBB2_1:
0x13: {  	[spmem:s12], [sflag:s6] =	dma.local [hbm:s5], $0x2700  }
0x14: {  	_ =	swait.ge [sflag:s13], $0x2700  }
0x15: {  	[sflag:s13] =	ssyncset.done $0x0  }
0x16: {  	s19 =	simm.s32 @!p0 $0x1;
	[sflag:s13] =	ssyncadd.s32 $0xFFFFD900  }
0x17: {  	[spmem:s14], [sflag:s6] =	dma.local @!p0 [hbm:s7], $0x900  }
0x18: {  	_ =	swait.ge @!p0 [sflag:s19], $0x900  }
0x19: {  	[sflag:s19] =	ssyncset.done @!p0 $0x0  }
0x1a: {  	[sflag:s19] =	ssyncadd.s32 @!p0 $0xFFFFF700  }
0x1b: {  	[tilespmem:s15], [sflag:$0x1] =	stream.linear.gather [hbm4b:s1+s4], $0x2800, $0x38;
	[tilespmem:$0x1A680] =	vst v63  }
0x1c: {  	_ =	swait.ge [sflag:s13], $0x2800  }
0x1d: {  	[sflag:s13] =	ssyncset.done $0x0  }
0x1e: {  	[sflag:s13] =	ssyncadd.s32 $0xFFFFD800  }
0x1f: {  	[tilespmem:s4], [sflag:$0x1] =	stream.linear.gather [hbm4b:s8+s4], $0x3F00, $0x38;
	[tilespmem:$0x1A680] =	vst v63  }
0x20: {  	_ =	swait.ge [sflag:s13], $0x3F00  }
0x21: {  	[sflag:s13] =	ssyncset.done $0x0  }
0x22: {  	[sflag:s13] =	ssyncadd.s32 $0xFFFFC100  }
0x23: {  	s31 =	simm.s32 $0x0;
	[bflag:$0x0] =	sbarrier.arrive $0xFFFF  }
0x24: {  	v0 =	vld [tilespmem:s31+$0x0];
	_ =	sdelay $0x4  }
0x25: {  	v1 =	vand.u32 $0xFFFF, v0  }
0x26: {  	v0 =	vshrl.u32 v0, $0x10;
	[tilespmem:$0x4000] =	vst v1  }
0x27: {  	[tilespmem:$0x4080] =	vst v0  }
0x28: {  	v0 =	vld [tilespmem:s31+$0x10];
	_ =	sdelay $0x4  }
0x29: {  	v1 =	vand.u32 $0xFFFF, v0  }
0x2a: {  	v0 =	vshrl.u32 v0, $0x10;
	[tilespmem:$0x4010] =	vst v1  }
0x2b: {  	[tilespmem:$0x4090] =	vst v0  }
0x2c: {  	v0 =	vld [tilespmem:s31+$0x20];
	_ =	sdelay $0x4  }
0x2d: {  	v1 =	vand.u32 $0xFFFF, v0  }
0x2e: {  	v0 =	vshrl.u32 v0, $0x10;
	[tilespmem:$0x4020] =	vst v1  }
0x2f: {  	[tilespmem:$0x40A0] =	vst v0  }
0x30: {  	v0 =	vld [tilespmem:s31+$0x30];
	_ =	sdelay $0x4  }
0x31: {  	v1 =	vand.u32 $0xFFFF, v0  }
0x32: {  	v0 =	vshrl.u32 v0, $0x10;
	[tilespmem:$0x4030] =	vst v1  }
0x33: {  	[tilespmem:$0x40B0] =	vst v0  }
0x34: {  	v0 =	vld [tilespmem:s31+$0x40];
	_ =	sdelay $0x4  }
0x35: {  	s19 =	simm.s32 $0x200;
	v1 =	vand.u32 $0xFFFF, v0;
	v0 =	vshrl.u32 v0, $0x10  }
.LBB2_2:
0x36: {  	p1 =	sne.s32 s19, $0xFA00;
	[tilespmem:$0x4040] =	vst v1;
	s20 =	smov.u32 s19;
	s19 =	sadd.s32 $0x200, s19  }
0x37: {  	[tilespmem:$0x40C0] =	vst v0  }
0x38: {  	[spmem:s3] =	stream.indirect.scatter.add.f32 [tilespmem:s15], [sflag:$0x1], $0x80, s17, s16, $0xb8;
	[tilespmem:$0x1A680] =	vst v63  }
0x39: {  	_ =	swait.ge [sflag:s13], $0x2800  }
0x3a: {  	[sflag:s13] =	ssyncset.done $0x0  }
0x3b: {  	s20 =	sshra.s32 s20, $0x2;
	[sflag:s13] =	ssyncadd.s32 $0xFFFFD800  }
0x3c: {  	v0 =	vld [tilespmem:s20+$0x0];
	_ =	sdelay $0x4  }
0x3d: {  	v1 =	vand.u32 $0xFFFF, v0;
	v0 =	vshrl.u32 v0, $0x10  }
0x3e: {  	[tilespmem:$0x4000] =	vst v1  }
0x3f: {  	[tilespmem:$0x4080] =	vst v0  }
0x40: {  	v0 =	vld [tilespmem:s20+$0x10];
	_ =	sdelay $0x4  }
0x41: {  	v1 =	vand.u32 $0xFFFF, v0;
	v0 =	vshrl.u32 v0, $0x10  }
0x42: {  	[tilespmem:$0x4010] =	vst v1  }
0x43: {  	[tilespmem:$0x4090] =	vst v0  }
0x44: {  	v0 =	vld [tilespmem:s20+$0x20];
	_ =	sdelay $0x4  }
0x45: {  	v1 =	vand.u32 $0xFFFF, v0;
	v0 =	vshrl.u32 v0, $0x10  }
0x46: {  	[tilespmem:$0x4020] =	vst v1  }
0x47: {  	[tilespmem:$0x40A0] =	vst v0  }
0x48: {  	v0 =	vld [tilespmem:s20+$0x30];
	_ =	sdelay $0x4  }
0x49: {  	v1 =	vand.u32 $0xFFFF, v0;
	v0 =	vshrl.u32 v0, $0x10  }
0x4a: {  	[tilespmem:$0x4030] =	vst v1  }
0x4b: {  	[tilespmem:$0x40B0] =	vst v0  }
0x4c: {  	v0 =	vld [tilespmem:s20+$0x40]  }
.Ltmp0:
0x4d: {  	(pc) =	sbr.rel @p1 .LBB2_2-.Ltmp0, $2  }
0x4e: {  	_ =	sdelay $0x2  }
0x4f: {  	v1 =	vand.u32 $0xFFFF, v0;
	v0 =	vshrl.u32 v0, $0x10  }
0x50: {  	[tilespmem:$0x4040] =	vst v1  }
0x51: {  	[tilespmem:$0x40C0] =	vst v0  }
0x52: {  	[spmem:s3] =	stream.indirect.scatter.add.f32 [tilespmem:s15], [sflag:$0x1], $0x80, s17, s16, $0xb8;
	[tilespmem:$0x1A680] =	vst v63  }
0x53: {  	_ =	swait.ge [sflag:s13], $0x2800  }
0x54: {  	[sflag:s13] =	ssyncset.done $0x0  }
0x55: {  	[sflag:s13] =	ssyncadd.s32 $0xFFFFD800  }
0x56: {  	[bflag:$0x0] =	sbarrier.arrive $0xFFFF  }
0x57: {  	[hbm:s9], [sflag:s6] =	dma.local [spmem:s12], $0x2700  }
0x58: {  	s18 =	sadd.s32 $0x1, s18;
	_ =	swait.ge [sflag:s13], $0x2700  }
0x59: {  	p1 =	sne.s32 s18, s11;
	[sflag:s13] =	ssyncset.done $0x0  }
.Ltmp1:
0x5a: {  	s19 =	simm.s32 @!p0 $0x1;
	[sflag:s13] =	ssyncadd.s32 $0xFFFFD900;
	(pc) =	sbr.rel @p1 .LBB2_1-.Ltmp1, $4  }
0x5b: {  	[hbm:s10], [sflag:s6] =	dma.local @!p0 [spmem:s14], $0x100  }
0x5c: {  	_ =	swait.ge @!p0 [sflag:s19], $0x100  }
0x5d: {  	[sflag:s19] =	ssyncset.done @!p0 $0x0  }
0x5e: {  	[sflag:s19] =	ssyncadd.s32 @!p0 $0xFFFFFF00  }
0x5f: {  	_ =	sfence.sel $0x180000  }
0x60: {  	[bflag:$0x0] =	sbarrier.arrive $0xFFFF  }
0x61: {  	p0 =	sne.s32 s2, $0x0;
	_ =	strace $0x90000047  }
0x62: {  	s0 =	sadd.s32 @!p0 $0x100000, s0;
	[bflag:$0x2] =	sbarrier.arrive $0xFFFF  }
0x63: {  	[sflag:s0] =	ssyncadd.tile.s32 @!p0 $0x1;
	_ =	shalt  }
.Lfunc_end2:
_tile_overlayer_lowered:
.L_overlay_start_2:
0x64: {  	(tag) =	ssettag $0x2  }
0x65: {  	s0 =	rddreg [dreg:$0x0];
	s2 =	stileid.u32  }
0x66: {  	s1 =	rddreg [dreg:$0x1];
	p0 =	sne.s32 s2, $0x0  }
0x67: {  	s3 =	rddreg [dreg:$0x2];
	[bflag:$0x3] =	sbarrier.arrive $0xFFFF;
	s2 =	simm.s32 @!p0 $0x1C01  }
0x68: {  	[timem:s3], [sflag:s2] =	dma.local @!p0 [hbm:s0], s1  }
0x69: {  	s0 =	simm.s32 @!p0 $0x1  }
0x6a: {  	_ =	swait.ge @!p0 [sflag:s0], s1  }
0x6b: {  	s1 =	ssub.s32 @!p0 $0x0, s1;
	[sflag:s0] =	ssyncset.done @!p0 $0x0  }
0x6c: {  	[sflag:s0] =	ssyncadd.s32 @!p0 s1  }
0x6d: {  	[bflag:$0x3] =	sbarrier.arrive $0xFFFF  }
0x6e: {  	_ =	shalt  }

</sc_bundles>
